<compile_context>
chip_gen: v7x
topology: tpu7x:2x2x1
jax: 0.10.2.dev20260603
libtpu: 0.0.44.dev20260713+nightly
codegen_flags: <defaults>
</compile_context>

<pallas_src>
import functools

import jax
import jax.numpy as jnp
from jax import lax
from jax.experimental import pallas as pl
from jax.experimental.pallas import tpu as pltpu
from jax.experimental.pallas import tpu_sc as plsc

_N_ROWS = 65536
_W = 512
_N_SLABS = 128
_SC_SLABS = 96
_N_WORKERS = 32
_SC_ROWS = _SC_SLABS * 512
_ROWS_PER_W = _SC_ROWS // _N_WORKERS
_CHUNK = 16
_N_CHUNKS = _ROWS_PER_W // _CHUNK
_NBUF = 8
_OUT_ROWS_PER_W = _ROWS_PER_W * 16 // 128
_MAGIC = 12582912.0


def _sc_kernel(x_hbm, g_hbm, out_hbm, g_v, stage0_v, stage1_v, stage2_v,
               stage3_v, stage4_v, stage5_v, stage6_v, stage7_v, out_v, sems):
    stage = (stage0_v, stage1_v, stage2_v, stage3_v, stage4_v, stage5_v,
             stage6_v, stage7_v)
    wid = lax.axis_index("s") * 2 + lax.axis_index("c")
    row_base = wid * _ROWS_PER_W

    pltpu.sync_copy(g_hbm, g_v)
    g = g_v[...]
    t = (g + 1.0) * ((_W - 1) / 2.0)
    r = (t + _MAGIC) - _MAGIC
    idx = r.astype(jnp.int32)
    idx = jnp.minimum(jnp.maximum(idx, 0), _W - 1)

    k_iota = lax.iota(jnp.int32, 16)
    row_off = (k_iota >> 1) * 8 + (k_iota & 1)

    def start_fetch(c, b):
        pltpu.async_copy(
            x_hbm.at[pl.ds(row_base + c * _CHUNK, _CHUNK), :],
            stage[b],
            sems.at[b],
        )

    def wait_fetch(c, b):
        pltpu.make_async_copy(
            x_hbm.at[pl.ds(row_base + c * _CHUNK, _CHUNK), :],
            stage[b],
            sems.at[b],
        ).wait()

    for b in range(_NBUF):
        start_fetch(b, b)

    @pl.loop(0, _N_CHUNKS, step=_NBUF)
    def chunk_group(c0):
        for b in range(_NBUF):
            c = c0 + b
            wait_fetch(c, b)
            cps = 512 // _CHUNK
            slab = c // cps
            r_chunk = (c % cps) * _CHUNK

            def row_body(j, _):
                rows = jax.lax.broadcast(j, (16,))
                vals = plsc.load_gather(stage[b], [rows, idx])
                rr = r_chunk + j
                out_row0 = slab * 64 + (rr >> 7) * 2
                out_rows = jax.lax.broadcast(out_row0, (16,)) + row_off
                out_lanes = jax.lax.broadcast(rr & 127, (16,))
                plsc.store_scatter(out_v, [out_rows, out_lanes], vals)
                return _

            lax.fori_loop(0, _CHUNK, row_body, None, unroll=8)

            @pl.when(c + _NBUF < _N_CHUNKS)
            def _():
                start_fetch(c + _NBUF, b)

    pltpu.sync_copy(
        out_v, out_hbm.at[pl.ds(wid * _OUT_ROWS_PER_W, _OUT_ROWS_PER_W), :]
    )


def _sc_gather(x2, gflat):
    mesh = plsc.VectorSubcoreMesh(core_axis_name="c", subcore_axis_name="s")
    run = functools.partial(
        pl.kernel,
        mesh=mesh,
        compiler_params=pltpu.CompilerParams(needs_layout_passes=False),
        out_type=jax.ShapeDtypeStruct((_SC_ROWS * 16 // 128, 128), jnp.float32),
        scratch_types=[
            pltpu.VMEM((16,), jnp.float32),
            pltpu.VMEM((_CHUNK, _W), jnp.float32),
            pltpu.VMEM((_CHUNK, _W), jnp.float32),
            pltpu.VMEM((_CHUNK, _W), jnp.float32),
            pltpu.VMEM((_CHUNK, _W), jnp.float32),
            pltpu.VMEM((_CHUNK, _W), jnp.float32),
            pltpu.VMEM((_CHUNK, _W), jnp.float32),
            pltpu.VMEM((_CHUNK, _W), jnp.float32),
            pltpu.VMEM((_CHUNK, _W), jnp.float32),
            pltpu.VMEM((_OUT_ROWS_PER_W, 128), jnp.float32),
            pltpu.SemaphoreType.DMA((_NBUF,)),
        ],
    )(_sc_kernel)
    return run(x2, gflat)


def _tc_kernel(grid_ref, x_ref, out_ref):
    g = grid_ref[0:1, :]
    gi = jnp.round((g + 1.0) * (_W - 1) / 2.0).astype(jnp.int32)
    gi = jnp.clip(gi, 0, _W - 1)
    lane = jax.lax.broadcasted_iota(jnp.int32, (_W, 16), 0)
    onehot = (lane == jnp.broadcast_to(gi, (_W, 16))).astype(jnp.float32)
    yt = jax.lax.dot_general(
        onehot, x_ref[...], (((0,), (1,)), ((), ())),
        preferred_element_type=jnp.float32,
        precision=jax.lax.Precision.HIGHEST,
    )
    for rt in range(4):
        for k in range(16):
            row = (k >> 1) * 8 + rt * 2 + (k & 1)
            out_ref[row:row + 1, :] = yt[k:k + 1, rt * 128:(rt + 1) * 128]


def _tc_gather(x2, grid):
    n_tc_slabs = _N_SLABS - _SC_SLABS
    g2d = jnp.broadcast_to(grid.reshape(1, -1), (8, grid.size))
    return pl.pallas_call(
        _tc_kernel,
        grid=(n_tc_slabs,),
        in_specs=[
            pl.BlockSpec((8, 16), lambda s: (0, 0)),
            pl.BlockSpec((512, _W), lambda s: (_SC_SLABS + s, 0)),
        ],
        out_specs=pl.BlockSpec((64, 128), lambda s: (s, 0)),
        out_shape=jax.ShapeDtypeStruct((n_tc_slabs * 64, 128), jnp.float32),
    )(g2d, x2)


def kernel(x, grid):
    b, c, r, w = x.shape
    x2 = x.reshape(b * c * r, w)
    gflat = grid.reshape(grid.size)

    sc_out = _sc_gather(x2, gflat)
    tc_out = _tc_gather(x2, grid)
    out = jnp.concatenate([sc_out, tc_out], axis=0)

    out6 = (
        out.reshape(b, c, 8, 4, 2, 128)
        .transpose(0, 1, 3, 5, 2, 4)
        .reshape(b, c, r, 8, 1, 2)
    )
    return out6

# --- scband reference (transcript-rebuilt; emitter-appended) ---
"""Pipeline reference for scband-grid-sampling-op-79310866088165 (READ-ONLY COPY).

The authoritative reference and input builder live on the scoring server;
editing this copy changes nothing except your own understanding.
"""

import jax, jax.numpy as jnp
import numpy as np

GRID_VALS = [[-0.9, -0.5], [-0.7, 0.3], [-0.5, 0.8], [-0.1, -0.2], [0.2, 0.6], [0.4, -0.8], [0.7, 0.1], [0.95, 0.9]]


def setup_inputs(seed: int = 0) -> dict:
    key = jax.random.key(seed)
    x = jax.random.normal(key, (8, 16, 512, 512), dtype=jnp.float32)
    grid = jnp.array(GRID_VALS, dtype=jnp.float32)  # shape (8, 2), values in [-1, 1]
    return {"x": x, "grid": grid}


def reference(x, grid):
    # Faithful translation of GridSamplingOp.forward with interpolation_mode='nearest'.
    g = grid.reshape(*grid.shape[:-1], -1, grid.shape[-1])            # (8, 1, 2)
    g = jnp.broadcast_to(g, (*x.shape[:-3], *g.shape[-2:]))          # (8, 1, 2)
    indices = jnp.round((g + 1.0) * (x.shape[-1] - 1) / 2.0).astype(jnp.int32)
    indices = jnp.clip(indices, 0, x.shape[-1] - 1)
    y = x[..., indices]                                               # (8, 16, 512, 8, 1, 2)
    return y

if __name__ == "__main__":
    import jax
    _d = setup_inputs()
    print(jax.jit(kernel)(*tuple(_d.values())))

</pallas_src>

<mosaic_0001>
#map = affine_map<(d0, d1) -> (0, 0)>
#map1 = affine_map<(d0, d1) -> (0)>
module attributes {stable_mosaic.version = 14 : i64} {
  func.func @_sc_kernel(%arg0: i32, %arg1: i32, %arg2: memref<65536x512xf32, #tpu.memory_space<hbm>>, %arg3: memref<16xf32, #tpu.memory_space<hbm>>, %arg4: memref<6144x128xf32, #tpu.memory_space<hbm>>, %arg5: memref<16xf32, #tpu.memory_space<vmem>>, %arg6: memref<16x512xf32, #tpu.memory_space<vmem>>, %arg7: memref<16x512xf32, #tpu.memory_space<vmem>>, %arg8: memref<16x512xf32, #tpu.memory_space<vmem>>, %arg9: memref<16x512xf32, #tpu.memory_space<vmem>>, %arg10: memref<16x512xf32, #tpu.memory_space<vmem>>, %arg11: memref<16x512xf32, #tpu.memory_space<vmem>>, %arg12: memref<16x512xf32, #tpu.memory_space<vmem>>, %arg13: memref<16x512xf32, #tpu.memory_space<vmem>>, %arg14: memref<192x128xf32, #tpu.memory_space<vmem>>, %arg15: memref<8x!tpu.dma_semaphore, #tpu.memory_space<semaphore_mem>>) attributes {dimension_semantics = [#tpu.dimension_semantics<core_parallel>, #tpu.dimension_semantics<subcore_parallel>], iteration_bounds = array<i64: 2, 16>, scalar_prefetch = 0 : i64, scratch_operands = 11 : i64, tpu.core_type = #tpu.core_type<sc_vector_subcore>, window_params = [{transform_indices = #map}, {transform_indices = #map1}, {transform_indices = #map}]} {
    %mul3A = arith.constant 2 : i32
    %mul3A_0 = arith.muli %arg1, %mul3A : i32
    %add3A = arith.addi %mul3A_0, %arg0 : i32
    %mul3A_1 = arith.constant 1536 : i32
    %mul3A_2 = arith.muli %add3A, %mul3A_1 : i32
    "tpu.region"() ({
      %run_scoped3A = tpu.sem_alloc : memref<!tpu.dma_semaphore, #tpu.memory_space<semaphore_mem>>
      tpu.enqueue_dma source(%arg3 : memref<16xf32, #tpu.memory_space<hbm>>) target(%arg5 : memref<16xf32, #tpu.memory_space<vmem>>) target_semaphore(%run_scoped3A : memref<!tpu.dma_semaphore, #tpu.memory_space<semaphore_mem>>)
      tpu.wait_dma2 semaphore(%run_scoped3A : memref<!tpu.dma_semaphore, #tpu.memory_space<semaphore_mem>>) src(%arg3 : memref<16xf32, #tpu.memory_space<hbm>>) dst(%arg5 : memref<16xf32, #tpu.memory_space<vmem>>)
      tpu.yield
    }) : () -> ()
    %get3A = arith.constant 0 : index
    %get3A_3 = tpu.vector_load %arg5[%get3A] {strides = array<i32>} : memref<16xf32, #tpu.memory_space<vmem>>, vector<16xf32>,
    %add3A_4 = arith.constant 1.000000e+00 : f32
    %add3A_5 = vector.broadcast %add3A_4 : f32 to vector<16xf32>
    %add3A_6 = arith.addf %get3A_3, %add3A_5 : vector<16xf32>
    %mul3A_7 = arith.constant 2.555000e+02 : f32
    %mul3A_8 = vector.broadcast %mul3A_7 : f32 to vector<16xf32>
    %mul3A_9 = arith.mulf %add3A_6, %mul3A_8 : vector<16xf32>
    %add3A_10 = arith.constant 0x4B400000 : f32
    %add3A_11 = vector.broadcast %add3A_10 : f32 to vector<16xf32>
    %add3A_12 = arith.addf %mul3A_9, %add3A_11 : vector<16xf32>
    %sub3A = arith.constant 0x4B400000 : f32
    %sub3A_13 = vector.broadcast %sub3A : f32 to vector<16xf32>
    %sub3A_14 = arith.subf %add3A_12, %sub3A_13 : vector<16xf32>
    %convert_element_type3A = arith.fptosi %sub3A_14 : vector<16xf32> to vector<16xi32>
    %max3A = arith.constant 0 : i32
    %max3A_15 = vector.broadcast %max3A : i32 to vector<16xi32>
    %max3A_16 = arith.maxsi %convert_element_type3A, %max3A_15 : vector<16xi32>
    %min3A = arith.constant 511 : i32
    %min3A_17 = vector.broadcast %min3A : i32 to vector<16xi32>
    %min3A_18 = arith.minsi %max3A_16, %min3A_17 : vector<16xi32>
    %iota3A = tpu.iota {dimensions = array<i32: 0>} : vector<16xi32>
    %shift_right_arithmetic3A = arith.constant 1 : i32
    %shift_right_arithmetic3A_19 = vector.broadcast %shift_right_arithmetic3A : i32 to vector<16xi32>
    %shift_right_arithmetic3A_20 = arith.shrsi %iota3A, %shift_right_arithmetic3A_19 : vector<16xi32>
    %mul3A_21 = arith.constant 8 : i32
    %mul3A_22 = vector.broadcast %mul3A_21 : i32 to vector<16xi32>
    %mul3A_23 = arith.muli %shift_right_arithmetic3A_20, %mul3A_22 : vector<16xi32>
    %and3A = arith.constant 1 : i32
    %and3A_24 = vector.broadcast %and3A : i32 to vector<16xi32>
    %and3A_25 = arith.andi %iota3A, %and3A_24 : vector<16xi32>
    %add3A_26 = arith.addi %mul3A_23, %and3A_25 : vector<16xi32>
    %add3A_27 = arith.constant 0 : i32
    %add3A_28 = arith.addi %mul3A_2, %add3A_27 : i32
    %dma_start3A = arith.constant 0 : i32
    %dma_start3A_29 = arith.constant 0 : i32
    %dma_start3A_30 = tpu.memref_slice %arg2[%add3A_28, %dma_start3A_29] : memref<65536x512xf32, #tpu.memory_space<hbm>> -> memref<16x512xf32, #tpu.memory_space<hbm>>
    %dma_start3A_31 = tpu.memref_slice %arg15[%dma_start3A] : memref<8x!tpu.dma_semaphore, #tpu.memory_space<semaphore_mem>> -> memref<1x!tpu.dma_semaphore, #tpu.memory_space<semaphore_mem>>
    %dma_start3A_32 = tpu.memref_squeeze %dma_start3A_31 : memref<1x!tpu.dma_semaphore, #tpu.memory_space<semaphore_mem>> -> memref<!tpu.dma_semaphore, #tpu.memory_space<semaphore_mem>>
    %dma_start3A_33 = arith.constant 0 : i32
    %dma_start3A_34 = tpu.memref_slice %arg2[%add3A_28, %dma_start3A_33] : memref<65536x512xf32, #tpu.memory_space<hbm>> -> memref<16x512xf32, #tpu.memory_space<hbm>>
    tpu.enqueue_dma source(%dma_start3A_34 : memref<16x512xf32, #tpu.memory_space<hbm>>) target(%arg6 : memref<16x512xf32, #tpu.memory_space<vmem>>) target_semaphore(%dma_start3A_32 : memref<!tpu.dma_semaphore, #tpu.memory_space<semaphore_mem>>)
    %add3A_35 = arith.constant 16 : i32
    %add3A_36 = arith.addi %mul3A_2, %add3A_35 : i32
    %dma_start3A_37 = arith.constant 1 : i32
    %dma_start3A_38 = arith.constant 0 : i32
    %dma_start3A_39 = tpu.memref_slice %arg2[%add3A_36, %dma_start3A_38] : memref<65536x512xf32, #tpu.memory_space<hbm>> -> memref<16x512xf32, #tpu.memory_space<hbm>>
    %dma_start3A_40 = tpu.memref_slice %arg15[%dma_start3A_37] : memref<8x!tpu.dma_semaphore, #tpu.memory_space<semaphore_mem>> -> memref<1x!tpu.dma_semaphore, #tpu.memory_space<semaphore_mem>>
    %dma_start3A_41 = tpu.memref_squeeze %dma_start3A_40 : memref<1x!tpu.dma_semaphore, #tpu.memory_space<semaphore_mem>> -> memref<!tpu.dma_semaphore, #tpu.memory_space<semaphore_mem>>
    %dma_start3A_42 = arith.constant 0 : i32
    %dma_start3A_43 = tpu.memref_slice %arg2[%add3A_36, %dma_start3A_42] : memref<65536x512xf32, #tpu.memory_space<hbm>> -> memref<16x512xf32, #tpu.memory_space<hbm>>
    tpu.enqueue_dma source(%dma_start3A_43 : memref<16x512xf32, #tpu.memory_space<hbm>>) target(%arg7 : memref<16x512xf32, #tpu.memory_space<vmem>>) target_semaphore(%dma_start3A_41 : memref<!tpu.dma_semaphore, #tpu.memory_space<semaphore_mem>>)
    %add3A_44 = arith.constant 32 : i32
    %add3A_45 = arith.addi %mul3A_2, %add3A_44 : i32
    %dma_start3A_46 = arith.constant 2 : i32
    %dma_start3A_47 = arith.constant 0 : i32
    %dma_start3A_48 = tpu.memref_slice %arg2[%add3A_45, %dma_start3A_47] : memref<65536x512xf32, #tpu.memory_space<hbm>> -> memref<16x512xf32, #tpu.memory_space<hbm>>
    %dma_start3A_49 = tpu.memref_slice %arg15[%dma_start3A_46] : memref<8x!tpu.dma_semaphore, #tpu.memory_space<semaphore_mem>> -> memref<1x!tpu.dma_semaphore, #tpu.memory_space<semaphore_mem>>
    %dma_start3A_50 = tpu.memref_squeeze %dma_start3A_49 : memref<1x!tpu.dma_semaphore, #tpu.memory_space<semaphore_mem>> -> memref<!tpu.dma_semaphore, #tpu.memory_space<semaphore_mem>>
    %dma_start3A_51 = arith.constant 0 : i32
    %dma_start3A_52 = tpu.memref_slice %arg2[%add3A_45, %dma_start3A_51] : memref<65536x512xf32, #tpu.memory_space<hbm>> -> memref<16x512xf32, #tpu.memory_space<hbm>>
    tpu.enqueue_dma source(%dma_start3A_52 : memref<16x512xf32, #tpu.memory_space<hbm>>) target(%arg8 : memref<16x512xf32, #tpu.memory_space<vmem>>) target_semaphore(%dma_start3A_50 : memref<!tpu.dma_semaphore, #tpu.memory_space<semaphore_mem>>)
    %add3A_53 = arith.constant 48 : i32
    %add3A_54 = arith.addi %mul3A_2, %add3A_53 : i32
    %dma_start3A_55 = arith.constant 3 : i32
    %dma_start3A_56 = arith.constant 0 : i32
    %dma_start3A_57 = tpu.memref_slice %arg2[%add3A_54, %dma_start3A_56] : memref<65536x512xf32, #tpu.memory_space<hbm>> -> memref<16x512xf32, #tpu.memory_space<hbm>>
    %dma_start3A_58 = tpu.memref_slice %arg15[%dma_start3A_55] : memref<8x!tpu.dma_semaphore, #tpu.memory_space<semaphore_mem>> -> memref<1x!tpu.dma_semaphore, #tpu.memory_space<semaphore_mem>>
    %dma_start3A_59 = tpu.memref_squeeze %dma_start3A_58 : memref<1x!tpu.dma_semaphore, #tpu.memory_space<semaphore_mem>> -> memref<!tpu.dma_semaphore, #tpu.memory_space<semaphore_mem>>
    %dma_start3A_60 = arith.constant 0 : i32
    %dma_start3A_61 = tpu.memref_slice %arg2[%add3A_54, %dma_start3A_60] : memref<65536x512xf32, #tpu.memory_space<hbm>> -> memref<16x512xf32, #tpu.memory_space<hbm>>
    tpu.enqueue_dma source(%dma_start3A_61 : memref<16x512xf32, #tpu.memory_space<hbm>>) target(%arg9 : memref<16x512xf32, #tpu.memory_space<vmem>>) target_semaphore(%dma_start3A_59 : memref<!tpu.dma_semaphore, #tpu.memory_space<semaphore_mem>>)
    %add3A_62 = arith.constant 64 : i32
    %add3A_63 = arith.addi %mul3A_2, %add3A_62 : i32
    %dma_start3A_64 = arith.constant 4 : i32
    %dma_start3A_65 = arith.constant 0 : i32
    %dma_start3A_66 = tpu.memref_slice %arg2[%add3A_63, %dma_start3A_65] : memref<65536x512xf32, #tpu.memory_space<hbm>> -> memref<16x512xf32, #tpu.memory_space<hbm>>
    %dma_start3A_67 = tpu.memref_slice %arg15[%dma_start3A_64] : memref<8x!tpu.dma_semaphore, #tpu.memory_space<semaphore_mem>> -> memref<1x!tpu.dma_semaphore, #tpu.memory_space<semaphore_mem>>
    %dma_start3A_68 = tpu.memref_squeeze %dma_start3A_67 : memref<1x!tpu.dma_semaphore, #tpu.memory_space<semaphore_mem>> -> memref<!tpu.dma_semaphore, #tpu.memory_space<semaphore_mem>>
    %dma_start3A_69 = arith.constant 0 : i32
    %dma_start3A_70 = tpu.memref_slice %arg2[%add3A_63, %dma_start3A_69] : memref<65536x512xf32, #tpu.memory_space<hbm>> -> memref<16x512xf32, #tpu.memory_space<hbm>>
    tpu.enqueue_dma source(%dma_start3A_70 : memref<16x512xf32, #tpu.memory_space<hbm>>) target(%arg10 : memref<16x512xf32, #tpu.memory_space<vmem>>) target_semaphore(%dma_start3A_68 : memref<!tpu.dma_semaphore, #tpu.memory_space<semaphore_mem>>)
    %add3A_71 = arith.constant 80 : i32
    %add3A_72 = arith.addi %mul3A_2, %add3A_71 : i32
    %dma_start3A_73 = arith.constant 5 : i32
    %dma_start3A_74 = arith.constant 0 : i32
    %dma_start3A_75 = tpu.memref_slice %arg2[%add3A_72, %dma_start3A_74] : memref<65536x512xf32, #tpu.memory_space<hbm>> -> memref<16x512xf32, #tpu.memory_space<hbm>>
    %dma_start3A_76 = tpu.memref_slice %arg15[%dma_start3A_73] : memref<8x!tpu.dma_semaphore, #tpu.memory_space<semaphore_mem>> -> memref<1x!tpu.dma_semaphore, #tpu.memory_space<semaphore_mem>>
    %dma_start3A_77 = tpu.memref_squeeze %dma_start3A_76 : memref<1x!tpu.dma_semaphore, #tpu.memory_space<semaphore_mem>> -> memref<!tpu.dma_semaphore, #tpu.memory_space<semaphore_mem>>
    %dma_start3A_78 = arith.constant 0 : i32
    %dma_start3A_79 = tpu.memref_slice %arg2[%add3A_72, %dma_start3A_78] : memref<65536x512xf32, #tpu.memory_space<hbm>> -> memref<16x512xf32, #tpu.memory_space<hbm>>
    tpu.enqueue_dma source(%dma_start3A_79 : memref<16x512xf32, #tpu.memory_space<hbm>>) target(%arg11 : memref<16x512xf32, #tpu.memory_space<vmem>>) target_semaphore(%dma_start3A_77 : memref<!tpu.dma_semaphore, #tpu.memory_space<semaphore_mem>>)
    %add3A_80 = arith.constant 96 : i32
    %add3A_81 = arith.addi %mul3A_2, %add3A_80 : i32
    %dma_start3A_82 = arith.constant 6 : i32
    %dma_start3A_83 = arith.constant 0 : i32
    %dma_start3A_84 = tpu.memref_slice %arg2[%add3A_81, %dma_start3A_83] : memref<65536x512xf32, #tpu.memory_space<hbm>> -> memref<16x512xf32, #tpu.memory_space<hbm>>
    %dma_start3A_85 = tpu.memref_slice %arg15[%dma_start3A_82] : memref<8x!tpu.dma_semaphore, #tpu.memory_space<semaphore_mem>> -> memref<1x!tpu.dma_semaphore, #tpu.memory_space<semaphore_mem>>
    %dma_start3A_86 = tpu.memref_squeeze %dma_start3A_85 : memref<1x!tpu.dma_semaphore, #tpu.memory_space<semaphore_mem>> -> memref<!tpu.dma_semaphore, #tpu.memory_space<semaphore_mem>>
    %dma_start3A_87 = arith.constant 0 : i32
    %dma_start3A_88 = tpu.memref_slice %arg2[%add3A_81, %dma_start3A_87] : memref<65536x512xf32, #tpu.memory_space<hbm>> -> memref<16x512xf32, #tpu.memory_space<hbm>>
    tpu.enqueue_dma source(%dma_start3A_88 : memref<16x512xf32, #tpu.memory_space<hbm>>) target(%arg12 : memref<16x512xf32, #tpu.memory_space<vmem>>) target_semaphore(%dma_start3A_86 : memref<!tpu.dma_semaphore, #tpu.memory_space<semaphore_mem>>)
    %add3A_89 = arith.constant 112 : i32
    %add3A_90 = arith.addi %mul3A_2, %add3A_89 : i32
    %dma_start3A_91 = arith.constant 7 : i32
    %dma_start3A_92 = arith.constant 0 : i32
    %dma_start3A_93 = tpu.memref_slice %arg2[%add3A_90, %dma_start3A_92] : memref<65536x512xf32, #tpu.memory_space<hbm>> -> memref<16x512xf32, #tpu.memory_space<hbm>>
    %dma_start3A_94 = tpu.memref_slice %arg15[%dma_start3A_91] : memref<8x!tpu.dma_semaphore, #tpu.memory_space<semaphore_mem>> -> memref<1x!tpu.dma_semaphore, #tpu.memory_space<semaphore_mem>>
    %dma_start3A_95 = tpu.memref_squeeze %dma_start3A_94 : memref<1x!tpu.dma_semaphore, #tpu.memory_space<semaphore_mem>> -> memref<!tpu.dma_semaphore, #tpu.memory_space<semaphore_mem>>
    %dma_start3A_96 = arith.constant 0 : i32
    %dma_start3A_97 = tpu.memref_slice %arg2[%add3A_90, %dma_start3A_96] : memref<65536x512xf32, #tpu.memory_space<hbm>> -> memref<16x512xf32, #tpu.memory_space<hbm>>
    tpu.enqueue_dma source(%dma_start3A_97 : memref<16x512xf32, #tpu.memory_space<hbm>>) target(%arg13 : memref<16x512xf32, #tpu.memory_space<vmem>>) target_semaphore(%dma_start3A_95 : memref<!tpu.dma_semaphore, #tpu.memory_space<semaphore_mem>>)
    %scan3A = arith.constant 0 : i32
    %scan3A_98 = arith.constant 12 : i32
    %scan3A_99 = arith.addi %scan3A, %scan3A_98 : i32
    %scan3A_100 = arith.constant 1 : i32
    scf.for %scan3A_104 = %scan3A to %scan3A_99 step %scan3A_100  : i32 {
      %mul3A_105 = arith.constant 8 : i32
      %mul3A_106 = arith.muli %scan3A_104, %mul3A_105 : i32
      %add3A_107 = arith.constant 0 : i32
      %add3A_108 = arith.addi %add3A_107, %mul3A_106 : i32
      %add3A_109 = arith.constant 0 : i32
      %add3A_110 = arith.addi %add3A_108, %add3A_109 : i32
      %mul3A_111 = arith.constant 16 : i32
      %mul3A_112 = arith.muli %add3A_110, %mul3A_111 : i32
      %add3A_113 = arith.addi %mul3A_2, %mul3A_112 : i32
      %dma_wait3A = arith.constant 0 : i32
      %dma_wait3A_114 = arith.constant 0 : i32
      %dma_wait3A_115 = tpu.memref_slice %arg2[%add3A_113, %dma_wait3A_114] : memref<65536x512xf32, #tpu.memory_space<hbm>> -> memref<16x512xf32, #tpu.memory_space<hbm>>
      %dma_wait3A_116 = tpu.memref_slice %arg15[%dma_wait3A] : memref<8x!tpu.dma_semaphore, #tpu.memory_space<semaphore_mem>> -> memref<1x!tpu.dma_semaphore, #tpu.memory_space<semaphore_mem>>
      %dma_wait3A_117 = tpu.memref_squeeze %dma_wait3A_116 : memref<1x!tpu.dma_semaphore, #tpu.memory_space<semaphore_mem>> -> memref<!tpu.dma_semaphore, #tpu.memory_space<semaphore_mem>>
      %dma_wait3A_118 = arith.constant 0 : i32
      %dma_wait3A_119 = tpu.memref_slice %arg2[%add3A_113, %dma_wait3A_118] : memref<65536x512xf32, #tpu.memory_space<hbm>> -> memref<16x512xf32, #tpu.memory_space<hbm>>
      tpu.wait_dma2 semaphore(%dma_wait3A_117 : memref<!tpu.dma_semaphore, #tpu.memory_space<semaphore_mem>>) src(%dma_wait3A_119 : memref<16x512xf32, #tpu.memory_space<hbm>>) dst(%arg6 : memref<16x512xf32, #tpu.memory_space<vmem>>)
      %jit3A = arith.constant 32 : i32
      %div3A = arith.divsi %add3A_110, %jit3A : i32
      %sign3A = arith.constant 0 : i32
      %sign3A_120 = arith.cmpi sgt, %add3A_110, %sign3A : i32
      %sign3A_121 = arith.extui %sign3A_120 : i1 to i32
      %sign3A_122 = arith.constant 0 : i32
      %sign3A_123 = arith.cmpi slt, %add3A_110, %sign3A_122 : i32
      %sign3A_124 = arith.extui %sign3A_123 : i1 to i32
      %sign3A_125 = arith.subi %sign3A_121, %sign3A_124 : i32
      %sign3A_126 = arith.constant 0 : i32
      %sign3A_127 = arith.cmpi sgt, %jit3A, %sign3A_126 : i32
      %sign3A_128 = arith.extui %sign3A_127 : i1 to i32
      %sign3A_129 = arith.constant 0 : i32
      %sign3A_130 = arith.cmpi slt, %jit3A, %sign3A_129 : i32
      %sign3A_131 = arith.extui %sign3A_130 : i1 to i32
      %sign3A_132 = arith.subi %sign3A_128, %sign3A_131 : i32
      %ne3A = arith.cmpi ne, %sign3A_125, %sign3A_132 : i32
      %rem3A = arith.remsi %add3A_110, %jit3A : i32
      %ne3A_133 = arith.constant 0 : i32
      %ne3A_134 = arith.cmpi ne, %rem3A, %ne3A_133 : i32
      %and3A_135 = arith.andi %ne3A, %ne3A_134 : i1
      %sub3A_136 = arith.constant 1 : i32
      %sub3A_137 = arith.subi %div3A, %sub3A_136 : i32
      %select_n3A = arith.select %and3A_135, %sub3A_137, %div3A : i32
      %jit3A_138 = arith.constant 32 : i32
      %eq3A = arith.constant 0 : i32
      %eq3A_139 = arith.cmpi eq, %jit3A_138, %eq3A : i32
      %jit3A_140 = arith.constant 1 : i32
      %select_n3A_141 = arith.select %eq3A_139, %jit3A_140, %jit3A_138 : i32
      %rem3A_142 = arith.remsi %add3A_110, %select_n3A_141 : i32
      %ne3A_143 = arith.constant 0 : i32
      %ne3A_144 = arith.cmpi ne, %rem3A_142, %ne3A_143 : i32
      %lt3A = arith.constant 0 : i32
      %lt3A_145 = arith.cmpi slt, %rem3A_142, %lt3A : i32
      %lt3A_146 = arith.constant 0 : i32
      %lt3A_147 = arith.cmpi slt, %select_n3A_141, %lt3A_146 : i32
      %ne3A_148 = arith.xori %lt3A_145, %lt3A_147 : i1
      %and3A_149 = arith.andi %ne3A_148, %ne3A_144 : i1
      %add3A_150 = arith.addi %rem3A_142, %select_n3A_141 : i32
      %select_n3A_151 = arith.select %and3A_149, %add3A_150, %rem3A_142 : i32
      %mul3A_152 = arith.constant 16 : i32
      %mul3A_153 = arith.muli %select_n3A_151, %mul3A_152 : i32
      %scan3A_154 = arith.constant 0 : i32
      %scan3A_155 = arith.constant 16 : i32
      %scan3A_156 = arith.addi %scan3A_154, %scan3A_155 : i32
      %scan3A_157 = arith.constant 8 : i32
      scf.for %scan3A_627 = %scan3A_154 to %scan3A_156 step %scan3A_157  : i32 {
        %broadcast_in_dim3A = vector.broadcast %scan3A_627 : i32 to vector<16xi32>
        %gather3A = tpu.vector_load_idx %arg6[%broadcast_in_dim3A, %min3A_18] : memref<16x512xf32, #tpu.memory_space<vmem>>[vector<16xi32>, vector<16xi32>], vector<16xf32>,
        %add3A_628 = arith.addi %mul3A_153, %scan3A_627 : i32
        %mul3A_629 = arith.constant 64 : i32
        %mul3A_630 = arith.muli %select_n3A, %mul3A_629 : i32
        %shift_right_arithmetic3A_631 = arith.constant 7 : i32
        %shift_right_arithmetic3A_632 = arith.shrsi %add3A_628, %shift_right_arithmetic3A_631 : i32
        %mul3A_633 = arith.constant 2 : i32
        %mul3A_634 = arith.muli %shift_right_arithmetic3A_632, %mul3A_633 : i32
        %add3A_635 = arith.addi %mul3A_630, %mul3A_634 : i32
        %broadcast_in_dim3A_636 = vector.broadcast %add3A_635 : i32 to vector<16xi32>
        %add3A_637 = arith.addi %broadcast_in_dim3A_636, %add3A_26 : vector<16xi32>
        %and3A_638 = arith.constant 127 : i32
        %and3A_639 = arith.andi %add3A_628, %and3A_638 : i32
        %broadcast_in_dim3A_640 = vector.broadcast %and3A_639 : i32 to vector<16xi32>
        tpu.vector_store_idx %arg14[%add3A_637, %broadcast_in_dim3A_640], %gather3A : memref<192x128xf32, #tpu.memory_space<vmem>>[vector<16xi32>, vector<16xi32>], vector<16xf32>,
        %scan3A_641 = arith.constant 1 : i32
        %scan3A_642 = arith.addi %scan3A_627, %scan3A_641 : i32
        %broadcast_in_dim3A_643 = vector.broadcast %scan3A_642 : i32 to vector<16xi32>
        %gather3A_644 = tpu.vector_load_idx %arg6[%broadcast_in_dim3A_643, %min3A_18] : memref<16x512xf32, #tpu.memory_space<vmem>>[vector<16xi32>, vector<16xi32>], vector<16xf32>,
        %add3A_645 = arith.addi %mul3A_153, %scan3A_642 : i32
        %mul3A_646 = arith.constant 64 : i32
        %mul3A_647 = arith.muli %select_n3A, %mul3A_646 : i32
        %shift_right_arithmetic3A_648 = arith.constant 7 : i32
        %shift_right_arithmetic3A_649 = arith.shrsi %add3A_645, %shift_right_arithmetic3A_648 : i32
        %mul3A_650 = arith.constant 2 : i32
        %mul3A_651 = arith.muli %shift_right_arithmetic3A_649, %mul3A_650 : i32
        %add3A_652 = arith.addi %mul3A_647, %mul3A_651 : i32
        %broadcast_in_dim3A_653 = vector.broadcast %add3A_652 : i32 to vector<16xi32>
        %add3A_654 = arith.addi %broadcast_in_dim3A_653, %add3A_26 : vector<16xi32>
        %and3A_655 = arith.constant 127 : i32
        %and3A_656 = arith.andi %add3A_645, %and3A_655 : i32
        %broadcast_in_dim3A_657 = vector.broadcast %and3A_656 : i32 to vector<16xi32>
        tpu.vector_store_idx %arg14[%add3A_654, %broadcast_in_dim3A_657], %gather3A_644 : memref<192x128xf32, #tpu.memory_space<vmem>>[vector<16xi32>, vector<16xi32>], vector<16xf32>,
        %scan3A_658 = arith.constant 2 : i32
        %scan3A_659 = arith.addi %scan3A_627, %scan3A_658 : i32
        %broadcast_in_dim3A_660 = vector.broadcast %scan3A_659 : i32 to vector<16xi32>
        %gather3A_661 = tpu.vector_load_idx %arg6[%broadcast_in_dim3A_660, %min3A_18] : memref<16x512xf32, #tpu.memory_space<vmem>>[vector<16xi32>, vector<16xi32>], vector<16xf32>,
        %add3A_662 = arith.addi %mul3A_153, %scan3A_659 : i32
        %mul3A_663 = arith.constant 64 : i32
        %mul3A_664 = arith.muli %select_n3A, %mul3A_663 : i32
        %shift_right_arithmetic3A_665 = arith.constant 7 : i32
        %shift_right_arithmetic3A_666 = arith.shrsi %add3A_662, %shift_right_arithmetic3A_665 : i32
        %mul3A_667 = arith.constant 2 : i32
        %mul3A_668 = arith.muli %shift_right_arithmetic3A_666, %mul3A_667 : i32
        %add3A_669 = arith.addi %mul3A_664, %mul3A_668 : i32
        %broadcast_in_dim3A_670 = vector.broadcast %add3A_669 : i32 to vector<16xi32>
        %add3A_671 = arith.addi %broadcast_in_dim3A_670, %add3A_26 : vector<16xi32>
        %and3A_672 = arith.constant 127 : i32
        %and3A_673 = arith.andi %add3A_662, %and3A_672 : i32
        %broadcast_in_dim3A_674 = vector.broadcast %and3A_673 : i32 to vector<16xi32>
        tpu.vector_store_idx %arg14[%add3A_671, %broadcast_in_dim3A_674], %gather3A_661 : memref<192x128xf32, #tpu.memory_space<vmem>>[vector<16xi32>, vector<16xi32>], vector<16xf32>,
        %scan3A_675 = arith.constant 3 : i32
        %scan3A_676 = arith.addi %scan3A_627, %scan3A_675 : i32
        %broadcast_in_dim3A_677 = vector.broadcast %scan3A_676 : i32 to vector<16xi32>
        %gather3A_678 = tpu.vector_load_idx %arg6[%broadcast_in_dim3A_677, %min3A_18] : memref<16x512xf32, #tpu.memory_space<vmem>>[vector<16xi32>, vector<16xi32>], vector<16xf32>,
        %add3A_679 = arith.addi %mul3A_153, %scan3A_676 : i32
        %mul3A_680 = arith.constant 64 : i32
        %mul3A_681 = arith.muli %select_n3A, %mul3A_680 : i32
        %shift_right_arithmetic3A_682 = arith.constant 7 : i32
        %shift_right_arithmetic3A_683 = arith.shrsi %add3A_679, %shift_right_arithmetic3A_682 : i32
        %mul3A_684 = arith.constant 2 : i32
        %mul3A_685 = arith.muli %shift_right_arithmetic3A_683, %mul3A_684 : i32
        %add3A_686 = arith.addi %mul3A_681, %mul3A_685 : i32
        %broadcast_in_dim3A_687 = vector.broadcast %add3A_686 : i32 to vector<16xi32>
        %add3A_688 = arith.addi %broadcast_in_dim3A_687, %add3A_26 : vector<16xi32>
        %and3A_689 = arith.constant 127 : i32
        %and3A_690 = arith.andi %add3A_679, %and3A_689 : i32
        %broadcast_in_dim3A_691 = vector.broadcast %and3A_690 : i32 to vector<16xi32>
        tpu.vector_store_idx %arg14[%add3A_688, %broadcast_in_dim3A_691], %gather3A_678 : memref<192x128xf32, #tpu.memory_space<vmem>>[vector<16xi32>, vector<16xi32>], vector<16xf32>,
        %scan3A_692 = arith.constant 4 : i32
        %scan3A_693 = arith.addi %scan3A_627, %scan3A_692 : i32
        %broadcast_in_dim3A_694 = vector.broadcast %scan3A_693 : i32 to vector<16xi32>
        %gather3A_695 = tpu.vector_load_idx %arg6[%broadcast_in_dim3A_694, %min3A_18] : memref<16x512xf32, #tpu.memory_space<vmem>>[vector<16xi32>, vector<16xi32>], vector<16xf32>,
        %add3A_696 = arith.addi %mul3A_153, %scan3A_693 : i32
        %mul3A_697 = arith.constant 64 : i32
        %mul3A_698 = arith.muli %select_n3A, %mul3A_697 : i32
        %shift_right_arithmetic3A_699 = arith.constant 7 : i32
        %shift_right_arithmetic3A_700 = arith.shrsi %add3A_696, %shift_right_arithmetic3A_699 : i32
        %mul3A_701 = arith.constant 2 : i32
        %mul3A_702 = arith.muli %shift_right_arithmetic3A_700, %mul3A_701 : i32
        %add3A_703 = arith.addi %mul3A_698, %mul3A_702 : i32
        %broadcast_in_dim3A_704 = vector.broadcast %add3A_703 : i32 to vector<16xi32>
        %add3A_705 = arith.addi %broadcast_in_dim3A_704, %add3A_26 : vector<16xi32>
        %and3A_706 = arith.constant 127 : i32
        %and3A_707 = arith.andi %add3A_696, %and3A_706 : i32
        %broadcast_in_dim3A_708 = vector.broadcast %and3A_707 : i32 to vector<16xi32>
        tpu.vector_store_idx %arg14[%add3A_705, %broadcast_in_dim3A_708], %gather3A_695 : memref<192x128xf32, #tpu.memory_space<vmem>>[vector<16xi32>, vector<16xi32>], vector<16xf32>,
        %scan3A_709 = arith.constant 5 : i32
        %scan3A_710 = arith.addi %scan3A_627, %scan3A_709 : i32
        %broadcast_in_dim3A_711 = vector.broadcast %scan3A_710 : i32 to vector<16xi32>
        %gather3A_712 = tpu.vector_load_idx %arg6[%broadcast_in_dim3A_711, %min3A_18] : memref<16x512xf32, #tpu.memory_space<vmem>>[vector<16xi32>, vector<16xi32>], vector<16xf32>,
        %add3A_713 = arith.addi %mul3A_153, %scan3A_710 : i32
        %mul3A_714 = arith.constant 64 : i32
        %mul3A_715 = arith.muli %select_n3A, %mul3A_714 : i32
        %shift_right_arithmetic3A_716 = arith.constant 7 : i32
        %shift_right_arithmetic3A_717 = arith.shrsi %add3A_713, %shift_right_arithmetic3A_716 : i32
        %mul3A_718 = arith.constant 2 : i32
        %mul3A_719 = arith.muli %shift_right_arithmetic3A_717, %mul3A_718 : i32
        %add3A_720 = arith.addi %mul3A_715, %mul3A_719 : i32
        %broadcast_in_dim3A_721 = vector.broadcast %add3A_720 : i32 to vector<16xi32>
        %add3A_722 = arith.addi %broadcast_in_dim3A_721, %add3A_26 : vector<16xi32>
        %and3A_723 = arith.constant 127 : i32
        %and3A_724 = arith.andi %add3A_713, %and3A_723 : i32
        %broadcast_in_dim3A_725 = vector.broadcast %and3A_724 : i32 to vector<16xi32>
        tpu.vector_store_idx %arg14[%add3A_722, %broadcast_in_dim3A_725], %gather3A_712 : memref<192x128xf32, #tpu.memory_space<vmem>>[vector<16xi32>, vector<16xi32>], vector<16xf32>,
        %scan3A_726 = arith.constant 6 : i32
        %scan3A_727 = arith.addi %scan3A_627, %scan3A_726 : i32
        %broadcast_in_dim3A_728 = vector.broadcast %scan3A_727 : i32 to vector<16xi32>
        %gather3A_729 = tpu.vector_load_idx %arg6[%broadcast_in_dim3A_728, %min3A_18] : memref<16x512xf32, #tpu.memory_space<vmem>>[vector<16xi32>, vector<16xi32>], vector<16xf32>,
        %add3A_730 = arith.addi %mul3A_153, %scan3A_727 : i32
        %mul3A_731 = arith.constant 64 : i32
        %mul3A_732 = arith.muli %select_n3A, %mul3A_731 : i32
        %shift_right_arithmetic3A_733 = arith.constant 7 : i32
        %shift_right_arithmetic3A_734 = arith.shrsi %add3A_730, %shift_right_arithmetic3A_733 : i32
        %mul3A_735 = arith.constant 2 : i32
        %mul3A_736 = arith.muli %shift_right_arithmetic3A_734, %mul3A_735 : i32
        %add3A_737 = arith.addi %mul3A_732, %mul3A_736 : i32
        %broadcast_in_dim3A_738 = vector.broadcast %add3A_737 : i32 to vector<16xi32>
        %add3A_739 = arith.addi %broadcast_in_dim3A_738, %add3A_26 : vector<16xi32>
        %and3A_740 = arith.constant 127 : i32
        %and3A_741 = arith.andi %add3A_730, %and3A_740 : i32
        %broadcast_in_dim3A_742 = vector.broadcast %and3A_741 : i32 to vector<16xi32>
        tpu.vector_store_idx %arg14[%add3A_739, %broadcast_in_dim3A_742], %gather3A_729 : memref<192x128xf32, #tpu.memory_space<vmem>>[vector<16xi32>, vector<16xi32>], vector<16xf32>,
        %scan3A_743 = arith.constant 7 : i32
        %scan3A_744 = arith.addi %scan3A_627, %scan3A_743 : i32
        %broadcast_in_dim3A_745 = vector.broadcast %scan3A_744 : i32 to vector<16xi32>
        %gather3A_746 = tpu.vector_load_idx %arg6[%broadcast_in_dim3A_745, %min3A_18] : memref<16x512xf32, #tpu.memory_space<vmem>>[vector<16xi32>, vector<16xi32>], vector<16xf32>,
        %add3A_747 = arith.addi %mul3A_153, %scan3A_744 : i32
        %mul3A_748 = arith.constant 64 : i32
        %mul3A_749 = arith.muli %select_n3A, %mul3A_748 : i32
        %shift_right_arithmetic3A_750 = arith.constant 7 : i32
        %shift_right_arithmetic3A_751 = arith.shrsi %add3A_747, %shift_right_arithmetic3A_750 : i32
        %mul3A_752 = arith.constant 2 : i32
        %mul3A_753 = arith.muli %shift_right_arithmetic3A_751, %mul3A_752 : i32
        %add3A_754 = arith.addi %mul3A_749, %mul3A_753 : i32
        %broadcast_in_dim3A_755 = vector.broadcast %add3A_754 : i32 to vector<16xi32>
        %add3A_756 = arith.addi %broadcast_in_dim3A_755, %add3A_26 : vector<16xi32>
        %and3A_757 = arith.constant 127 : i32
        %and3A_758 = arith.andi %add3A_747, %and3A_757 : i32
        %broadcast_in_dim3A_759 = vector.broadcast %and3A_758 : i32 to vector<16xi32>
        tpu.vector_store_idx %arg14[%add3A_756, %broadcast_in_dim3A_759], %gather3A_746 : memref<192x128xf32, #tpu.memory_space<vmem>>[vector<16xi32>, vector<16xi32>], vector<16xf32>,
      }
      %scan3A_158 = arith.constant 16 : i32
      %add3A_159 = arith.constant 8 : i32
      %add3A_160 = arith.addi %add3A_110, %add3A_159 : i32
      %lt3A_161 = arith.constant 96 : i32
      %lt3A_162 = arith.cmpi slt, %add3A_160, %lt3A_161 : i32
      %convert_element_type3A_163 = arith.extui %lt3A_162 : i1 to i32
      %cond3A = arith.constant 0 : i32
      %cond3A_164 = arith.cmpi ne, %convert_element_type3A_163, %cond3A : i32
      scf.if %cond3A_164 {
        %add3A_627 = arith.constant 8 : i32
        %add3A_628 = arith.addi %add3A_110, %add3A_627 : i32
        %mul3A_629 = arith.constant 16 : i32
        %mul3A_630 = arith.muli %add3A_628, %mul3A_629 : i32
        %add3A_631 = arith.addi %mul3A_2, %mul3A_630 : i32
        %dma_start3A_632 = arith.constant 0 : i32
        %dma_start3A_633 = arith.constant 0 : i32
        %dma_start3A_634 = tpu.memref_slice %arg2[%add3A_631, %dma_start3A_633] : memref<65536x512xf32, #tpu.memory_space<hbm>> -> memref<16x512xf32, #tpu.memory_space<hbm>>
        %dma_start3A_635 = tpu.memref_slice %arg15[%dma_start3A_632] : memref<8x!tpu.dma_semaphore, #tpu.memory_space<semaphore_mem>> -> memref<1x!tpu.dma_semaphore, #tpu.memory_space<semaphore_mem>>
        %dma_start3A_636 = tpu.memref_squeeze %dma_start3A_635 : memref<1x!tpu.dma_semaphore, #tpu.memory_space<semaphore_mem>> -> memref<!tpu.dma_semaphore, #tpu.memory_space<semaphore_mem>>
        %dma_start3A_637 = arith.constant 0 : i32
        %dma_start3A_638 = tpu.memref_slice %arg2[%add3A_631, %dma_start3A_637] : memref<65536x512xf32, #tpu.memory_space<hbm>> -> memref<16x512xf32, #tpu.memory_space<hbm>>
        tpu.enqueue_dma source(%dma_start3A_638 : memref<16x512xf32, #tpu.memory_space<hbm>>) target(%arg6 : memref<16x512xf32, #tpu.memory_space<vmem>>) target_semaphore(%dma_start3A_636 : memref<!tpu.dma_semaphore, #tpu.memory_space<semaphore_mem>>)
      } else {
      }
      %add3A_165 = arith.constant 1 : i32
      %add3A_166 = arith.addi %add3A_108, %add3A_165 : i32
      %mul3A_167 = arith.constant 16 : i32
      %mul3A_168 = arith.muli %add3A_166, %mul3A_167 : i32
      %add3A_169 = arith.addi %mul3A_2, %mul3A_168 : i32
      %dma_wait3A_170 = arith.constant 1 : i32
      %dma_wait3A_171 = arith.constant 0 : i32
      %dma_wait3A_172 = tpu.memref_slice %arg2[%add3A_169, %dma_wait3A_171] : memref<65536x512xf32, #tpu.memory_space<hbm>> -> memref<16x512xf32, #tpu.memory_space<hbm>>
      %dma_wait3A_173 = tpu.memref_slice %arg15[%dma_wait3A_170] : memref<8x!tpu.dma_semaphore, #tpu.memory_space<semaphore_mem>> -> memref<1x!tpu.dma_semaphore, #tpu.memory_space<semaphore_mem>>
      %dma_wait3A_174 = tpu.memref_squeeze %dma_wait3A_173 : memref<1x!tpu.dma_semaphore, #tpu.memory_space<semaphore_mem>> -> memref<!tpu.dma_semaphore, #tpu.memory_space<semaphore_mem>>
      %dma_wait3A_175 = arith.constant 0 : i32
      %dma_wait3A_176 = tpu.memref_slice %arg2[%add3A_169, %dma_wait3A_175] : memref<65536x512xf32, #tpu.memory_space<hbm>> -> memref<16x512xf32, #tpu.memory_space<hbm>>
      tpu.wait_dma2 semaphore(%dma_wait3A_174 : memref<!tpu.dma_semaphore, #tpu.memory_space<semaphore_mem>>) src(%dma_wait3A_176 : memref<16x512xf32, #tpu.memory_space<hbm>>) dst(%arg7 : memref<16x512xf32, #tpu.memory_space<vmem>>)
      %jit3A_177 = arith.constant 32 : i32
      %div3A_178 = arith.divsi %add3A_166, %jit3A_177 : i32
      %sign3A_179 = arith.constant 0 : i32
      %sign3A_180 = arith.cmpi sgt, %add3A_166, %sign3A_179 : i32
      %sign3A_181 = arith.extui %sign3A_180 : i1 to i32
      %sign3A_182 = arith.constant 0 : i32
      %sign3A_183 = arith.cmpi slt, %add3A_166, %sign3A_182 : i32
      %sign3A_184 = arith.extui %sign3A_183 : i1 to i32
      %sign3A_185 = arith.subi %sign3A_181, %sign3A_184 : i32
      %sign3A_186 = arith.constant 0 : i32
      %sign3A_187 = arith.cmpi sgt, %jit3A_177, %sign3A_186 : i32
      %sign3A_188 = arith.extui %sign3A_187 : i1 to i32
      %sign3A_189 = arith.constant 0 : i32
      %sign3A_190 = arith.cmpi slt, %jit3A_177, %sign3A_189 : i32
      %sign3A_191 = arith.extui %sign3A_190 : i1 to i32
      %sign3A_192 = arith.subi %sign3A_188, %sign3A_191 : i32
      %ne3A_193 = arith.cmpi ne, %sign3A_185, %sign3A_192 : i32
      %rem3A_194 = arith.remsi %add3A_166, %jit3A_177 : i32
      %ne3A_195 = arith.constant 0 : i32
      %ne3A_196 = arith.cmpi ne, %rem3A_194, %ne3A_195 : i32
      %and3A_197 = arith.andi %ne3A_193, %ne3A_196 : i1
      %sub3A_198 = arith.constant 1 : i32
      %sub3A_199 = arith.subi %div3A_178, %sub3A_198 : i32
      %select_n3A_200 = arith.select %and3A_197, %sub3A_199, %div3A_178 : i32
      %jit3A_201 = arith.constant 32 : i32
      %eq3A_202 = arith.constant 0 : i32
      %eq3A_203 = arith.cmpi eq, %jit3A_201, %eq3A_202 : i32
      %jit3A_204 = arith.constant 1 : i32
      %select_n3A_205 = arith.select %eq3A_203, %jit3A_204, %jit3A_201 : i32
      %rem3A_206 = arith.remsi %add3A_166, %select_n3A_205 : i32
      %ne3A_207 = arith.constant 0 : i32
      %ne3A_208 = arith.cmpi ne, %rem3A_206, %ne3A_207 : i32
      %lt3A_209 = arith.constant 0 : i32
      %lt3A_210 = arith.cmpi slt, %rem3A_206, %lt3A_209 : i32
      %lt3A_211 = arith.constant 0 : i32
      %lt3A_212 = arith.cmpi slt, %select_n3A_205, %lt3A_211 : i32
      %ne3A_213 = arith.xori %lt3A_210, %lt3A_212 : i1
      %and3A_214 = arith.andi %ne3A_213, %ne3A_208 : i1
      %add3A_215 = arith.addi %rem3A_206, %select_n3A_205 : i32
      %select_n3A_216 = arith.select %and3A_214, %add3A_215, %rem3A_206 : i32
      %mul3A_217 = arith.constant 16 : i32
      %mul3A_218 = arith.muli %select_n3A_216, %mul3A_217 : i32
      %scan3A_219 = arith.constant 0 : i32
      %scan3A_220 = arith.constant 16 : i32
      %scan3A_221 = arith.addi %scan3A_219, %scan3A_220 : i32
      %scan3A_222 = arith.constant 8 : i32
      scf.for %scan3A_627 = %scan3A_219 to %scan3A_221 step %scan3A_222  : i32 {
        %broadcast_in_dim3A = vector.broadcast %scan3A_627 : i32 to vector<16xi32>
        %gather3A = tpu.vector_load_idx %arg7[%broadcast_in_dim3A, %min3A_18] : memref<16x512xf32, #tpu.memory_space<vmem>>[vector<16xi32>, vector<16xi32>], vector<16xf32>,
        %add3A_628 = arith.addi %mul3A_218, %scan3A_627 : i32
        %mul3A_629 = arith.constant 64 : i32
        %mul3A_630 = arith.muli %select_n3A_200, %mul3A_629 : i32
        %shift_right_arithmetic3A_631 = arith.constant 7 : i32
        %shift_right_arithmetic3A_632 = arith.shrsi %add3A_628, %shift_right_arithmetic3A_631 : i32
        %mul3A_633 = arith.constant 2 : i32
        %mul3A_634 = arith.muli %shift_right_arithmetic3A_632, %mul3A_633 : i32
        %add3A_635 = arith.addi %mul3A_630, %mul3A_634 : i32
        %broadcast_in_dim3A_636 = vector.broadcast %add3A_635 : i32 to vector<16xi32>
        %add3A_637 = arith.addi %broadcast_in_dim3A_636, %add3A_26 : vector<16xi32>
        %and3A_638 = arith.constant 127 : i32
        %and3A_639 = arith.andi %add3A_628, %and3A_638 : i32
        %broadcast_in_dim3A_640 = vector.broadcast %and3A_639 : i32 to vector<16xi32>
        tpu.vector_store_idx %arg14[%add3A_637, %broadcast_in_dim3A_640], %gather3A : memref<192x128xf32, #tpu.memory_space<vmem>>[vector<16xi32>, vector<16xi32>], vector<16xf32>,
        %scan3A_641 = arith.constant 1 : i32
        %scan3A_642 = arith.addi %scan3A_627, %scan3A_641 : i32
        %broadcast_in_dim3A_643 = vector.broadcast %scan3A_642 : i32 to vector<16xi32>
        %gather3A_644 = tpu.vector_load_idx %arg7[%broadcast_in_dim3A_643, %min3A_18] : memref<16x512xf32, #tpu.memory_space<vmem>>[vector<16xi32>, vector<16xi32>], vector<16xf32>,
        %add3A_645 = arith.addi %mul3A_218, %scan3A_642 : i32
        %mul3A_646 = arith.constant 64 : i32
        %mul3A_647 = arith.muli %select_n3A_200, %mul3A_646 : i32
        %shift_right_arithmetic3A_648 = arith.constant 7 : i32
        %shift_right_arithmetic3A_649 = arith.shrsi %add3A_645, %shift_right_arithmetic3A_648 : i32
        %mul3A_650 = arith.constant 2 : i32
        %mul3A_651 = arith.muli %shift_right_arithmetic3A_649, %mul3A_650 : i32
        %add3A_652 = arith.addi %mul3A_647, %mul3A_651 : i32
        %broadcast_in_dim3A_653 = vector.broadcast %add3A_652 : i32 to vector<16xi32>
        %add3A_654 = arith.addi %broadcast_in_dim3A_653, %add3A_26 : vector<16xi32>
        %and3A_655 = arith.constant 127 : i32
        %and3A_656 = arith.andi %add3A_645, %and3A_655 : i32
        %broadcast_in_dim3A_657 = vector.broadcast %and3A_656 : i32 to vector<16xi32>
        tpu.vector_store_idx %arg14[%add3A_654, %broadcast_in_dim3A_657], %gather3A_644 : memref<192x128xf32, #tpu.memory_space<vmem>>[vector<16xi32>, vector<16xi32>], vector<16xf32>,
        %scan3A_658 = arith.constant 2 : i32
        %scan3A_659 = arith.addi %scan3A_627, %scan3A_658 : i32
        %broadcast_in_dim3A_660 = vector.broadcast %scan3A_659 : i32 to vector<16xi32>
        %gather3A_661 = tpu.vector_load_idx %arg7[%broadcast_in_dim3A_660, %min3A_18] : memref<16x512xf32, #tpu.memory_space<vmem>>[vector<16xi32>, vector<16xi32>], vector<16xf32>,
        %add3A_662 = arith.addi %mul3A_218, %scan3A_659 : i32
        %mul3A_663 = arith.constant 64 : i32
        %mul3A_664 = arith.muli %select_n3A_200, %mul3A_663 : i32
        %shift_right_arithmetic3A_665 = arith.constant 7 : i32
        %shift_right_arithmetic3A_666 = arith.shrsi %add3A_662, %shift_right_arithmetic3A_665 : i32
        %mul3A_667 = arith.constant 2 : i32
        %mul3A_668 = arith.muli %shift_right_arithmetic3A_666, %mul3A_667 : i32
        %add3A_669 = arith.addi %mul3A_664, %mul3A_668 : i32
        %broadcast_in_dim3A_670 = vector.broadcast %add3A_669 : i32 to vector<16xi32>
        %add3A_671 = arith.addi %broadcast_in_dim3A_670, %add3A_26 : vector<16xi32>
        %and3A_672 = arith.constant 127 : i32
        %and3A_673 = arith.andi %add3A_662, %and3A_672 : i32
        %broadcast_in_dim3A_674 = vector.broadcast %and3A_673 : i32 to vector<16xi32>
        tpu.vector_store_idx %arg14[%add3A_671, %broadcast_in_dim3A_674], %gather3A_661 : memref<192x128xf32, #tpu.memory_space<vmem>>[vector<16xi32>, vector<16xi32>], vector<16xf32>,
        %scan3A_675 = arith.constant 3 : i32
        %scan3A_676 = arith.addi %scan3A_627, %scan3A_675 : i32
        %broadcast_in_dim3A_677 = vector.broadcast %scan3A_676 : i32 to vector<16xi32>
        %gather3A_678 = tpu.vector_load_idx %arg7[%broadcast_in_dim3A_677, %min3A_18] : memref<16x512xf32, #tpu.memory_space<vmem>>[vector<16xi32>, vector<16xi32>], vector<16xf32>,
        %add3A_679 = arith.addi %mul3A_218, %scan3A_676 : i32
        %mul3A_680 = arith.constant 64 : i32
        %mul3A_681 = arith.muli %select_n3A_200, %mul3A_680 : i32
        %shift_right_arithmetic3A_682 = arith.constant 7 : i32
        %shift_right_arithmetic3A_683 = arith.shrsi %add3A_679, %shift_right_arithmetic3A_682 : i32
        %mul3A_684 = arith.constant 2 : i32
        %mul3A_685 = arith.muli %shift_right_arithmetic3A_683, %mul3A_684 : i32
        %add3A_686 = arith.addi %mul3A_681, %mul3A_685 : i32
        %broadcast_in_dim3A_687 = vector.broadcast %add3A_686 : i32 to vector<16xi32>
        %add3A_688 = arith.addi %broadcast_in_dim3A_687, %add3A_26 : vector<16xi32>
        %and3A_689 = arith.constant 127 : i32
        %and3A_690 = arith.andi %add3A_679, %and3A_689 : i32
        %broadcast_in_dim3A_691 = vector.broadcast %and3A_690 : i32 to vector<16xi32>
        tpu.vector_store_idx %arg14[%add3A_688, %broadcast_in_dim3A_691], %gather3A_678 : memref<192x128xf32, #tpu.memory_space<vmem>>[vector<16xi32>, vector<16xi32>], vector<16xf32>,
        %scan3A_692 = arith.constant 4 : i32
        %scan3A_693 = arith.addi %scan3A_627, %scan3A_692 : i32
        %broadcast_in_dim3A_694 = vector.broadcast %scan3A_693 : i32 to vector<16xi32>
        %gather3A_695 = tpu.vector_load_idx %arg7[%broadcast_in_dim3A_694, %min3A_18] : memref<16x512xf32, #tpu.memory_space<vmem>>[vector<16xi32>, vector<16xi32>], vector<16xf32>,
        %add3A_696 = arith.addi %mul3A_218, %scan3A_693 : i32
        %mul3A_697 = arith.constant 64 : i32
        %mul3A_698 = arith.muli %select_n3A_200, %mul3A_697 : i32
        %shift_right_arithmetic3A_699 = arith.constant 7 : i32
        %shift_right_arithmetic3A_700 = arith.shrsi %add3A_696, %shift_right_arithmetic3A_699 : i32
        %mul3A_701 = arith.constant 2 : i32
        %mul3A_702 = arith.muli %shift_right_arithmetic3A_700, %mul3A_701 : i32
        %add3A_703 = arith.addi %mul3A_698, %mul3A_702 : i32
        %broadcast_in_dim3A_704 = vector.broadcast %add3A_703 : i32 to vector<16xi32>
        %add3A_705 = arith.addi %broadcast_in_dim3A_704, %add3A_26 : vector<16xi32>
        %and3A_706 = arith.constant 127 : i32
        %and3A_707 = arith.andi %add3A_696, %and3A_706 : i32
        %broadcast_in_dim3A_708 = vector.broadcast %and3A_707 : i32 to vector<16xi32>
        tpu.vector_store_idx %arg14[%add3A_705, %broadcast_in_dim3A_708], %gather3A_695 : memref<192x128xf32, #tpu.memory_space<vmem>>[vector<16xi32>, vector<16xi32>], vector<16xf32>,
        %scan3A_709 = arith.constant 5 : i32
        %scan3A_710 = arith.addi %scan3A_627, %scan3A_709 : i32
        %broadcast_in_dim3A_711 = vector.broadcast %scan3A_710 : i32 to vector<16xi32>
        %gather3A_712 = tpu.vector_load_idx %arg7[%broadcast_in_dim3A_711, %min3A_18] : memref<16x512xf32, #tpu.memory_space<vmem>>[vector<16xi32>, vector<16xi32>], vector<16xf32>,
        %add3A_713 = arith.addi %mul3A_218, %scan3A_710 : i32
        %mul3A_714 = arith.constant 64 : i32
        %mul3A_715 = arith.muli %select_n3A_200, %mul3A_714 : i32
        %shift_right_arithmetic3A_716 = arith.constant 7 : i32
        %shift_right_arithmetic3A_717 = arith.shrsi %add3A_713, %shift_right_arithmetic3A_716 : i32
        %mul3A_718 = arith.constant 2 : i32
        %mul3A_719 = arith.muli %shift_right_arithmetic3A_717, %mul3A_718 : i32
        %add3A_720 = arith.addi %mul3A_715, %mul3A_719 : i32
        %broadcast_in_dim3A_721 = vector.broadcast %add3A_720 : i32 to vector<16xi32>
        %add3A_722 = arith.addi %broadcast_in_dim3A_721, %add3A_26 : vector<16xi32>
        %and3A_723 = arith.constant 127 : i32
        %and3A_724 = arith.andi %add3A_713, %and3A_723 : i32
        %broadcast_in_dim3A_725 = vector.broadcast %and3A_724 : i32 to vector<16xi32>
        tpu.vector_store_idx %arg14[%add3A_722, %broadcast_in_dim3A_725], %gather3A_712 : memref<192x128xf32, #tpu.memory_space<vmem>>[vector<16xi32>, vector<16xi32>], vector<16xf32>,
        %scan3A_726 = arith.constant 6 : i32
        %scan3A_727 = arith.addi %scan3A_627, %scan3A_726 : i32
        %broadcast_in_dim3A_728 = vector.broadcast %scan3A_727 : i32 to vector<16xi32>
        %gather3A_729 = tpu.vector_load_idx %arg7[%broadcast_in_dim3A_728, %min3A_18] : memref<16x512xf32, #tpu.memory_space<vmem>>[vector<16xi32>, vector<16xi32>], vector<16xf32>,
        %add3A_730 = arith.addi %mul3A_218, %scan3A_727 : i32
        %mul3A_731 = arith.constant 64 : i32
        %mul3A_732 = arith.muli %select_n3A_200, %mul3A_731 : i32
        %shift_right_arithmetic3A_733 = arith.constant 7 : i32
        %shift_right_arithmetic3A_734 = arith.shrsi %add3A_730, %shift_right_arithmetic3A_733 : i32
        %mul3A_735 = arith.constant 2 : i32
        %mul3A_736 = arith.muli %shift_right_arithmetic3A_734, %mul3A_735 : i32
        %add3A_737 = arith.addi %mul3A_732, %mul3A_736 : i32
        %broadcast_in_dim3A_738 = vector.broadcast %add3A_737 : i32 to vector<16xi32>
        %add3A_739 = arith.addi %broadcast_in_dim3A_738, %add3A_26 : vector<16xi32>
        %and3A_740 = arith.constant 127 : i32
        %and3A_741 = arith.andi %add3A_730, %and3A_740 : i32
        %broadcast_in_dim3A_742 = vector.broadcast %and3A_741 : i32 to vector<16xi32>
        tpu.vector_store_idx %arg14[%add3A_739, %broadcast_in_dim3A_742], %gather3A_729 : memref<192x128xf32, #tpu.memory_space<vmem>>[vector<16xi32>, vector<16xi32>], vector<16xf32>,
        %scan3A_743 = arith.constant 7 : i32
        %scan3A_744 = arith.addi %scan3A_627, %scan3A_743 : i32
        %broadcast_in_dim3A_745 = vector.broadcast %scan3A_744 : i32 to vector<16xi32>
        %gather3A_746 = tpu.vector_load_idx %arg7[%broadcast_in_dim3A_745, %min3A_18] : memref<16x512xf32, #tpu.memory_space<vmem>>[vector<16xi32>, vector<16xi32>], vector<16xf32>,
        %add3A_747 = arith.addi %mul3A_218, %scan3A_744 : i32
        %mul3A_748 = arith.constant 64 : i32
        %mul3A_749 = arith.muli %select_n3A_200, %mul3A_748 : i32
        %shift_right_arithmetic3A_750 = arith.constant 7 : i32
        %shift_right_arithmetic3A_751 = arith.shrsi %add3A_747, %shift_right_arithmetic3A_750 : i32
        %mul3A_752 = arith.constant 2 : i32
        %mul3A_753 = arith.muli %shift_right_arithmetic3A_751, %mul3A_752 : i32
        %add3A_754 = arith.addi %mul3A_749, %mul3A_753 : i32
        %broadcast_in_dim3A_755 = vector.broadcast %add3A_754 : i32 to vector<16xi32>
        %add3A_756 = arith.addi %broadcast_in_dim3A_755, %add3A_26 : vector<16xi32>
        %and3A_757 = arith.constant 127 : i32
        %and3A_758 = arith.andi %add3A_747, %and3A_757 : i32
        %broadcast_in_dim3A_759 = vector.broadcast %and3A_758 : i32 to vector<16xi32>
        tpu.vector_store_idx %arg14[%add3A_756, %broadcast_in_dim3A_759], %gather3A_746 : memref<192x128xf32, #tpu.memory_space<vmem>>[vector<16xi32>, vector<16xi32>], vector<16xf32>,
      }
      %scan3A_223 = arith.constant 16 : i32
      %add3A_224 = arith.constant 8 : i32
      %add3A_225 = arith.addi %add3A_166, %add3A_224 : i32
      %lt3A_226 = arith.constant 96 : i32
      %lt3A_227 = arith.cmpi slt, %add3A_225, %lt3A_226 : i32
      %convert_element_type3A_228 = arith.extui %lt3A_227 : i1 to i32
      %cond3A_229 = arith.constant 0 : i32
      %cond3A_230 = arith.cmpi ne, %convert_element_type3A_228, %cond3A_229 : i32
      scf.if %cond3A_230 {
        %add3A_627 = arith.constant 8 : i32
        %add3A_628 = arith.addi %add3A_166, %add3A_627 : i32
        %mul3A_629 = arith.constant 16 : i32
        %mul3A_630 = arith.muli %add3A_628, %mul3A_629 : i32
        %add3A_631 = arith.addi %mul3A_2, %mul3A_630 : i32
        %dma_start3A_632 = arith.constant 1 : i32
        %dma_start3A_633 = arith.constant 0 : i32
        %dma_start3A_634 = tpu.memref_slice %arg2[%add3A_631, %dma_start3A_633] : memref<65536x512xf32, #tpu.memory_space<hbm>> -> memref<16x512xf32, #tpu.memory_space<hbm>>
        %dma_start3A_635 = tpu.memref_slice %arg15[%dma_start3A_632] : memref<8x!tpu.dma_semaphore, #tpu.memory_space<semaphore_mem>> -> memref<1x!tpu.dma_semaphore, #tpu.memory_space<semaphore_mem>>
        %dma_start3A_636 = tpu.memref_squeeze %dma_start3A_635 : memref<1x!tpu.dma_semaphore, #tpu.memory_space<semaphore_mem>> -> memref<!tpu.dma_semaphore, #tpu.memory_space<semaphore_mem>>
        %dma_start3A_637 = arith.constant 0 : i32
        %dma_start3A_638 = tpu.memref_slice %arg2[%add3A_631, %dma_start3A_637] : memref<65536x512xf32, #tpu.memory_space<hbm>> -> memref<16x512xf32, #tpu.memory_space<hbm>>
        tpu.enqueue_dma source(%dma_start3A_638 : memref<16x512xf32, #tpu.memory_space<hbm>>) target(%arg7 : memref<16x512xf32, #tpu.memory_space<vmem>>) target_semaphore(%dma_start3A_636 : memref<!tpu.dma_semaphore, #tpu.memory_space<semaphore_mem>>)
      } else {
      }
      %add3A_231 = arith.constant 2 : i32
      %add3A_232 = arith.addi %add3A_108, %add3A_231 : i32
      %mul3A_233 = arith.constant 16 : i32
      %mul3A_234 = arith.muli %add3A_232, %mul3A_233 : i32
      %add3A_235 = arith.addi %mul3A_2, %mul3A_234 : i32
      %dma_wait3A_236 = arith.constant 2 : i32
      %dma_wait3A_237 = arith.constant 0 : i32
      %dma_wait3A_238 = tpu.memref_slice %arg2[%add3A_235, %dma_wait3A_237] : memref<65536x512xf32, #tpu.memory_space<hbm>> -> memref<16x512xf32, #tpu.memory_space<hbm>>
      %dma_wait3A_239 = tpu.memref_slice %arg15[%dma_wait3A_236] : memref<8x!tpu.dma_semaphore, #tpu.memory_space<semaphore_mem>> -> memref<1x!tpu.dma_semaphore, #tpu.memory_space<semaphore_mem>>
      %dma_wait3A_240 = tpu.memref_squeeze %dma_wait3A_239 : memref<1x!tpu.dma_semaphore, #tpu.memory_space<semaphore_mem>> -> memref<!tpu.dma_semaphore, #tpu.memory_space<semaphore_mem>>
      %dma_wait3A_241 = arith.constant 0 : i32
      %dma_wait3A_242 = tpu.memref_slice %arg2[%add3A_235, %dma_wait3A_241] : memref<65536x512xf32, #tpu.memory_space<hbm>> -> memref<16x512xf32, #tpu.memory_space<hbm>>
      tpu.wait_dma2 semaphore(%dma_wait3A_240 : memref<!tpu.dma_semaphore, #tpu.memory_space<semaphore_mem>>) src(%dma_wait3A_242 : memref<16x512xf32, #tpu.memory_space<hbm>>) dst(%arg8 : memref<16x512xf32, #tpu.memory_space<vmem>>)
      %jit3A_243 = arith.constant 32 : i32
      %div3A_244 = arith.divsi %add3A_232, %jit3A_243 : i32
      %sign3A_245 = arith.constant 0 : i32
      %sign3A_246 = arith.cmpi sgt, %add3A_232, %sign3A_245 : i32
      %sign3A_247 = arith.extui %sign3A_246 : i1 to i32
      %sign3A_248 = arith.constant 0 : i32
      %sign3A_249 = arith.cmpi slt, %add3A_232, %sign3A_248 : i32
      %sign3A_250 = arith.extui %sign3A_249 : i1 to i32
      %sign3A_251 = arith.subi %sign3A_247, %sign3A_250 : i32
      %sign3A_252 = arith.constant 0 : i32
      %sign3A_253 = arith.cmpi sgt, %jit3A_243, %sign3A_252 : i32
      %sign3A_254 = arith.extui %sign3A_253 : i1 to i32
      %sign3A_255 = arith.constant 0 : i32
      %sign3A_256 = arith.cmpi slt, %jit3A_243, %sign3A_255 : i32
      %sign3A_257 = arith.extui %sign3A_256 : i1 to i32
      %sign3A_258 = arith.subi %sign3A_254, %sign3A_257 : i32
      %ne3A_259 = arith.cmpi ne, %sign3A_251, %sign3A_258 : i32
      %rem3A_260 = arith.remsi %add3A_232, %jit3A_243 : i32
      %ne3A_261 = arith.constant 0 : i32
      %ne3A_262 = arith.cmpi ne, %rem3A_260, %ne3A_261 : i32
      %and3A_263 = arith.andi %ne3A_259, %ne3A_262 : i1
      %sub3A_264 = arith.constant 1 : i32
      %sub3A_265 = arith.subi %div3A_244, %sub3A_264 : i32
      %select_n3A_266 = arith.select %and3A_263, %sub3A_265, %div3A_244 : i32
      %jit3A_267 = arith.constant 32 : i32
      %eq3A_268 = arith.constant 0 : i32
      %eq3A_269 = arith.cmpi eq, %jit3A_267, %eq3A_268 : i32
      %jit3A_270 = arith.constant 1 : i32
      %select_n3A_271 = arith.select %eq3A_269, %jit3A_270, %jit3A_267 : i32
      %rem3A_272 = arith.remsi %add3A_232, %select_n3A_271 : i32
      %ne3A_273 = arith.constant 0 : i32
      %ne3A_274 = arith.cmpi ne, %rem3A_272, %ne3A_273 : i32
      %lt3A_275 = arith.constant 0 : i32
      %lt3A_276 = arith.cmpi slt, %rem3A_272, %lt3A_275 : i32
      %lt3A_277 = arith.constant 0 : i32
      %lt3A_278 = arith.cmpi slt, %select_n3A_271, %lt3A_277 : i32
      %ne3A_279 = arith.xori %lt3A_276, %lt3A_278 : i1
      %and3A_280 = arith.andi %ne3A_279, %ne3A_274 : i1
      %add3A_281 = arith.addi %rem3A_272, %select_n3A_271 : i32
      %select_n3A_282 = arith.select %and3A_280, %add3A_281, %rem3A_272 : i32
      %mul3A_283 = arith.constant 16 : i32
      %mul3A_284 = arith.muli %select_n3A_282, %mul3A_283 : i32
      %scan3A_285 = arith.constant 0 : i32
      %scan3A_286 = arith.constant 16 : i32
      %scan3A_287 = arith.addi %scan3A_285, %scan3A_286 : i32
      %scan3A_288 = arith.constant 8 : i32
      scf.for %scan3A_627 = %scan3A_285 to %scan3A_287 step %scan3A_288  : i32 {
        %broadcast_in_dim3A = vector.broadcast %scan3A_627 : i32 to vector<16xi32>
        %gather3A = tpu.vector_load_idx %arg8[%broadcast_in_dim3A, %min3A_18] : memref<16x512xf32, #tpu.memory_space<vmem>>[vector<16xi32>, vector<16xi32>], vector<16xf32>,
        %add3A_628 = arith.addi %mul3A_284, %scan3A_627 : i32
        %mul3A_629 = arith.constant 64 : i32
        %mul3A_630 = arith.muli %select_n3A_266, %mul3A_629 : i32
        %shift_right_arithmetic3A_631 = arith.constant 7 : i32
        %shift_right_arithmetic3A_632 = arith.shrsi %add3A_628, %shift_right_arithmetic3A_631 : i32
        %mul3A_633 = arith.constant 2 : i32
        %mul3A_634 = arith.muli %shift_right_arithmetic3A_632, %mul3A_633 : i32
        %add3A_635 = arith.addi %mul3A_630, %mul3A_634 : i32
        %broadcast_in_dim3A_636 = vector.broadcast %add3A_635 : i32 to vector<16xi32>
        %add3A_637 = arith.addi %broadcast_in_dim3A_636, %add3A_26 : vector<16xi32>
        %and3A_638 = arith.constant 127 : i32
        %and3A_639 = arith.andi %add3A_628, %and3A_638 : i32
        %broadcast_in_dim3A_640 = vector.broadcast %and3A_639 : i32 to vector<16xi32>
        tpu.vector_store_idx %arg14[%add3A_637, %broadcast_in_dim3A_640], %gather3A : memref<192x128xf32, #tpu.memory_space<vmem>>[vector<16xi32>, vector<16xi32>], vector<16xf32>,
        %scan3A_641 = arith.constant 1 : i32
        %scan3A_642 = arith.addi %scan3A_627, %scan3A_641 : i32
        %broadcast_in_dim3A_643 = vector.broadcast %scan3A_642 : i32 to vector<16xi32>
        %gather3A_644 = tpu.vector_load_idx %arg8[%broadcast_in_dim3A_643, %min3A_18] : memref<16x512xf32, #tpu.memory_space<vmem>>[vector<16xi32>, vector<16xi32>], vector<16xf32>,
        %add3A_645 = arith.addi %mul3A_284, %scan3A_642 : i32
        %mul3A_646 = arith.constant 64 : i32
        %mul3A_647 = arith.muli %select_n3A_266, %mul3A_646 : i32
        %shift_right_arithmetic3A_648 = arith.constant 7 : i32
        %shift_right_arithmetic3A_649 = arith.shrsi %add3A_645, %shift_right_arithmetic3A_648 : i32
        %mul3A_650 = arith.constant 2 : i32
        %mul3A_651 = arith.muli %shift_right_arithmetic3A_649, %mul3A_650 : i32
        %add3A_652 = arith.addi %mul3A_647, %mul3A_651 : i32
        %broadcast_in_dim3A_653 = vector.broadcast %add3A_652 : i32 to vector<16xi32>
        %add3A_654 = arith.addi %broadcast_in_dim3A_653, %add3A_26 : vector<16xi32>
        %and3A_655 = arith.constant 127 : i32
        %and3A_656 = arith.andi %add3A_645, %and3A_655 : i32
        %broadcast_in_dim3A_657 = vector.broadcast %and3A_656 : i32 to vector<16xi32>
        tpu.vector_store_idx %arg14[%add3A_654, %broadcast_in_dim3A_657], %gather3A_644 : memref<192x128xf32, #tpu.memory_space<vmem>>[vector<16xi32>, vector<16xi32>], vector<16xf32>,
        %scan3A_658 = arith.constant 2 : i32
        %scan3A_659 = arith.addi %scan3A_627, %scan3A_658 : i32
        %broadcast_in_dim3A_660 = vector.broadcast %scan3A_659 : i32 to vector<16xi32>
        %gather3A_661 = tpu.vector_load_idx %arg8[%broadcast_in_dim3A_660, %min3A_18] : memref<16x512xf32, #tpu.memory_space<vmem>>[vector<16xi32>, vector<16xi32>], vector<16xf32>,
        %add3A_662 = arith.addi %mul3A_284, %scan3A_659 : i32
        %mul3A_663 = arith.constant 64 : i32
        %mul3A_664 = arith.muli %select_n3A_266, %mul3A_663 : i32
        %shift_right_arithmetic3A_665 = arith.constant 7 : i32
        %shift_right_arithmetic3A_666 = arith.shrsi %add3A_662, %shift_right_arithmetic3A_665 : i32
        %mul3A_667 = arith.constant 2 : i32
        %mul3A_668 = arith.muli %shift_right_arithmetic3A_666, %mul3A_667 : i32
        %add3A_669 = arith.addi %mul3A_664, %mul3A_668 : i32
        %broadcast_in_dim3A_670 = vector.broadcast %add3A_669 : i32 to vector<16xi32>
        %add3A_671 = arith.addi %broadcast_in_dim3A_670, %add3A_26 : vector<16xi32>
        %and3A_672 = arith.constant 127 : i32
        %and3A_673 = arith.andi %add3A_662, %and3A_672 : i32
        %broadcast_in_dim3A_674 = vector.broadcast %and3A_673 : i32 to vector<16xi32>
        tpu.vector_store_idx %arg14[%add3A_671, %broadcast_in_dim3A_674], %gather3A_661 : memref<192x128xf32, #tpu.memory_space<vmem>>[vector<16xi32>, vector<16xi32>], vector<16xf32>,
        %scan3A_675 = arith.constant 3 : i32
        %scan3A_676 = arith.addi %scan3A_627, %scan3A_675 : i32
        %broadcast_in_dim3A_677 = vector.broadcast %scan3A_676 : i32 to vector<16xi32>
        %gather3A_678 = tpu.vector_load_idx %arg8[%broadcast_in_dim3A_677, %min3A_18] : memref<16x512xf32, #tpu.memory_space<vmem>>[vector<16xi32>, vector<16xi32>], vector<16xf32>,
        %add3A_679 = arith.addi %mul3A_284, %scan3A_676 : i32
        %mul3A_680 = arith.constant 64 : i32
        %mul3A_681 = arith.muli %select_n3A_266, %mul3A_680 : i32
        %shift_right_arithmetic3A_682 = arith.constant 7 : i32
        %shift_right_arithmetic3A_683 = arith.shrsi %add3A_679, %shift_right_arithmetic3A_682 : i32
        %mul3A_684 = arith.constant 2 : i32
        %mul3A_685 = arith.muli %shift_right_arithmetic3A_683, %mul3A_684 : i32
        %add3A_686 = arith.addi %mul3A_681, %mul3A_685 : i32
        %broadcast_in_dim3A_687 = vector.broadcast %add3A_686 : i32 to vector<16xi32>
        %add3A_688 = arith.addi %broadcast_in_dim3A_687, %add3A_26 : vector<16xi32>
        %and3A_689 = arith.constant 127 : i32
        %and3A_690 = arith.andi %add3A_679, %and3A_689 : i32
        %broadcast_in_dim3A_691 = vector.broadcast %and3A_690 : i32 to vector<16xi32>
        tpu.vector_store_idx %arg14[%add3A_688, %broadcast_in_dim3A_691], %gather3A_678 : memref<192x128xf32, #tpu.memory_space<vmem>>[vector<16xi32>, vector<16xi32>], vector<16xf32>,
        %scan3A_692 = arith.constant 4 : i32
        %scan3A_693 = arith.addi %scan3A_627, %scan3A_692 : i32
        %broadcast_in_dim3A_694 = vector.broadcast %scan3A_693 : i32 to vector<16xi32>
        %gather3A_695 = tpu.vector_load_idx %arg8[%broadcast_in_dim3A_694, %min3A_18] : memref<16x512xf32, #tpu.memory_space<vmem>>[vector<16xi32>, vector<16xi32>], vector<16xf32>,
        %add3A_696 = arith.addi %mul3A_284, %scan3A_693 : i32
        %mul3A_697 = arith.constant 64 : i32
        %mul3A_698 = arith.muli %select_n3A_266, %mul3A_697 : i32
        %shift_right_arithmetic3A_699 = arith.constant 7 : i32
        %shift_right_arithmetic3A_700 = arith.shrsi %add3A_696, %shift_right_arithmetic3A_699 : i32
        %mul3A_701 = arith.constant 2 : i32
        %mul3A_702 = arith.muli %shift_right_arithmetic3A_700, %mul3A_701 : i32
        %add3A_703 = arith.addi %mul3A_698, %mul3A_702 : i32
        %broadcast_in_dim3A_704 = vector.broadcast %add3A_703 : i32 to vector<16xi32>
        %add3A_705 = arith.addi %broadcast_in_dim3A_704, %add3A_26 : vector<16xi32>
        %and3A_706 = arith.constant 127 : i32
        %and3A_707 = arith.andi %add3A_696, %and3A_706 : i32
        %broadcast_in_dim3A_708 = vector.broadcast %and3A_707 : i32 to vector<16xi32>
        tpu.vector_store_idx %arg14[%add3A_705, %broadcast_in_dim3A_708], %gather3A_695 : memref<192x128xf32, #tpu.memory_space<vmem>>[vector<16xi32>, vector<16xi32>], vector<16xf32>,
        %scan3A_709 = arith.constant 5 : i32
        %scan3A_710 = arith.addi %scan3A_627, %scan3A_709 : i32
        %broadcast_in_dim3A_711 = vector.broadcast %scan3A_710 : i32 to vector<16xi32>
        %gather3A_712 = tpu.vector_load_idx %arg8[%broadcast_in_dim3A_711, %min3A_18] : memref<16x512xf32, #tpu.memory_space<vmem>>[vector<16xi32>, vector<16xi32>], vector<16xf32>,
        %add3A_713 = arith.addi %mul3A_284, %scan3A_710 : i32
        %mul3A_714 = arith.constant 64 : i32
        %mul3A_715 = arith.muli %select_n3A_266, %mul3A_714 : i32
        %shift_right_arithmetic3A_716 = arith.constant 7 : i32
        %shift_right_arithmetic3A_717 = arith.shrsi %add3A_713, %shift_right_arithmetic3A_716 : i32
        %mul3A_718 = arith.constant 2 : i32
        %mul3A_719 = arith.muli %shift_right_arithmetic3A_717, %mul3A_718 : i32
        %add3A_720 = arith.addi %mul3A_715, %mul3A_719 : i32
        %broadcast_in_dim3A_721 = vector.broadcast %add3A_720 : i32 to vector<16xi32>
        %add3A_722 = arith.addi %broadcast_in_dim3A_721, %add3A_26 : vector<16xi32>
        %and3A_723 = arith.constant 127 : i32
        %and3A_724 = arith.andi %add3A_713, %and3A_723 : i32
        %broadcast_in_dim3A_725 = vector.broadcast %and3A_724 : i32 to vector<16xi32>
        tpu.vector_store_idx %arg14[%add3A_722, %broadcast_in_dim3A_725], %gather3A_712 : memref<192x128xf32, #tpu.memory_space<vmem>>[vector<16xi32>, vector<16xi32>], vector<16xf32>,
        %scan3A_726 = arith.constant 6 : i32
        %scan3A_727 = arith.addi %scan3A_627, %scan3A_726 : i32
        %broadcast_in_dim3A_728 = vector.broadcast %scan3A_727 : i32 to vector<16xi32>
        %gather3A_729 = tpu.vector_load_idx %arg8[%broadcast_in_dim3A_728, %min3A_18] : memref<16x512xf32, #tpu.memory_space<vmem>>[vector<16xi32>, vector<16xi32>], vector<16xf32>,
        %add3A_730 = arith.addi %mul3A_284, %scan3A_727 : i32
        %mul3A_731 = arith.constant 64 : i32
        %mul3A_732 = arith.muli %select_n3A_266, %mul3A_731 : i32
        %shift_right_arithmetic3A_733 = arith.constant 7 : i32
        %shift_right_arithmetic3A_734 = arith.shrsi %add3A_730, %shift_right_arithmetic3A_733 : i32
        %mul3A_735 = arith.constant 2 : i32
        %mul3A_736 = arith.muli %shift_right_arithmetic3A_734, %mul3A_735 : i32
        %add3A_737 = arith.addi %mul3A_732, %mul3A_736 : i32
        %broadcast_in_dim3A_738 = vector.broadcast %add3A_737 : i32 to vector<16xi32>
        %add3A_739 = arith.addi %broadcast_in_dim3A_738, %add3A_26 : vector<16xi32>
        %and3A_740 = arith.constant 127 : i32
        %and3A_741 = arith.andi %add3A_730, %and3A_740 : i32
        %broadcast_in_dim3A_742 = vector.broadcast %and3A_741 : i32 to vector<16xi32>
        tpu.vector_store_idx %arg14[%add3A_739, %broadcast_in_dim3A_742], %gather3A_729 : memref<192x128xf32, #tpu.memory_space<vmem>>[vector<16xi32>, vector<16xi32>], vector<16xf32>,
        %scan3A_743 = arith.constant 7 : i32
        %scan3A_744 = arith.addi %scan3A_627, %scan3A_743 : i32
        %broadcast_in_dim3A_745 = vector.broadcast %scan3A_744 : i32 to vector<16xi32>
        %gather3A_746 = tpu.vector_load_idx %arg8[%broadcast_in_dim3A_745, %min3A_18] : memref<16x512xf32, #tpu.memory_space<vmem>>[vector<16xi32>, vector<16xi32>], vector<16xf32>,
        %add3A_747 = arith.addi %mul3A_284, %scan3A_744 : i32
        %mul3A_748 = arith.constant 64 : i32
        %mul3A_749 = arith.muli %select_n3A_266, %mul3A_748 : i32
        %shift_right_arithmetic3A_750 = arith.constant 7 : i32
        %shift_right_arithmetic3A_751 = arith.shrsi %add3A_747, %shift_right_arithmetic3A_750 : i32
        %mul3A_752 = arith.constant 2 : i32
        %mul3A_753 = arith.muli %shift_right_arithmetic3A_751, %mul3A_752 : i32
        %add3A_754 = arith.addi %mul3A_749, %mul3A_753 : i32
        %broadcast_in_dim3A_755 = vector.broadcast %add3A_754 : i32 to vector<16xi32>
        %add3A_756 = arith.addi %broadcast_in_dim3A_755, %add3A_26 : vector<16xi32>
        %and3A_757 = arith.constant 127 : i32
        %and3A_758 = arith.andi %add3A_747, %and3A_757 : i32
        %broadcast_in_dim3A_759 = vector.broadcast %and3A_758 : i32 to vector<16xi32>
        tpu.vector_store_idx %arg14[%add3A_756, %broadcast_in_dim3A_759], %gather3A_746 : memref<192x128xf32, #tpu.memory_space<vmem>>[vector<16xi32>, vector<16xi32>], vector<16xf32>,
      }
      %scan3A_289 = arith.constant 16 : i32
      %add3A_290 = arith.constant 8 : i32
      %add3A_291 = arith.addi %add3A_232, %add3A_290 : i32
      %lt3A_292 = arith.constant 96 : i32
      %lt3A_293 = arith.cmpi slt, %add3A_291, %lt3A_292 : i32
      %convert_element_type3A_294 = arith.extui %lt3A_293 : i1 to i32
      %cond3A_295 = arith.constant 0 : i32
      %cond3A_296 = arith.cmpi ne, %convert_element_type3A_294, %cond3A_295 : i32
      scf.if %cond3A_296 {
        %add3A_627 = arith.constant 8 : i32
        %add3A_628 = arith.addi %add3A_232, %add3A_627 : i32
        %mul3A_629 = arith.constant 16 : i32
        %mul3A_630 = arith.muli %add3A_628, %mul3A_629 : i32
        %add3A_631 = arith.addi %mul3A_2, %mul3A_630 : i32
        %dma_start3A_632 = arith.constant 2 : i32
        %dma_start3A_633 = arith.constant 0 : i32
        %dma_start3A_634 = tpu.memref_slice %arg2[%add3A_631, %dma_start3A_633] : memref<65536x512xf32, #tpu.memory_space<hbm>> -> memref<16x512xf32, #tpu.memory_space<hbm>>
        %dma_start3A_635 = tpu.memref_slice %arg15[%dma_start3A_632] : memref<8x!tpu.dma_semaphore, #tpu.memory_space<semaphore_mem>> -> memref<1x!tpu.dma_semaphore, #tpu.memory_space<semaphore_mem>>
        %dma_start3A_636 = tpu.memref_squeeze %dma_start3A_635 : memref<1x!tpu.dma_semaphore, #tpu.memory_space<semaphore_mem>> -> memref<!tpu.dma_semaphore, #tpu.memory_space<semaphore_mem>>
        %dma_start3A_637 = arith.constant 0 : i32
        %dma_start3A_638 = tpu.memref_slice %arg2[%add3A_631, %dma_start3A_637] : memref<65536x512xf32, #tpu.memory_space<hbm>> -> memref<16x512xf32, #tpu.memory_space<hbm>>
        tpu.enqueue_dma source(%dma_start3A_638 : memref<16x512xf32, #tpu.memory_space<hbm>>) target(%arg8 : memref<16x512xf32, #tpu.memory_space<vmem>>) target_semaphore(%dma_start3A_636 : memref<!tpu.dma_semaphore, #tpu.memory_space<semaphore_mem>>)
      } else {
      }
      %add3A_297 = arith.constant 3 : i32
      %add3A_298 = arith.addi %add3A_108, %add3A_297 : i32
      %mul3A_299 = arith.constant 16 : i32
      %mul3A_300 = arith.muli %add3A_298, %mul3A_299 : i32
      %add3A_301 = arith.addi %mul3A_2, %mul3A_300 : i32
      %dma_wait3A_302 = arith.constant 3 : i32
      %dma_wait3A_303 = arith.constant 0 : i32
      %dma_wait3A_304 = tpu.memref_slice %arg2[%add3A_301, %dma_wait3A_303] : memref<65536x512xf32, #tpu.memory_space<hbm>> -> memref<16x512xf32, #tpu.memory_space<hbm>>
      %dma_wait3A_305 = tpu.memref_slice %arg15[%dma_wait3A_302] : memref<8x!tpu.dma_semaphore, #tpu.memory_space<semaphore_mem>> -> memref<1x!tpu.dma_semaphore, #tpu.memory_space<semaphore_mem>>
      %dma_wait3A_306 = tpu.memref_squeeze %dma_wait3A_305 : memref<1x!tpu.dma_semaphore, #tpu.memory_space<semaphore_mem>> -> memref<!tpu.dma_semaphore, #tpu.memory_space<semaphore_mem>>
      %dma_wait3A_307 = arith.constant 0 : i32
      %dma_wait3A_308 = tpu.memref_slice %arg2[%add3A_301, %dma_wait3A_307] : memref<65536x512xf32, #tpu.memory_space<hbm>> -> memref<16x512xf32, #tpu.memory_space<hbm>>
      tpu.wait_dma2 semaphore(%dma_wait3A_306 : memref<!tpu.dma_semaphore, #tpu.memory_space<semaphore_mem>>) src(%dma_wait3A_308 : memref<16x512xf32, #tpu.memory_space<hbm>>) dst(%arg9 : memref<16x512xf32, #tpu.memory_space<vmem>>)
      %jit3A_309 = arith.constant 32 : i32
      %div3A_310 = arith.divsi %add3A_298, %jit3A_309 : i32
      %sign3A_311 = arith.constant 0 : i32
      %sign3A_312 = arith.cmpi sgt, %add3A_298, %sign3A_311 : i32
      %sign3A_313 = arith.extui %sign3A_312 : i1 to i32
      %sign3A_314 = arith.constant 0 : i32
      %sign3A_315 = arith.cmpi slt, %add3A_298, %sign3A_314 : i32
      %sign3A_316 = arith.extui %sign3A_315 : i1 to i32
      %sign3A_317 = arith.subi %sign3A_313, %sign3A_316 : i32
      %sign3A_318 = arith.constant 0 : i32
      %sign3A_319 = arith.cmpi sgt, %jit3A_309, %sign3A_318 : i32
      %sign3A_320 = arith.extui %sign3A_319 : i1 to i32
      %sign3A_321 = arith.constant 0 : i32
      %sign3A_322 = arith.cmpi slt, %jit3A_309, %sign3A_321 : i32
      %sign3A_323 = arith.extui %sign3A_322 : i1 to i32
      %sign3A_324 = arith.subi %sign3A_320, %sign3A_323 : i32
      %ne3A_325 = arith.cmpi ne, %sign3A_317, %sign3A_324 : i32
      %rem3A_326 = arith.remsi %add3A_298, %jit3A_309 : i32
      %ne3A_327 = arith.constant 0 : i32
      %ne3A_328 = arith.cmpi ne, %rem3A_326, %ne3A_327 : i32
      %and3A_329 = arith.andi %ne3A_325, %ne3A_328 : i1
      %sub3A_330 = arith.constant 1 : i32
      %sub3A_331 = arith.subi %div3A_310, %sub3A_330 : i32
      %select_n3A_332 = arith.select %and3A_329, %sub3A_331, %div3A_310 : i32
      %jit3A_333 = arith.constant 32 : i32
      %eq3A_334 = arith.constant 0 : i32
      %eq3A_335 = arith.cmpi eq, %jit3A_333, %eq3A_334 : i32
      %jit3A_336 = arith.constant 1 : i32
      %select_n3A_337 = arith.select %eq3A_335, %jit3A_336, %jit3A_333 : i32
      %rem3A_338 = arith.remsi %add3A_298, %select_n3A_337 : i32
      %ne3A_339 = arith.constant 0 : i32
      %ne3A_340 = arith.cmpi ne, %rem3A_338, %ne3A_339 : i32
      %lt3A_341 = arith.constant 0 : i32
      %lt3A_342 = arith.cmpi slt, %rem3A_338, %lt3A_341 : i32
      %lt3A_343 = arith.constant 0 : i32
      %lt3A_344 = arith.cmpi slt, %select_n3A_337, %lt3A_343 : i32
      %ne3A_345 = arith.xori %lt3A_342, %lt3A_344 : i1
      %and3A_346 = arith.andi %ne3A_345, %ne3A_340 : i1
      %add3A_347 = arith.addi %rem3A_338, %select_n3A_337 : i32
      %select_n3A_348 = arith.select %and3A_346, %add3A_347, %rem3A_338 : i32
      %mul3A_349 = arith.constant 16 : i32
      %mul3A_350 = arith.muli %select_n3A_348, %mul3A_349 : i32
      %scan3A_351 = arith.constant 0 : i32
      %scan3A_352 = arith.constant 16 : i32
      %scan3A_353 = arith.addi %scan3A_351, %scan3A_352 : i32
      %scan3A_354 = arith.constant 8 : i32
      scf.for %scan3A_627 = %scan3A_351 to %scan3A_353 step %scan3A_354  : i32 {
        %broadcast_in_dim3A = vector.broadcast %scan3A_627 : i32 to vector<16xi32>
        %gather3A = tpu.vector_load_idx %arg9[%broadcast_in_dim3A, %min3A_18] : memref<16x512xf32, #tpu.memory_space<vmem>>[vector<16xi32>, vector<16xi32>], vector<16xf32>,
        %add3A_628 = arith.addi %mul3A_350, %scan3A_627 : i32
        %mul3A_629 = arith.constant 64 : i32
        %mul3A_630 = arith.muli %select_n3A_332, %mul3A_629 : i32
        %shift_right_arithmetic3A_631 = arith.constant 7 : i32
        %shift_right_arithmetic3A_632 = arith.shrsi %add3A_628, %shift_right_arithmetic3A_631 : i32
        %mul3A_633 = arith.constant 2 : i32
        %mul3A_634 = arith.muli %shift_right_arithmetic3A_632, %mul3A_633 : i32
        %add3A_635 = arith.addi %mul3A_630, %mul3A_634 : i32
        %broadcast_in_dim3A_636 = vector.broadcast %add3A_635 : i32 to vector<16xi32>
        %add3A_637 = arith.addi %broadcast_in_dim3A_636, %add3A_26 : vector<16xi32>
        %and3A_638 = arith.constant 127 : i32
        %and3A_639 = arith.andi %add3A_628, %and3A_638 : i32
        %broadcast_in_dim3A_640 = vector.broadcast %and3A_639 : i32 to vector<16xi32>
        tpu.vector_store_idx %arg14[%add3A_637, %broadcast_in_dim3A_640], %gather3A : memref<192x128xf32, #tpu.memory_space<vmem>>[vector<16xi32>, vector<16xi32>], vector<16xf32>,
        %scan3A_641 = arith.constant 1 : i32
        %scan3A_642 = arith.addi %scan3A_627, %scan3A_641 : i32
        %broadcast_in_dim3A_643 = vector.broadcast %scan3A_642 : i32 to vector<16xi32>
        %gather3A_644 = tpu.vector_load_idx %arg9[%broadcast_in_dim3A_643, %min3A_18] : memref<16x512xf32, #tpu.memory_space<vmem>>[vector<16xi32>, vector<16xi32>], vector<16xf32>,
        %add3A_645 = arith.addi %mul3A_350, %scan3A_642 : i32
        %mul3A_646 = arith.constant 64 : i32
        %mul3A_647 = arith.muli %select_n3A_332, %mul3A_646 : i32
        %shift_right_arithmetic3A_648 = arith.constant 7 : i32
        %shift_right_arithmetic3A_649 = arith.shrsi %add3A_645, %shift_right_arithmetic3A_648 : i32
        %mul3A_650 = arith.constant 2 : i32
        %mul3A_651 = arith.muli %shift_right_arithmetic3A_649, %mul3A_650 : i32
        %add3A_652 = arith.addi %mul3A_647, %mul3A_651 : i32
        %broadcast_in_dim3A_653 = vector.broadcast %add3A_652 : i32 to vector<16xi32>
        %add3A_654 = arith.addi %broadcast_in_dim3A_653, %add3A_26 : vector<16xi32>
        %and3A_655 = arith.constant 127 : i32
        %and3A_656 = arith.andi %add3A_645, %and3A_655 : i32
        %broadcast_in_dim3A_657 = vector.broadcast %and3A_656 : i32 to vector<16xi32>
        tpu.vector_store_idx %arg14[%add3A_654, %broadcast_in_dim3A_657], %gather3A_644 : memref<192x128xf32, #tpu.memory_space<vmem>>[vector<16xi32>, vector<16xi32>], vector<16xf32>,
        %scan3A_658 = arith.constant 2 : i32
        %scan3A_659 = arith.addi %scan3A_627, %scan3A_658 : i32
        %broadcast_in_dim3A_660 = vector.broadcast %scan3A_659 : i32 to vector<16xi32>
        %gather3A_661 = tpu.vector_load_idx %arg9[%broadcast_in_dim3A_660, %min3A_18] : memref<16x512xf32, #tpu.memory_space<vmem>>[vector<16xi32>, vector<16xi32>], vector<16xf32>,
        %add3A_662 = arith.addi %mul3A_350, %scan3A_659 : i32
        %mul3A_663 = arith.constant 64 : i32
        %mul3A_664 = arith.muli %select_n3A_332, %mul3A_663 : i32
        %shift_right_arithmetic3A_665 = arith.constant 7 : i32
        %shift_right_arithmetic3A_666 = arith.shrsi %add3A_662, %shift_right_arithmetic3A_665 : i32
        %mul3A_667 = arith.constant 2 : i32
        %mul3A_668 = arith.muli %shift_right_arithmetic3A_666, %mul3A_667 : i32
        %add3A_669 = arith.addi %mul3A_664, %mul3A_668 : i32
        %broadcast_in_dim3A_670 = vector.broadcast %add3A_669 : i32 to vector<16xi32>
        %add3A_671 = arith.addi %broadcast_in_dim3A_670, %add3A_26 : vector<16xi32>
        %and3A_672 = arith.constant 127 : i32
        %and3A_673 = arith.andi %add3A_662, %and3A_672 : i32
        %broadcast_in_dim3A_674 = vector.broadcast %and3A_673 : i32 to vector<16xi32>
        tpu.vector_store_idx %arg14[%add3A_671, %broadcast_in_dim3A_674], %gather3A_661 : memref<192x128xf32, #tpu.memory_space<vmem>>[vector<16xi32>, vector<16xi32>], vector<16xf32>,
        %scan3A_675 = arith.constant 3 : i32
        %scan3A_676 = arith.addi %scan3A_627, %scan3A_675 : i32
        %broadcast_in_dim3A_677 = vector.broadcast %scan3A_676 : i32 to vector<16xi32>
        %gather3A_678 = tpu.vector_load_idx %arg9[%broadcast_in_dim3A_677, %min3A_18] : memref<16x512xf32, #tpu.memory_space<vmem>>[vector<16xi32>, vector<16xi32>], vector<16xf32>,
        %add3A_679 = arith.addi %mul3A_350, %scan3A_676 : i32
        %mul3A_680 = arith.constant 64 : i32
        %mul3A_681 = arith.muli %select_n3A_332, %mul3A_680 : i32
        %shift_right_arithmetic3A_682 = arith.constant 7 : i32
        %shift_right_arithmetic3A_683 = arith.shrsi %add3A_679, %shift_right_arithmetic3A_682 : i32
        %mul3A_684 = arith.constant 2 : i32
        %mul3A_685 = arith.muli %shift_right_arithmetic3A_683, %mul3A_684 : i32
        %add3A_686 = arith.addi %mul3A_681, %mul3A_685 : i32
        %broadcast_in_dim3A_687 = vector.broadcast %add3A_686 : i32 to vector<16xi32>
        %add3A_688 = arith.addi %broadcast_in_dim3A_687, %add3A_26 : vector<16xi32>
        %and3A_689 = arith.constant 127 : i32
        %and3A_690 = arith.andi %add3A_679, %and3A_689 : i32
        %broadcast_in_dim3A_691 = vector.broadcast %and3A_690 : i32 to vector<16xi32>
        tpu.vector_store_idx %arg14[%add3A_688, %broadcast_in_dim3A_691], %gather3A_678 : memref<192x128xf32, #tpu.memory_space<vmem>>[vector<16xi32>, vector<16xi32>], vector<16xf32>,
        %scan3A_692 = arith.constant 4 : i32
        %scan3A_693 = arith.addi %scan3A_627, %scan3A_692 : i32
        %broadcast_in_dim3A_694 = vector.broadcast %scan3A_693 : i32 to vector<16xi32>
        %gather3A_695 = tpu.vector_load_idx %arg9[%broadcast_in_dim3A_694, %min3A_18] : memref<16x512xf32, #tpu.memory_space<vmem>>[vector<16xi32>, vector<16xi32>], vector<16xf32>,
        %add3A_696 = arith.addi %mul3A_350, %scan3A_693 : i32
        %mul3A_697 = arith.constant 64 : i32
        %mul3A_698 = arith.muli %select_n3A_332, %mul3A_697 : i32
        %shift_right_arithmetic3A_699 = arith.constant 7 : i32
        %shift_right_arithmetic3A_700 = arith.shrsi %add3A_696, %shift_right_arithmetic3A_699 : i32
        %mul3A_701 = arith.constant 2 : i32
        %mul3A_702 = arith.muli %shift_right_arithmetic3A_700, %mul3A_701 : i32
        %add3A_703 = arith.addi %mul3A_698, %mul3A_702 : i32
        %broadcast_in_dim3A_704 = vector.broadcast %add3A_703 : i32 to vector<16xi32>
        %add3A_705 = arith.addi %broadcast_in_dim3A_704, %add3A_26 : vector<16xi32>
        %and3A_706 = arith.constant 127 : i32
        %and3A_707 = arith.andi %add3A_696, %and3A_706 : i32
        %broadcast_in_dim3A_708 = vector.broadcast %and3A_707 : i32 to vector<16xi32>
        tpu.vector_store_idx %arg14[%add3A_705, %broadcast_in_dim3A_708], %gather3A_695 : memref<192x128xf32, #tpu.memory_space<vmem>>[vector<16xi32>, vector<16xi32>], vector<16xf32>,
        %scan3A_709 = arith.constant 5 : i32
        %scan3A_710 = arith.addi %scan3A_627, %scan3A_709 : i32
        %broadcast_in_dim3A_711 = vector.broadcast %scan3A_710 : i32 to vector<16xi32>
        %gather3A_712 = tpu.vector_load_idx %arg9[%broadcast_in_dim3A_711, %min3A_18] : memref<16x512xf32, #tpu.memory_space<vmem>>[vector<16xi32>, vector<16xi32>], vector<16xf32>,
        %add3A_713 = arith.addi %mul3A_350, %scan3A_710 : i32
        %mul3A_714 = arith.constant 64 : i32
        %mul3A_715 = arith.muli %select_n3A_332, %mul3A_714 : i32
        %shift_right_arithmetic3A_716 = arith.constant 7 : i32
        %shift_right_arithmetic3A_717 = arith.shrsi %add3A_713, %shift_right_arithmetic3A_716 : i32
        %mul3A_718 = arith.constant 2 : i32
        %mul3A_719 = arith.muli %shift_right_arithmetic3A_717, %mul3A_718 : i32
        %add3A_720 = arith.addi %mul3A_715, %mul3A_719 : i32
        %broadcast_in_dim3A_721 = vector.broadcast %add3A_720 : i32 to vector<16xi32>
        %add3A_722 = arith.addi %broadcast_in_dim3A_721, %add3A_26 : vector<16xi32>
        %and3A_723 = arith.constant 127 : i32
        %and3A_724 = arith.andi %add3A_713, %and3A_723 : i32
        %broadcast_in_dim3A_725 = vector.broadcast %and3A_724 : i32 to vector<16xi32>
        tpu.vector_store_idx %arg14[%add3A_722, %broadcast_in_dim3A_725], %gather3A_712 : memref<192x128xf32, #tpu.memory_space<vmem>>[vector<16xi32>, vector<16xi32>], vector<16xf32>,
        %scan3A_726 = arith.constant 6 : i32
        %scan3A_727 = arith.addi %scan3A_627, %scan3A_726 : i32
        %broadcast_in_dim3A_728 = vector.broadcast %scan3A_727 : i32 to vector<16xi32>
        %gather3A_729 = tpu.vector_load_idx %arg9[%broadcast_in_dim3A_728, %min3A_18] : memref<16x512xf32, #tpu.memory_space<vmem>>[vector<16xi32>, vector<16xi32>], vector<16xf32>,
        %add3A_730 = arith.addi %mul3A_350, %scan3A_727 : i32
        %mul3A_731 = arith.constant 64 : i32
        %mul3A_732 = arith.muli %select_n3A_332, %mul3A_731 : i32
        %shift_right_arithmetic3A_733 = arith.constant 7 : i32
        %shift_right_arithmetic3A_734 = arith.shrsi %add3A_730, %shift_right_arithmetic3A_733 : i32
        %mul3A_735 = arith.constant 2 : i32
        %mul3A_736 = arith.muli %shift_right_arithmetic3A_734, %mul3A_735 : i32
        %add3A_737 = arith.addi %mul3A_732, %mul3A_736 : i32
        %broadcast_in_dim3A_738 = vector.broadcast %add3A_737 : i32 to vector<16xi32>
        %add3A_739 = arith.addi %broadcast_in_dim3A_738, %add3A_26 : vector<16xi32>
        %and3A_740 = arith.constant 127 : i32
        %and3A_741 = arith.andi %add3A_730, %and3A_740 : i32
        %broadcast_in_dim3A_742 = vector.broadcast %and3A_741 : i32 to vector<16xi32>
        tpu.vector_store_idx %arg14[%add3A_739, %broadcast_in_dim3A_742], %gather3A_729 : memref<192x128xf32, #tpu.memory_space<vmem>>[vector<16xi32>, vector<16xi32>], vector<16xf32>,
        %scan3A_743 = arith.constant 7 : i32
        %scan3A_744 = arith.addi %scan3A_627, %scan3A_743 : i32
        %broadcast_in_dim3A_745 = vector.broadcast %scan3A_744 : i32 to vector<16xi32>
        %gather3A_746 = tpu.vector_load_idx %arg9[%broadcast_in_dim3A_745, %min3A_18] : memref<16x512xf32, #tpu.memory_space<vmem>>[vector<16xi32>, vector<16xi32>], vector<16xf32>,
        %add3A_747 = arith.addi %mul3A_350, %scan3A_744 : i32
        %mul3A_748 = arith.constant 64 : i32
        %mul3A_749 = arith.muli %select_n3A_332, %mul3A_748 : i32
        %shift_right_arithmetic3A_750 = arith.constant 7 : i32
        %shift_right_arithmetic3A_751 = arith.shrsi %add3A_747, %shift_right_arithmetic3A_750 : i32
        %mul3A_752 = arith.constant 2 : i32
        %mul3A_753 = arith.muli %shift_right_arithmetic3A_751, %mul3A_752 : i32
        %add3A_754 = arith.addi %mul3A_749, %mul3A_753 : i32
        %broadcast_in_dim3A_755 = vector.broadcast %add3A_754 : i32 to vector<16xi32>
        %add3A_756 = arith.addi %broadcast_in_dim3A_755, %add3A_26 : vector<16xi32>
        %and3A_757 = arith.constant 127 : i32
        %and3A_758 = arith.andi %add3A_747, %and3A_757 : i32
        %broadcast_in_dim3A_759 = vector.broadcast %and3A_758 : i32 to vector<16xi32>
        tpu.vector_store_idx %arg14[%add3A_756, %broadcast_in_dim3A_759], %gather3A_746 : memref<192x128xf32, #tpu.memory_space<vmem>>[vector<16xi32>, vector<16xi32>], vector<16xf32>,
      }
      %scan3A_355 = arith.constant 16 : i32
      %add3A_356 = arith.constant 8 : i32
      %add3A_357 = arith.addi %add3A_298, %add3A_356 : i32
      %lt3A_358 = arith.constant 96 : i32
      %lt3A_359 = arith.cmpi slt, %add3A_357, %lt3A_358 : i32
      %convert_element_type3A_360 = arith.extui %lt3A_359 : i1 to i32
      %cond3A_361 = arith.constant 0 : i32
      %cond3A_362 = arith.cmpi ne, %convert_element_type3A_360, %cond3A_361 : i32
      scf.if %cond3A_362 {
        %add3A_627 = arith.constant 8 : i32
        %add3A_628 = arith.addi %add3A_298, %add3A_627 : i32
        %mul3A_629 = arith.constant 16 : i32
        %mul3A_630 = arith.muli %add3A_628, %mul3A_629 : i32
        %add3A_631 = arith.addi %mul3A_2, %mul3A_630 : i32
        %dma_start3A_632 = arith.constant 3 : i32
        %dma_start3A_633 = arith.constant 0 : i32
        %dma_start3A_634 = tpu.memref_slice %arg2[%add3A_631, %dma_start3A_633] : memref<65536x512xf32, #tpu.memory_space<hbm>> -> memref<16x512xf32, #tpu.memory_space<hbm>>
        %dma_start3A_635 = tpu.memref_slice %arg15[%dma_start3A_632] : memref<8x!tpu.dma_semaphore, #tpu.memory_space<semaphore_mem>> -> memref<1x!tpu.dma_semaphore, #tpu.memory_space<semaphore_mem>>
        %dma_start3A_636 = tpu.memref_squeeze %dma_start3A_635 : memref<1x!tpu.dma_semaphore, #tpu.memory_space<semaphore_mem>> -> memref<!tpu.dma_semaphore, #tpu.memory_space<semaphore_mem>>
        %dma_start3A_637 = arith.constant 0 : i32
        %dma_start3A_638 = tpu.memref_slice %arg2[%add3A_631, %dma_start3A_637] : memref<65536x512xf32, #tpu.memory_space<hbm>> -> memref<16x512xf32, #tpu.memory_space<hbm>>
        tpu.enqueue_dma source(%dma_start3A_638 : memref<16x512xf32, #tpu.memory_space<hbm>>) target(%arg9 : memref<16x512xf32, #tpu.memory_space<vmem>>) target_semaphore(%dma_start3A_636 : memref<!tpu.dma_semaphore, #tpu.memory_space<semaphore_mem>>)
      } else {
      }
      %add3A_363 = arith.constant 4 : i32
      %add3A_364 = arith.addi %add3A_108, %add3A_363 : i32
      %mul3A_365 = arith.constant 16 : i32
      %mul3A_366 = arith.muli %add3A_364, %mul3A_365 : i32
      %add3A_367 = arith.addi %mul3A_2, %mul3A_366 : i32
      %dma_wait3A_368 = arith.constant 4 : i32
      %dma_wait3A_369 = arith.constant 0 : i32
      %dma_wait3A_370 = tpu.memref_slice %arg2[%add3A_367, %dma_wait3A_369] : memref<65536x512xf32, #tpu.memory_space<hbm>> -> memref<16x512xf32, #tpu.memory_space<hbm>>
      %dma_wait3A_371 = tpu.memref_slice %arg15[%dma_wait3A_368] : memref<8x!tpu.dma_semaphore, #tpu.memory_space<semaphore_mem>> -> memref<1x!tpu.dma_semaphore, #tpu.memory_space<semaphore_mem>>
      %dma_wait3A_372 = tpu.memref_squeeze %dma_wait3A_371 : memref<1x!tpu.dma_semaphore, #tpu.memory_space<semaphore_mem>> -> memref<!tpu.dma_semaphore, #tpu.memory_space<semaphore_mem>>
      %dma_wait3A_373 = arith.constant 0 : i32
      %dma_wait3A_374 = tpu.memref_slice %arg2[%add3A_367, %dma_wait3A_373] : memref<65536x512xf32, #tpu.memory_space<hbm>> -> memref<16x512xf32, #tpu.memory_space<hbm>>
      tpu.wait_dma2 semaphore(%dma_wait3A_372 : memref<!tpu.dma_semaphore, #tpu.memory_space<semaphore_mem>>) src(%dma_wait3A_374 : memref<16x512xf32, #tpu.memory_space<hbm>>) dst(%arg10 : memref<16x512xf32, #tpu.memory_space<vmem>>)
      %jit3A_375 = arith.constant 32 : i32
      %div3A_376 = arith.divsi %add3A_364, %jit3A_375 : i32
      %sign3A_377 = arith.constant 0 : i32
      %sign3A_378 = arith.cmpi sgt, %add3A_364, %sign3A_377 : i32
      %sign3A_379 = arith.extui %sign3A_378 : i1 to i32
      %sign3A_380 = arith.constant 0 : i32
      %sign3A_381 = arith.cmpi slt, %add3A_364, %sign3A_380 : i32
      %sign3A_382 = arith.extui %sign3A_381 : i1 to i32
      %sign3A_383 = arith.subi %sign3A_379, %sign3A_382 : i32
      %sign3A_384 = arith.constant 0 : i32
      %sign3A_385 = arith.cmpi sgt, %jit3A_375, %sign3A_384 : i32
      %sign3A_386 = arith.extui %sign3A_385 : i1 to i32
      %sign3A_387 = arith.constant 0 : i32
      %sign3A_388 = arith.cmpi slt, %jit3A_375, %sign3A_387 : i32
      %sign3A_389 = arith.extui %sign3A_388 : i1 to i32
      %sign3A_390 = arith.subi %sign3A_386, %sign3A_389 : i32
      %ne3A_391 = arith.cmpi ne, %sign3A_383, %sign3A_390 : i32
      %rem3A_392 = arith.remsi %add3A_364, %jit3A_375 : i32
      %ne3A_393 = arith.constant 0 : i32
      %ne3A_394 = arith.cmpi ne, %rem3A_392, %ne3A_393 : i32
      %and3A_395 = arith.andi %ne3A_391, %ne3A_394 : i1
      %sub3A_396 = arith.constant 1 : i32
      %sub3A_397 = arith.subi %div3A_376, %sub3A_396 : i32
      %select_n3A_398 = arith.select %and3A_395, %sub3A_397, %div3A_376 : i32
      %jit3A_399 = arith.constant 32 : i32
      %eq3A_400 = arith.constant 0 : i32
      %eq3A_401 = arith.cmpi eq, %jit3A_399, %eq3A_400 : i32
      %jit3A_402 = arith.constant 1 : i32
      %select_n3A_403 = arith.select %eq3A_401, %jit3A_402, %jit3A_399 : i32
      %rem3A_404 = arith.remsi %add3A_364, %select_n3A_403 : i32
      %ne3A_405 = arith.constant 0 : i32
      %ne3A_406 = arith.cmpi ne, %rem3A_404, %ne3A_405 : i32
      %lt3A_407 = arith.constant 0 : i32
      %lt3A_408 = arith.cmpi slt, %rem3A_404, %lt3A_407 : i32
      %lt3A_409 = arith.constant 0 : i32
      %lt3A_410 = arith.cmpi slt, %select_n3A_403, %lt3A_409 : i32
      %ne3A_411 = arith.xori %lt3A_408, %lt3A_410 : i1
      %and3A_412 = arith.andi %ne3A_411, %ne3A_406 : i1
      %add3A_413 = arith.addi %rem3A_404, %select_n3A_403 : i32
      %select_n3A_414 = arith.select %and3A_412, %add3A_413, %rem3A_404 : i32
      %mul3A_415 = arith.constant 16 : i32
      %mul3A_416 = arith.muli %select_n3A_414, %mul3A_415 : i32
      %scan3A_417 = arith.constant 0 : i32
      %scan3A_418 = arith.constant 16 : i32
      %scan3A_419 = arith.addi %scan3A_417, %scan3A_418 : i32
      %scan3A_420 = arith.constant 8 : i32
      scf.for %scan3A_627 = %scan3A_417 to %scan3A_419 step %scan3A_420  : i32 {
        %broadcast_in_dim3A = vector.broadcast %scan3A_627 : i32 to vector<16xi32>
        %gather3A = tpu.vector_load_idx %arg10[%broadcast_in_dim3A, %min3A_18] : memref<16x512xf32, #tpu.memory_space<vmem>>[vector<16xi32>, vector<16xi32>], vector<16xf32>,
        %add3A_628 = arith.addi %mul3A_416, %scan3A_627 : i32
        %mul3A_629 = arith.constant 64 : i32
        %mul3A_630 = arith.muli %select_n3A_398, %mul3A_629 : i32
        %shift_right_arithmetic3A_631 = arith.constant 7 : i32
        %shift_right_arithmetic3A_632 = arith.shrsi %add3A_628, %shift_right_arithmetic3A_631 : i32
        %mul3A_633 = arith.constant 2 : i32
        %mul3A_634 = arith.muli %shift_right_arithmetic3A_632, %mul3A_633 : i32
        %add3A_635 = arith.addi %mul3A_630, %mul3A_634 : i32
        %broadcast_in_dim3A_636 = vector.broadcast %add3A_635 : i32 to vector<16xi32>
        %add3A_637 = arith.addi %broadcast_in_dim3A_636, %add3A_26 : vector<16xi32>
        %and3A_638 = arith.constant 127 : i32
        %and3A_639 = arith.andi %add3A_628, %and3A_638 : i32
        %broadcast_in_dim3A_640 = vector.broadcast %and3A_639 : i32 to vector<16xi32>
        tpu.vector_store_idx %arg14[%add3A_637, %broadcast_in_dim3A_640], %gather3A : memref<192x128xf32, #tpu.memory_space<vmem>>[vector<16xi32>, vector<16xi32>], vector<16xf32>,
        %scan3A_641 = arith.constant 1 : i32
        %scan3A_642 = arith.addi %scan3A_627, %scan3A_641 : i32
        %broadcast_in_dim3A_643 = vector.broadcast %scan3A_642 : i32 to vector<16xi32>
        %gather3A_644 = tpu.vector_load_idx %arg10[%broadcast_in_dim3A_643, %min3A_18] : memref<16x512xf32, #tpu.memory_space<vmem>>[vector<16xi32>, vector<16xi32>], vector<16xf32>,
        %add3A_645 = arith.addi %mul3A_416, %scan3A_642 : i32
        %mul3A_646 = arith.constant 64 : i32
        %mul3A_647 = arith.muli %select_n3A_398, %mul3A_646 : i32
        %shift_right_arithmetic3A_648 = arith.constant 7 : i32
        %shift_right_arithmetic3A_649 = arith.shrsi %add3A_645, %shift_right_arithmetic3A_648 : i32
        %mul3A_650 = arith.constant 2 : i32
        %mul3A_651 = arith.muli %shift_right_arithmetic3A_649, %mul3A_650 : i32
        %add3A_652 = arith.addi %mul3A_647, %mul3A_651 : i32
        %broadcast_in_dim3A_653 = vector.broadcast %add3A_652 : i32 to vector<16xi32>
        %add3A_654 = arith.addi %broadcast_in_dim3A_653, %add3A_26 : vector<16xi32>
        %and3A_655 = arith.constant 127 : i32
        %and3A_656 = arith.andi %add3A_645, %and3A_655 : i32
        %broadcast_in_dim3A_657 = vector.broadcast %and3A_656 : i32 to vector<16xi32>
        tpu.vector_store_idx %arg14[%add3A_654, %broadcast_in_dim3A_657], %gather3A_644 : memref<192x128xf32, #tpu.memory_space<vmem>>[vector<16xi32>, vector<16xi32>], vector<16xf32>,
        %scan3A_658 = arith.constant 2 : i32
        %scan3A_659 = arith.addi %scan3A_627, %scan3A_658 : i32
        %broadcast_in_dim3A_660 = vector.broadcast %scan3A_659 : i32 to vector<16xi32>
        %gather3A_661 = tpu.vector_load_idx %arg10[%broadcast_in_dim3A_660, %min3A_18] : memref<16x512xf32, #tpu.memory_space<vmem>>[vector<16xi32>, vector<16xi32>], vector<16xf32>,
        %add3A_662 = arith.addi %mul3A_416, %scan3A_659 : i32
        %mul3A_663 = arith.constant 64 : i32
        %mul3A_664 = arith.muli %select_n3A_398, %mul3A_663 : i32
        %shift_right_arithmetic3A_665 = arith.constant 7 : i32
        %shift_right_arithmetic3A_666 = arith.shrsi %add3A_662, %shift_right_arithmetic3A_665 : i32
        %mul3A_667 = arith.constant 2 : i32
        %mul3A_668 = arith.muli %shift_right_arithmetic3A_666, %mul3A_667 : i32
        %add3A_669 = arith.addi %mul3A_664, %mul3A_668 : i32
        %broadcast_in_dim3A_670 = vector.broadcast %add3A_669 : i32 to vector<16xi32>
        %add3A_671 = arith.addi %broadcast_in_dim3A_670, %add3A_26 : vector<16xi32>
        %and3A_672 = arith.constant 127 : i32
        %and3A_673 = arith.andi %add3A_662, %and3A_672 : i32
        %broadcast_in_dim3A_674 = vector.broadcast %and3A_673 : i32 to vector<16xi32>
        tpu.vector_store_idx %arg14[%add3A_671, %broadcast_in_dim3A_674], %gather3A_661 : memref<192x128xf32, #tpu.memory_space<vmem>>[vector<16xi32>, vector<16xi32>], vector<16xf32>,
        %scan3A_675 = arith.constant 3 : i32
        %scan3A_676 = arith.addi %scan3A_627, %scan3A_675 : i32
        %broadcast_in_dim3A_677 = vector.broadcast %scan3A_676 : i32 to vector<16xi32>
        %gather3A_678 = tpu.vector_load_idx %arg10[%broadcast_in_dim3A_677, %min3A_18] : memref<16x512xf32, #tpu.memory_space<vmem>>[vector<16xi32>, vector<16xi32>], vector<16xf32>,
        %add3A_679 = arith.addi %mul3A_416, %scan3A_676 : i32
        %mul3A_680 = arith.constant 64 : i32
        %mul3A_681 = arith.muli %select_n3A_398, %mul3A_680 : i32
        %shift_right_arithmetic3A_682 = arith.constant 7 : i32
        %shift_right_arithmetic3A_683 = arith.shrsi %add3A_679, %shift_right_arithmetic3A_682 : i32
        %mul3A_684 = arith.constant 2 : i32
        %mul3A_685 = arith.muli %shift_right_arithmetic3A_683, %mul3A_684 : i32
        %add3A_686 = arith.addi %mul3A_681, %mul3A_685 : i32
        %broadcast_in_dim3A_687 = vector.broadcast %add3A_686 : i32 to vector<16xi32>
        %add3A_688 = arith.addi %broadcast_in_dim3A_687, %add3A_26 : vector<16xi32>
        %and3A_689 = arith.constant 127 : i32
        %and3A_690 = arith.andi %add3A_679, %and3A_689 : i32
        %broadcast_in_dim3A_691 = vector.broadcast %and3A_690 : i32 to vector<16xi32>
        tpu.vector_store_idx %arg14[%add3A_688, %broadcast_in_dim3A_691], %gather3A_678 : memref<192x128xf32, #tpu.memory_space<vmem>>[vector<16xi32>, vector<16xi32>], vector<16xf32>,
        %scan3A_692 = arith.constant 4 : i32
        %scan3A_693 = arith.addi %scan3A_627, %scan3A_692 : i32
        %broadcast_in_dim3A_694 = vector.broadcast %scan3A_693 : i32 to vector<16xi32>
        %gather3A_695 = tpu.vector_load_idx %arg10[%broadcast_in_dim3A_694, %min3A_18] : memref<16x512xf32, #tpu.memory_space<vmem>>[vector<16xi32>, vector<16xi32>], vector<16xf32>,
        %add3A_696 = arith.addi %mul3A_416, %scan3A_693 : i32
        %mul3A_697 = arith.constant 64 : i32
        %mul3A_698 = arith.muli %select_n3A_398, %mul3A_697 : i32
        %shift_right_arithmetic3A_699 = arith.constant 7 : i32
        %shift_right_arithmetic3A_700 = arith.shrsi %add3A_696, %shift_right_arithmetic3A_699 : i32
        %mul3A_701 = arith.constant 2 : i32
        %mul3A_702 = arith.muli %shift_right_arithmetic3A_700, %mul3A_701 : i32
        %add3A_703 = arith.addi %mul3A_698, %mul3A_702 : i32
        %broadcast_in_dim3A_704 = vector.broadcast %add3A_703 : i32 to vector<16xi32>
        %add3A_705 = arith.addi %broadcast_in_dim3A_704, %add3A_26 : vector<16xi32>
        %and3A_706 = arith.constant 127 : i32
        %and3A_707 = arith.andi %add3A_696, %and3A_706 : i32
        %broadcast_in_dim3A_708 = vector.broadcast %and3A_707 : i32 to vector<16xi32>
        tpu.vector_store_idx %arg14[%add3A_705, %broadcast_in_dim3A_708], %gather3A_695 : memref<192x128xf32, #tpu.memory_space<vmem>>[vector<16xi32>, vector<16xi32>], vector<16xf32>,
        %scan3A_709 = arith.constant 5 : i32
        %scan3A_710 = arith.addi %scan3A_627, %scan3A_709 : i32
        %broadcast_in_dim3A_711 = vector.broadcast %scan3A_710 : i32 to vector<16xi32>
        %gather3A_712 = tpu.vector_load_idx %arg10[%broadcast_in_dim3A_711, %min3A_18] : memref<16x512xf32, #tpu.memory_space<vmem>>[vector<16xi32>, vector<16xi32>], vector<16xf32>,
        %add3A_713 = arith.addi %mul3A_416, %scan3A_710 : i32
        %mul3A_714 = arith.constant 64 : i32
        %mul3A_715 = arith.muli %select_n3A_398, %mul3A_714 : i32
        %shift_right_arithmetic3A_716 = arith.constant 7 : i32
        %shift_right_arithmetic3A_717 = arith.shrsi %add3A_713, %shift_right_arithmetic3A_716 : i32
        %mul3A_718 = arith.constant 2 : i32
        %mul3A_719 = arith.muli %shift_right_arithmetic3A_717, %mul3A_718 : i32
        %add3A_720 = arith.addi %mul3A_715, %mul3A_719 : i32
        %broadcast_in_dim3A_721 = vector.broadcast %add3A_720 : i32 to vector<16xi32>
        %add3A_722 = arith.addi %broadcast_in_dim3A_721, %add3A_26 : vector<16xi32>
        %and3A_723 = arith.constant 127 : i32
        %and3A_724 = arith.andi %add3A_713, %and3A_723 : i32
        %broadcast_in_dim3A_725 = vector.broadcast %and3A_724 : i32 to vector<16xi32>
        tpu.vector_store_idx %arg14[%add3A_722, %broadcast_in_dim3A_725], %gather3A_712 : memref<192x128xf32, #tpu.memory_space<vmem>>[vector<16xi32>, vector<16xi32>], vector<16xf32>,
        %scan3A_726 = arith.constant 6 : i32
        %scan3A_727 = arith.addi %scan3A_627, %scan3A_726 : i32
        %broadcast_in_dim3A_728 = vector.broadcast %scan3A_727 : i32 to vector<16xi32>
        %gather3A_729 = tpu.vector_load_idx %arg10[%broadcast_in_dim3A_728, %min3A_18] : memref<16x512xf32, #tpu.memory_space<vmem>>[vector<16xi32>, vector<16xi32>], vector<16xf32>,
        %add3A_730 = arith.addi %mul3A_416, %scan3A_727 : i32
        %mul3A_731 = arith.constant 64 : i32
        %mul3A_732 = arith.muli %select_n3A_398, %mul3A_731 : i32
        %shift_right_arithmetic3A_733 = arith.constant 7 : i32
        %shift_right_arithmetic3A_734 = arith.shrsi %add3A_730, %shift_right_arithmetic3A_733 : i32
        %mul3A_735 = arith.constant 2 : i32
        %mul3A_736 = arith.muli %shift_right_arithmetic3A_734, %mul3A_735 : i32
        %add3A_737 = arith.addi %mul3A_732, %mul3A_736 : i32
        %broadcast_in_dim3A_738 = vector.broadcast %add3A_737 : i32 to vector<16xi32>
        %add3A_739 = arith.addi %broadcast_in_dim3A_738, %add3A_26 : vector<16xi32>
        %and3A_740 = arith.constant 127 : i32
        %and3A_741 = arith.andi %add3A_730, %and3A_740 : i32
        %broadcast_in_dim3A_742 = vector.broadcast %and3A_741 : i32 to vector<16xi32>
        tpu.vector_store_idx %arg14[%add3A_739, %broadcast_in_dim3A_742], %gather3A_729 : memref<192x128xf32, #tpu.memory_space<vmem>>[vector<16xi32>, vector<16xi32>], vector<16xf32>,
        %scan3A_743 = arith.constant 7 : i32
        %scan3A_744 = arith.addi %scan3A_627, %scan3A_743 : i32
        %broadcast_in_dim3A_745 = vector.broadcast %scan3A_744 : i32 to vector<16xi32>
        %gather3A_746 = tpu.vector_load_idx %arg10[%broadcast_in_dim3A_745, %min3A_18] : memref<16x512xf32, #tpu.memory_space<vmem>>[vector<16xi32>, vector<16xi32>], vector<16xf32>,
        %add3A_747 = arith.addi %mul3A_416, %scan3A_744 : i32
        %mul3A_748 = arith.constant 64 : i32
        %mul3A_749 = arith.muli %select_n3A_398, %mul3A_748 : i32
        %shift_right_arithmetic3A_750 = arith.constant 7 : i32
        %shift_right_arithmetic3A_751 = arith.shrsi %add3A_747, %shift_right_arithmetic3A_750 : i32
        %mul3A_752 = arith.constant 2 : i32
        %mul3A_753 = arith.muli %shift_right_arithmetic3A_751, %mul3A_752 : i32
        %add3A_754 = arith.addi %mul3A_749, %mul3A_753 : i32
        %broadcast_in_dim3A_755 = vector.broadcast %add3A_754 : i32 to vector<16xi32>
        %add3A_756 = arith.addi %broadcast_in_dim3A_755, %add3A_26 : vector<16xi32>
        %and3A_757 = arith.constant 127 : i32
        %and3A_758 = arith.andi %add3A_747, %and3A_757 : i32
        %broadcast_in_dim3A_759 = vector.broadcast %and3A_758 : i32 to vector<16xi32>
        tpu.vector_store_idx %arg14[%add3A_756, %broadcast_in_dim3A_759], %gather3A_746 : memref<192x128xf32, #tpu.memory_space<vmem>>[vector<16xi32>, vector<16xi32>], vector<16xf32>,
      }
      %scan3A_421 = arith.constant 16 : i32
      %add3A_422 = arith.constant 8 : i32
      %add3A_423 = arith.addi %add3A_364, %add3A_422 : i32
      %lt3A_424 = arith.constant 96 : i32
      %lt3A_425 = arith.cmpi slt, %add3A_423, %lt3A_424 : i32
      %convert_element_type3A_426 = arith.extui %lt3A_425 : i1 to i32
      %cond3A_427 = arith.constant 0 : i32
      %cond3A_428 = arith.cmpi ne, %convert_element_type3A_426, %cond3A_427 : i32
      scf.if %cond3A_428 {
        %add3A_627 = arith.constant 8 : i32
        %add3A_628 = arith.addi %add3A_364, %add3A_627 : i32
        %mul3A_629 = arith.constant 16 : i32
        %mul3A_630 = arith.muli %add3A_628, %mul3A_629 : i32
        %add3A_631 = arith.addi %mul3A_2, %mul3A_630 : i32
        %dma_start3A_632 = arith.constant 4 : i32
        %dma_start3A_633 = arith.constant 0 : i32
        %dma_start3A_634 = tpu.memref_slice %arg2[%add3A_631, %dma_start3A_633] : memref<65536x512xf32, #tpu.memory_space<hbm>> -> memref<16x512xf32, #tpu.memory_space<hbm>>
        %dma_start3A_635 = tpu.memref_slice %arg15[%dma_start3A_632] : memref<8x!tpu.dma_semaphore, #tpu.memory_space<semaphore_mem>> -> memref<1x!tpu.dma_semaphore, #tpu.memory_space<semaphore_mem>>
        %dma_start3A_636 = tpu.memref_squeeze %dma_start3A_635 : memref<1x!tpu.dma_semaphore, #tpu.memory_space<semaphore_mem>> -> memref<!tpu.dma_semaphore, #tpu.memory_space<semaphore_mem>>
        %dma_start3A_637 = arith.constant 0 : i32
        %dma_start3A_638 = tpu.memref_slice %arg2[%add3A_631, %dma_start3A_637] : memref<65536x512xf32, #tpu.memory_space<hbm>> -> memref<16x512xf32, #tpu.memory_space<hbm>>
        tpu.enqueue_dma source(%dma_start3A_638 : memref<16x512xf32, #tpu.memory_space<hbm>>) target(%arg10 : memref<16x512xf32, #tpu.memory_space<vmem>>) target_semaphore(%dma_start3A_636 : memref<!tpu.dma_semaphore, #tpu.memory_space<semaphore_mem>>)
      } else {
      }
      %add3A_429 = arith.constant 5 : i32
      %add3A_430 = arith.addi %add3A_108, %add3A_429 : i32
      %mul3A_431 = arith.constant 16 : i32
      %mul3A_432 = arith.muli %add3A_430, %mul3A_431 : i32
      %add3A_433 = arith.addi %mul3A_2, %mul3A_432 : i32
      %dma_wait3A_434 = arith.constant 5 : i32
      %dma_wait3A_435 = arith.constant 0 : i32
      %dma_wait3A_436 = tpu.memref_slice %arg2[%add3A_433, %dma_wait3A_435] : memref<65536x512xf32, #tpu.memory_space<hbm>> -> memref<16x512xf32, #tpu.memory_space<hbm>>
      %dma_wait3A_437 = tpu.memref_slice %arg15[%dma_wait3A_434] : memref<8x!tpu.dma_semaphore, #tpu.memory_space<semaphore_mem>> -> memref<1x!tpu.dma_semaphore, #tpu.memory_space<semaphore_mem>>
      %dma_wait3A_438 = tpu.memref_squeeze %dma_wait3A_437 : memref<1x!tpu.dma_semaphore, #tpu.memory_space<semaphore_mem>> -> memref<!tpu.dma_semaphore, #tpu.memory_space<semaphore_mem>>
      %dma_wait3A_439 = arith.constant 0 : i32
      %dma_wait3A_440 = tpu.memref_slice %arg2[%add3A_433, %dma_wait3A_439] : memref<65536x512xf32, #tpu.memory_space<hbm>> -> memref<16x512xf32, #tpu.memory_space<hbm>>
      tpu.wait_dma2 semaphore(%dma_wait3A_438 : memref<!tpu.dma_semaphore, #tpu.memory_space<semaphore_mem>>) src(%dma_wait3A_440 : memref<16x512xf32, #tpu.memory_space<hbm>>) dst(%arg11 : memref<16x512xf32, #tpu.memory_space<vmem>>)
      %jit3A_441 = arith.constant 32 : i32
      %div3A_442 = arith.divsi %add3A_430, %jit3A_441 : i32
      %sign3A_443 = arith.constant 0 : i32
      %sign3A_444 = arith.cmpi sgt, %add3A_430, %sign3A_443 : i32
      %sign3A_445 = arith.extui %sign3A_444 : i1 to i32
      %sign3A_446 = arith.constant 0 : i32
      %sign3A_447 = arith.cmpi slt, %add3A_430, %sign3A_446 : i32
      %sign3A_448 = arith.extui %sign3A_447 : i1 to i32
      %sign3A_449 = arith.subi %sign3A_445, %sign3A_448 : i32
      %sign3A_450 = arith.constant 0 : i32
      %sign3A_451 = arith.cmpi sgt, %jit3A_441, %sign3A_450 : i32
      %sign3A_452 = arith.extui %sign3A_451 : i1 to i32
      %sign3A_453 = arith.constant 0 : i32
      %sign3A_454 = arith.cmpi slt, %jit3A_441, %sign3A_453 : i32
      %sign3A_455 = arith.extui %sign3A_454 : i1 to i32
      %sign3A_456 = arith.subi %sign3A_452, %sign3A_455 : i32
      %ne3A_457 = arith.cmpi ne, %sign3A_449, %sign3A_456 : i32
      %rem3A_458 = arith.remsi %add3A_430, %jit3A_441 : i32
      %ne3A_459 = arith.constant 0 : i32
      %ne3A_460 = arith.cmpi ne, %rem3A_458, %ne3A_459 : i32
      %and3A_461 = arith.andi %ne3A_457, %ne3A_460 : i1
      %sub3A_462 = arith.constant 1 : i32
      %sub3A_463 = arith.subi %div3A_442, %sub3A_462 : i32
      %select_n3A_464 = arith.select %and3A_461, %sub3A_463, %div3A_442 : i32
      %jit3A_465 = arith.constant 32 : i32
      %eq3A_466 = arith.constant 0 : i32
      %eq3A_467 = arith.cmpi eq, %jit3A_465, %eq3A_466 : i32
      %jit3A_468 = arith.constant 1 : i32
      %select_n3A_469 = arith.select %eq3A_467, %jit3A_468, %jit3A_465 : i32
      %rem3A_470 = arith.remsi %add3A_430, %select_n3A_469 : i32
      %ne3A_471 = arith.constant 0 : i32
      %ne3A_472 = arith.cmpi ne, %rem3A_470, %ne3A_471 : i32
      %lt3A_473 = arith.constant 0 : i32
      %lt3A_474 = arith.cmpi slt, %rem3A_470, %lt3A_473 : i32
      %lt3A_475 = arith.constant 0 : i32
      %lt3A_476 = arith.cmpi slt, %select_n3A_469, %lt3A_475 : i32
      %ne3A_477 = arith.xori %lt3A_474, %lt3A_476 : i1
      %and3A_478 = arith.andi %ne3A_477, %ne3A_472 : i1
      %add3A_479 = arith.addi %rem3A_470, %select_n3A_469 : i32
      %select_n3A_480 = arith.select %and3A_478, %add3A_479, %rem3A_470 : i32
      %mul3A_481 = arith.constant 16 : i32
      %mul3A_482 = arith.muli %select_n3A_480, %mul3A_481 : i32
      %scan3A_483 = arith.constant 0 : i32
      %scan3A_484 = arith.constant 16 : i32
      %scan3A_485 = arith.addi %scan3A_483, %scan3A_484 : i32
      %scan3A_486 = arith.constant 8 : i32
      scf.for %scan3A_627 = %scan3A_483 to %scan3A_485 step %scan3A_486  : i32 {
        %broadcast_in_dim3A = vector.broadcast %scan3A_627 : i32 to vector<16xi32>
        %gather3A = tpu.vector_load_idx %arg11[%broadcast_in_dim3A, %min3A_18] : memref<16x512xf32, #tpu.memory_space<vmem>>[vector<16xi32>, vector<16xi32>], vector<16xf32>,
        %add3A_628 = arith.addi %mul3A_482, %scan3A_627 : i32
        %mul3A_629 = arith.constant 64 : i32
        %mul3A_630 = arith.muli %select_n3A_464, %mul3A_629 : i32
        %shift_right_arithmetic3A_631 = arith.constant 7 : i32
        %shift_right_arithmetic3A_632 = arith.shrsi %add3A_628, %shift_right_arithmetic3A_631 : i32
        %mul3A_633 = arith.constant 2 : i32
        %mul3A_634 = arith.muli %shift_right_arithmetic3A_632, %mul3A_633 : i32
        %add3A_635 = arith.addi %mul3A_630, %mul3A_634 : i32
        %broadcast_in_dim3A_636 = vector.broadcast %add3A_635 : i32 to vector<16xi32>
        %add3A_637 = arith.addi %broadcast_in_dim3A_636, %add3A_26 : vector<16xi32>
        %and3A_638 = arith.constant 127 : i32
        %and3A_639 = arith.andi %add3A_628, %and3A_638 : i32
        %broadcast_in_dim3A_640 = vector.broadcast %and3A_639 : i32 to vector<16xi32>
        tpu.vector_store_idx %arg14[%add3A_637, %broadcast_in_dim3A_640], %gather3A : memref<192x128xf32, #tpu.memory_space<vmem>>[vector<16xi32>, vector<16xi32>], vector<16xf32>,
        %scan3A_641 = arith.constant 1 : i32
        %scan3A_642 = arith.addi %scan3A_627, %scan3A_641 : i32
        %broadcast_in_dim3A_643 = vector.broadcast %scan3A_642 : i32 to vector<16xi32>
        %gather3A_644 = tpu.vector_load_idx %arg11[%broadcast_in_dim3A_643, %min3A_18] : memref<16x512xf32, #tpu.memory_space<vmem>>[vector<16xi32>, vector<16xi32>], vector<16xf32>,
        %add3A_645 = arith.addi %mul3A_482, %scan3A_642 : i32
        %mul3A_646 = arith.constant 64 : i32
        %mul3A_647 = arith.muli %select_n3A_464, %mul3A_646 : i32
        %shift_right_arithmetic3A_648 = arith.constant 7 : i32
        %shift_right_arithmetic3A_649 = arith.shrsi %add3A_645, %shift_right_arithmetic3A_648 : i32
        %mul3A_650 = arith.constant 2 : i32
        %mul3A_651 = arith.muli %shift_right_arithmetic3A_649, %mul3A_650 : i32
        %add3A_652 = arith.addi %mul3A_647, %mul3A_651 : i32
        %broadcast_in_dim3A_653 = vector.broadcast %add3A_652 : i32 to vector<16xi32>
        %add3A_654 = arith.addi %broadcast_in_dim3A_653, %add3A_26 : vector<16xi32>
        %and3A_655 = arith.constant 127 : i32
        %and3A_656 = arith.andi %add3A_645, %and3A_655 : i32
        %broadcast_in_dim3A_657 = vector.broadcast %and3A_656 : i32 to vector<16xi32>
        tpu.vector_store_idx %arg14[%add3A_654, %broadcast_in_dim3A_657], %gather3A_644 : memref<192x128xf32, #tpu.memory_space<vmem>>[vector<16xi32>, vector<16xi32>], vector<16xf32>,
        %scan3A_658 = arith.constant 2 : i32
        %scan3A_659 = arith.addi %scan3A_627, %scan3A_658 : i32
        %broadcast_in_dim3A_660 = vector.broadcast %scan3A_659 : i32 to vector<16xi32>
        %gather3A_661 = tpu.vector_load_idx %arg11[%broadcast_in_dim3A_660, %min3A_18] : memref<16x512xf32, #tpu.memory_space<vmem>>[vector<16xi32>, vector<16xi32>], vector<16xf32>,
        %add3A_662 = arith.addi %mul3A_482, %scan3A_659 : i32
        %mul3A_663 = arith.constant 64 : i32
        %mul3A_664 = arith.muli %select_n3A_464, %mul3A_663 : i32
        %shift_right_arithmetic3A_665 = arith.constant 7 : i32
        %shift_right_arithmetic3A_666 = arith.shrsi %add3A_662, %shift_right_arithmetic3A_665 : i32
        %mul3A_667 = arith.constant 2 : i32
        %mul3A_668 = arith.muli %shift_right_arithmetic3A_666, %mul3A_667 : i32
        %add3A_669 = arith.addi %mul3A_664, %mul3A_668 : i32
        %broadcast_in_dim3A_670 = vector.broadcast %add3A_669 : i32 to vector<16xi32>
        %add3A_671 = arith.addi %broadcast_in_dim3A_670, %add3A_26 : vector<16xi32>
        %and3A_672 = arith.constant 127 : i32
        %and3A_673 = arith.andi %add3A_662, %and3A_672 : i32
        %broadcast_in_dim3A_674 = vector.broadcast %and3A_673 : i32 to vector<16xi32>
        tpu.vector_store_idx %arg14[%add3A_671, %broadcast_in_dim3A_674], %gather3A_661 : memref<192x128xf32, #tpu.memory_space<vmem>>[vector<16xi32>, vector<16xi32>], vector<16xf32>,
        %scan3A_675 = arith.constant 3 : i32
        %scan3A_676 = arith.addi %scan3A_627, %scan3A_675 : i32
        %broadcast_in_dim3A_677 = vector.broadcast %scan3A_676 : i32 to vector<16xi32>
        %gather3A_678 = tpu.vector_load_idx %arg11[%broadcast_in_dim3A_677, %min3A_18] : memref<16x512xf32, #tpu.memory_space<vmem>>[vector<16xi32>, vector<16xi32>], vector<16xf32>,
        %add3A_679 = arith.addi %mul3A_482, %scan3A_676 : i32
        %mul3A_680 = arith.constant 64 : i32
        %mul3A_681 = arith.muli %select_n3A_464, %mul3A_680 : i32
        %shift_right_arithmetic3A_682 = arith.constant 7 : i32
        %shift_right_arithmetic3A_683 = arith.shrsi %add3A_679, %shift_right_arithmetic3A_682 : i32
        %mul3A_684 = arith.constant 2 : i32
        %mul3A_685 = arith.muli %shift_right_arithmetic3A_683, %mul3A_684 : i32
        %add3A_686 = arith.addi %mul3A_681, %mul3A_685 : i32
        %broadcast_in_dim3A_687 = vector.broadcast %add3A_686 : i32 to vector<16xi32>
        %add3A_688 = arith.addi %broadcast_in_dim3A_687, %add3A_26 : vector<16xi32>
        %and3A_689 = arith.constant 127 : i32
        %and3A_690 = arith.andi %add3A_679, %and3A_689 : i32
        %broadcast_in_dim3A_691 = vector.broadcast %and3A_690 : i32 to vector<16xi32>
        tpu.vector_store_idx %arg14[%add3A_688, %broadcast_in_dim3A_691], %gather3A_678 : memref<192x128xf32, #tpu.memory_space<vmem>>[vector<16xi32>, vector<16xi32>], vector<16xf32>,
        %scan3A_692 = arith.constant 4 : i32
        %scan3A_693 = arith.addi %scan3A_627, %scan3A_692 : i32
        %broadcast_in_dim3A_694 = vector.broadcast %scan3A_693 : i32 to vector<16xi32>
        %gather3A_695 = tpu.vector_load_idx %arg11[%broadcast_in_dim3A_694, %min3A_18] : memref<16x512xf32, #tpu.memory_space<vmem>>[vector<16xi32>, vector<16xi32>], vector<16xf32>,
        %add3A_696 = arith.addi %mul3A_482, %scan3A_693 : i32
        %mul3A_697 = arith.constant 64 : i32
        %mul3A_698 = arith.muli %select_n3A_464, %mul3A_697 : i32
        %shift_right_arithmetic3A_699 = arith.constant 7 : i32
        %shift_right_arithmetic3A_700 = arith.shrsi %add3A_696, %shift_right_arithmetic3A_699 : i32
        %mul3A_701 = arith.constant 2 : i32
        %mul3A_702 = arith.muli %shift_right_arithmetic3A_700, %mul3A_701 : i32
        %add3A_703 = arith.addi %mul3A_698, %mul3A_702 : i32
        %broadcast_in_dim3A_704 = vector.broadcast %add3A_703 : i32 to vector<16xi32>
        %add3A_705 = arith.addi %broadcast_in_dim3A_704, %add3A_26 : vector<16xi32>
        %and3A_706 = arith.constant 127 : i32
        %and3A_707 = arith.andi %add3A_696, %and3A_706 : i32
        %broadcast_in_dim3A_708 = vector.broadcast %and3A_707 : i32 to vector<16xi32>
        tpu.vector_store_idx %arg14[%add3A_705, %broadcast_in_dim3A_708], %gather3A_695 : memref<192x128xf32, #tpu.memory_space<vmem>>[vector<16xi32>, vector<16xi32>], vector<16xf32>,
        %scan3A_709 = arith.constant 5 : i32
        %scan3A_710 = arith.addi %scan3A_627, %scan3A_709 : i32
        %broadcast_in_dim3A_711 = vector.broadcast %scan3A_710 : i32 to vector<16xi32>
        %gather3A_712 = tpu.vector_load_idx %arg11[%broadcast_in_dim3A_711, %min3A_18] : memref<16x512xf32, #tpu.memory_space<vmem>>[vector<16xi32>, vector<16xi32>], vector<16xf32>,
        %add3A_713 = arith.addi %mul3A_482, %scan3A_710 : i32
        %mul3A_714 = arith.constant 64 : i32
        %mul3A_715 = arith.muli %select_n3A_464, %mul3A_714 : i32
        %shift_right_arithmetic3A_716 = arith.constant 7 : i32
        %shift_right_arithmetic3A_717 = arith.shrsi %add3A_713, %shift_right_arithmetic3A_716 : i32
        %mul3A_718 = arith.constant 2 : i32
        %mul3A_719 = arith.muli %shift_right_arithmetic3A_717, %mul3A_718 : i32
        %add3A_720 = arith.addi %mul3A_715, %mul3A_719 : i32
        %broadcast_in_dim3A_721 = vector.broadcast %add3A_720 : i32 to vector<16xi32>
        %add3A_722 = arith.addi %broadcast_in_dim3A_721, %add3A_26 : vector<16xi32>
        %and3A_723 = arith.constant 127 : i32
        %and3A_724 = arith.andi %add3A_713, %and3A_723 : i32
        %broadcast_in_dim3A_725 = vector.broadcast %and3A_724 : i32 to vector<16xi32>
        tpu.vector_store_idx %arg14[%add3A_722, %broadcast_in_dim3A_725], %gather3A_712 : memref<192x128xf32, #tpu.memory_space<vmem>>[vector<16xi32>, vector<16xi32>], vector<16xf32>,
        %scan3A_726 = arith.constant 6 : i32
        %scan3A_727 = arith.addi %scan3A_627, %scan3A_726 : i32
        %broadcast_in_dim3A_728 = vector.broadcast %scan3A_727 : i32 to vector<16xi32>
        %gather3A_729 = tpu.vector_load_idx %arg11[%broadcast_in_dim3A_728, %min3A_18] : memref<16x512xf32, #tpu.memory_space<vmem>>[vector<16xi32>, vector<16xi32>], vector<16xf32>,
        %add3A_730 = arith.addi %mul3A_482, %scan3A_727 : i32
        %mul3A_731 = arith.constant 64 : i32
        %mul3A_732 = arith.muli %select_n3A_464, %mul3A_731 : i32
        %shift_right_arithmetic3A_733 = arith.constant 7 : i32
        %shift_right_arithmetic3A_734 = arith.shrsi %add3A_730, %shift_right_arithmetic3A_733 : i32
        %mul3A_735 = arith.constant 2 : i32
        %mul3A_736 = arith.muli %shift_right_arithmetic3A_734, %mul3A_735 : i32
        %add3A_737 = arith.addi %mul3A_732, %mul3A_736 : i32
        %broadcast_in_dim3A_738 = vector.broadcast %add3A_737 : i32 to vector<16xi32>
        %add3A_739 = arith.addi %broadcast_in_dim3A_738, %add3A_26 : vector<16xi32>
        %and3A_740 = arith.constant 127 : i32
        %and3A_741 = arith.andi %add3A_730, %and3A_740 : i32
        %broadcast_in_dim3A_742 = vector.broadcast %and3A_741 : i32 to vector<16xi32>
        tpu.vector_store_idx %arg14[%add3A_739, %broadcast_in_dim3A_742], %gather3A_729 : memref<192x128xf32, #tpu.memory_space<vmem>>[vector<16xi32>, vector<16xi32>], vector<16xf32>,
        %scan3A_743 = arith.constant 7 : i32
        %scan3A_744 = arith.addi %scan3A_627, %scan3A_743 : i32
        %broadcast_in_dim3A_745 = vector.broadcast %scan3A_744 : i32 to vector<16xi32>
        %gather3A_746 = tpu.vector_load_idx %arg11[%broadcast_in_dim3A_745, %min3A_18] : memref<16x512xf32, #tpu.memory_space<vmem>>[vector<16xi32>, vector<16xi32>], vector<16xf32>,
        %add3A_747 = arith.addi %mul3A_482, %scan3A_744 : i32
        %mul3A_748 = arith.constant 64 : i32
        %mul3A_749 = arith.muli %select_n3A_464, %mul3A_748 : i32
        %shift_right_arithmetic3A_750 = arith.constant 7 : i32
        %shift_right_arithmetic3A_751 = arith.shrsi %add3A_747, %shift_right_arithmetic3A_750 : i32
        %mul3A_752 = arith.constant 2 : i32
        %mul3A_753 = arith.muli %shift_right_arithmetic3A_751, %mul3A_752 : i32
        %add3A_754 = arith.addi %mul3A_749, %mul3A_753 : i32
        %broadcast_in_dim3A_755 = vector.broadcast %add3A_754 : i32 to vector<16xi32>
        %add3A_756 = arith.addi %broadcast_in_dim3A_755, %add3A_26 : vector<16xi32>
        %and3A_757 = arith.constant 127 : i32
        %and3A_758 = arith.andi %add3A_747, %and3A_757 : i32
        %broadcast_in_dim3A_759 = vector.broadcast %and3A_758 : i32 to vector<16xi32>
        tpu.vector_store_idx %arg14[%add3A_756, %broadcast_in_dim3A_759], %gather3A_746 : memref<192x128xf32, #tpu.memory_space<vmem>>[vector<16xi32>, vector<16xi32>], vector<16xf32>,
      }
      %scan3A_487 = arith.constant 16 : i32
      %add3A_488 = arith.constant 8 : i32
      %add3A_489 = arith.addi %add3A_430, %add3A_488 : i32
      %lt3A_490 = arith.constant 96 : i32
      %lt3A_491 = arith.cmpi slt, %add3A_489, %lt3A_490 : i32
      %convert_element_type3A_492 = arith.extui %lt3A_491 : i1 to i32
      %cond3A_493 = arith.constant 0 : i32
      %cond3A_494 = arith.cmpi ne, %convert_element_type3A_492, %cond3A_493 : i32
      scf.if %cond3A_494 {
        %add3A_627 = arith.constant 8 : i32
        %add3A_628 = arith.addi %add3A_430, %add3A_627 : i32
        %mul3A_629 = arith.constant 16 : i32
        %mul3A_630 = arith.muli %add3A_628, %mul3A_629 : i32
        %add3A_631 = arith.addi %mul3A_2, %mul3A_630 : i32
        %dma_start3A_632 = arith.constant 5 : i32
        %dma_start3A_633 = arith.constant 0 : i32
        %dma_start3A_634 = tpu.memref_slice %arg2[%add3A_631, %dma_start3A_633] : memref<65536x512xf32, #tpu.memory_space<hbm>> -> memref<16x512xf32, #tpu.memory_space<hbm>>
        %dma_start3A_635 = tpu.memref_slice %arg15[%dma_start3A_632] : memref<8x!tpu.dma_semaphore, #tpu.memory_space<semaphore_mem>> -> memref<1x!tpu.dma_semaphore, #tpu.memory_space<semaphore_mem>>
        %dma_start3A_636 = tpu.memref_squeeze %dma_start3A_635 : memref<1x!tpu.dma_semaphore, #tpu.memory_space<semaphore_mem>> -> memref<!tpu.dma_semaphore, #tpu.memory_space<semaphore_mem>>
        %dma_start3A_637 = arith.constant 0 : i32
        %dma_start3A_638 = tpu.memref_slice %arg2[%add3A_631, %dma_start3A_637] : memref<65536x512xf32, #tpu.memory_space<hbm>> -> memref<16x512xf32, #tpu.memory_space<hbm>>
        tpu.enqueue_dma source(%dma_start3A_638 : memref<16x512xf32, #tpu.memory_space<hbm>>) target(%arg11 : memref<16x512xf32, #tpu.memory_space<vmem>>) target_semaphore(%dma_start3A_636 : memref<!tpu.dma_semaphore, #tpu.memory_space<semaphore_mem>>)
      } else {
      }
      %add3A_495 = arith.constant 6 : i32
      %add3A_496 = arith.addi %add3A_108, %add3A_495 : i32
      %mul3A_497 = arith.constant 16 : i32
      %mul3A_498 = arith.muli %add3A_496, %mul3A_497 : i32
      %add3A_499 = arith.addi %mul3A_2, %mul3A_498 : i32
      %dma_wait3A_500 = arith.constant 6 : i32
      %dma_wait3A_501 = arith.constant 0 : i32
      %dma_wait3A_502 = tpu.memref_slice %arg2[%add3A_499, %dma_wait3A_501] : memref<65536x512xf32, #tpu.memory_space<hbm>> -> memref<16x512xf32, #tpu.memory_space<hbm>>
      %dma_wait3A_503 = tpu.memref_slice %arg15[%dma_wait3A_500] : memref<8x!tpu.dma_semaphore, #tpu.memory_space<semaphore_mem>> -> memref<1x!tpu.dma_semaphore, #tpu.memory_space<semaphore_mem>>
      %dma_wait3A_504 = tpu.memref_squeeze %dma_wait3A_503 : memref<1x!tpu.dma_semaphore, #tpu.memory_space<semaphore_mem>> -> memref<!tpu.dma_semaphore, #tpu.memory_space<semaphore_mem>>
      %dma_wait3A_505 = arith.constant 0 : i32
      %dma_wait3A_506 = tpu.memref_slice %arg2[%add3A_499, %dma_wait3A_505] : memref<65536x512xf32, #tpu.memory_space<hbm>> -> memref<16x512xf32, #tpu.memory_space<hbm>>
      tpu.wait_dma2 semaphore(%dma_wait3A_504 : memref<!tpu.dma_semaphore, #tpu.memory_space<semaphore_mem>>) src(%dma_wait3A_506 : memref<16x512xf32, #tpu.memory_space<hbm>>) dst(%arg12 : memref<16x512xf32, #tpu.memory_space<vmem>>)
      %jit3A_507 = arith.constant 32 : i32
      %div3A_508 = arith.divsi %add3A_496, %jit3A_507 : i32
      %sign3A_509 = arith.constant 0 : i32
      %sign3A_510 = arith.cmpi sgt, %add3A_496, %sign3A_509 : i32
      %sign3A_511 = arith.extui %sign3A_510 : i1 to i32
      %sign3A_512 = arith.constant 0 : i32
      %sign3A_513 = arith.cmpi slt, %add3A_496, %sign3A_512 : i32
      %sign3A_514 = arith.extui %sign3A_513 : i1 to i32
      %sign3A_515 = arith.subi %sign3A_511, %sign3A_514 : i32
      %sign3A_516 = arith.constant 0 : i32
      %sign3A_517 = arith.cmpi sgt, %jit3A_507, %sign3A_516 : i32
      %sign3A_518 = arith.extui %sign3A_517 : i1 to i32
      %sign3A_519 = arith.constant 0 : i32
      %sign3A_520 = arith.cmpi slt, %jit3A_507, %sign3A_519 : i32
      %sign3A_521 = arith.extui %sign3A_520 : i1 to i32
      %sign3A_522 = arith.subi %sign3A_518, %sign3A_521 : i32
      %ne3A_523 = arith.cmpi ne, %sign3A_515, %sign3A_522 : i32
      %rem3A_524 = arith.remsi %add3A_496, %jit3A_507 : i32
      %ne3A_525 = arith.constant 0 : i32
      %ne3A_526 = arith.cmpi ne, %rem3A_524, %ne3A_525 : i32
      %and3A_527 = arith.andi %ne3A_523, %ne3A_526 : i1
      %sub3A_528 = arith.constant 1 : i32
      %sub3A_529 = arith.subi %div3A_508, %sub3A_528 : i32
      %select_n3A_530 = arith.select %and3A_527, %sub3A_529, %div3A_508 : i32
      %jit3A_531 = arith.constant 32 : i32
      %eq3A_532 = arith.constant 0 : i32
      %eq3A_533 = arith.cmpi eq, %jit3A_531, %eq3A_532 : i32
      %jit3A_534 = arith.constant 1 : i32
      %select_n3A_535 = arith.select %eq3A_533, %jit3A_534, %jit3A_531 : i32
      %rem3A_536 = arith.remsi %add3A_496, %select_n3A_535 : i32
      %ne3A_537 = arith.constant 0 : i32
      %ne3A_538 = arith.cmpi ne, %rem3A_536, %ne3A_537 : i32
      %lt3A_539 = arith.constant 0 : i32
      %lt3A_540 = arith.cmpi slt, %rem3A_536, %lt3A_539 : i32
      %lt3A_541 = arith.constant 0 : i32
      %lt3A_542 = arith.cmpi slt, %select_n3A_535, %lt3A_541 : i32
      %ne3A_543 = arith.xori %lt3A_540, %lt3A_542 : i1
      %and3A_544 = arith.andi %ne3A_543, %ne3A_538 : i1
      %add3A_545 = arith.addi %rem3A_536, %select_n3A_535 : i32
      %select_n3A_546 = arith.select %and3A_544, %add3A_545, %rem3A_536 : i32
      %mul3A_547 = arith.constant 16 : i32
      %mul3A_548 = arith.muli %select_n3A_546, %mul3A_547 : i32
      %scan3A_549 = arith.constant 0 : i32
      %scan3A_550 = arith.constant 16 : i32
      %scan3A_551 = arith.addi %scan3A_549, %scan3A_550 : i32
      %scan3A_552 = arith.constant 8 : i32
      scf.for %scan3A_627 = %scan3A_549 to %scan3A_551 step %scan3A_552  : i32 {
        %broadcast_in_dim3A = vector.broadcast %scan3A_627 : i32 to vector<16xi32>
        %gather3A = tpu.vector_load_idx %arg12[%broadcast_in_dim3A, %min3A_18] : memref<16x512xf32, #tpu.memory_space<vmem>>[vector<16xi32>, vector<16xi32>], vector<16xf32>,
        %add3A_628 = arith.addi %mul3A_548, %scan3A_627 : i32
        %mul3A_629 = arith.constant 64 : i32
        %mul3A_630 = arith.muli %select_n3A_530, %mul3A_629 : i32
        %shift_right_arithmetic3A_631 = arith.constant 7 : i32
        %shift_right_arithmetic3A_632 = arith.shrsi %add3A_628, %shift_right_arithmetic3A_631 : i32
        %mul3A_633 = arith.constant 2 : i32
        %mul3A_634 = arith.muli %shift_right_arithmetic3A_632, %mul3A_633 : i32
        %add3A_635 = arith.addi %mul3A_630, %mul3A_634 : i32
        %broadcast_in_dim3A_636 = vector.broadcast %add3A_635 : i32 to vector<16xi32>
        %add3A_637 = arith.addi %broadcast_in_dim3A_636, %add3A_26 : vector<16xi32>
        %and3A_638 = arith.constant 127 : i32
        %and3A_639 = arith.andi %add3A_628, %and3A_638 : i32
        %broadcast_in_dim3A_640 = vector.broadcast %and3A_639 : i32 to vector<16xi32>
        tpu.vector_store_idx %arg14[%add3A_637, %broadcast_in_dim3A_640], %gather3A : memref<192x128xf32, #tpu.memory_space<vmem>>[vector<16xi32>, vector<16xi32>], vector<16xf32>,
        %scan3A_641 = arith.constant 1 : i32
        %scan3A_642 = arith.addi %scan3A_627, %scan3A_641 : i32
        %broadcast_in_dim3A_643 = vector.broadcast %scan3A_642 : i32 to vector<16xi32>
        %gather3A_644 = tpu.vector_load_idx %arg12[%broadcast_in_dim3A_643, %min3A_18] : memref<16x512xf32, #tpu.memory_space<vmem>>[vector<16xi32>, vector<16xi32>], vector<16xf32>,
        %add3A_645 = arith.addi %mul3A_548, %scan3A_642 : i32
        %mul3A_646 = arith.constant 64 : i32
        %mul3A_647 = arith.muli %select_n3A_530, %mul3A_646 : i32
        %shift_right_arithmetic3A_648 = arith.constant 7 : i32
        %shift_right_arithmetic3A_649 = arith.shrsi %add3A_645, %shift_right_arithmetic3A_648 : i32
        %mul3A_650 = arith.constant 2 : i32
        %mul3A_651 = arith.muli %shift_right_arithmetic3A_649, %mul3A_650 : i32
        %add3A_652 = arith.addi %mul3A_647, %mul3A_651 : i32
        %broadcast_in_dim3A_653 = vector.broadcast %add3A_652 : i32 to vector<16xi32>
        %add3A_654 = arith.addi %broadcast_in_dim3A_653, %add3A_26 : vector<16xi32>
        %and3A_655 = arith.constant 127 : i32
        %and3A_656 = arith.andi %add3A_645, %and3A_655 : i32
        %broadcast_in_dim3A_657 = vector.broadcast %and3A_656 : i32 to vector<16xi32>
        tpu.vector_store_idx %arg14[%add3A_654, %broadcast_in_dim3A_657], %gather3A_644 : memref<192x128xf32, #tpu.memory_space<vmem>>[vector<16xi32>, vector<16xi32>], vector<16xf32>,
        %scan3A_658 = arith.constant 2 : i32
        %scan3A_659 = arith.addi %scan3A_627, %scan3A_658 : i32
        %broadcast_in_dim3A_660 = vector.broadcast %scan3A_659 : i32 to vector<16xi32>
        %gather3A_661 = tpu.vector_load_idx %arg12[%broadcast_in_dim3A_660, %min3A_18] : memref<16x512xf32, #tpu.memory_space<vmem>>[vector<16xi32>, vector<16xi32>], vector<16xf32>,
        %add3A_662 = arith.addi %mul3A_548, %scan3A_659 : i32
        %mul3A_663 = arith.constant 64 : i32
        %mul3A_664 = arith.muli %select_n3A_530, %mul3A_663 : i32
        %shift_right_arithmetic3A_665 = arith.constant 7 : i32
        %shift_right_arithmetic3A_666 = arith.shrsi %add3A_662, %shift_right_arithmetic3A_665 : i32
        %mul3A_667 = arith.constant 2 : i32
        %mul3A_668 = arith.muli %shift_right_arithmetic3A_666, %mul3A_667 : i32
        %add3A_669 = arith.addi %mul3A_664, %mul3A_668 : i32
        %broadcast_in_dim3A_670 = vector.broadcast %add3A_669 : i32 to vector<16xi32>
        %add3A_671 = arith.addi %broadcast_in_dim3A_670, %add3A_26 : vector<16xi32>
        %and3A_672 = arith.constant 127 : i32
        %and3A_673 = arith.andi %add3A_662, %and3A_672 : i32
        %broadcast_in_dim3A_674 = vector.broadcast %and3A_673 : i32 to vector<16xi32>
        tpu.vector_store_idx %arg14[%add3A_671, %broadcast_in_dim3A_674], %gather3A_661 : memref<192x128xf32, #tpu.memory_space<vmem>>[vector<16xi32>, vector<16xi32>], vector<16xf32>,
        %scan3A_675 = arith.constant 3 : i32
        %scan3A_676 = arith.addi %scan3A_627, %scan3A_675 : i32
        %broadcast_in_dim3A_677 = vector.broadcast %scan3A_676 : i32 to vector<16xi32>
        %gather3A_678 = tpu.vector_load_idx %arg12[%broadcast_in_dim3A_677, %min3A_18] : memref<16x512xf32, #tpu.memory_space<vmem>>[vector<16xi32>, vector<16xi32>], vector<16xf32>,
        %add3A_679 = arith.addi %mul3A_548, %scan3A_676 : i32
        %mul3A_680 = arith.constant 64 : i32
        %mul3A_681 = arith.muli %select_n3A_530, %mul3A_680 : i32
        %shift_right_arithmetic3A_682 = arith.constant 7 : i32
        %shift_right_arithmetic3A_683 = arith.shrsi %add3A_679, %shift_right_arithmetic3A_682 : i32
        %mul3A_684 = arith.constant 2 : i32
        %mul3A_685 = arith.muli %shift_right_arithmetic3A_683, %mul3A_684 : i32
        %add3A_686 = arith.addi %mul3A_681, %mul3A_685 : i32
        %broadcast_in_dim3A_687 = vector.broadcast %add3A_686 : i32 to vector<16xi32>
        %add3A_688 = arith.addi %broadcast_in_dim3A_687, %add3A_26 : vector<16xi32>
        %and3A_689 = arith.constant 127 : i32
        %and3A_690 = arith.andi %add3A_679, %and3A_689 : i32
        %broadcast_in_dim3A_691 = vector.broadcast %and3A_690 : i32 to vector<16xi32>
        tpu.vector_store_idx %arg14[%add3A_688, %broadcast_in_dim3A_691], %gather3A_678 : memref<192x128xf32, #tpu.memory_space<vmem>>[vector<16xi32>, vector<16xi32>], vector<16xf32>,
        %scan3A_692 = arith.constant 4 : i32
        %scan3A_693 = arith.addi %scan3A_627, %scan3A_692 : i32
        %broadcast_in_dim3A_694 = vector.broadcast %scan3A_693 : i32 to vector<16xi32>
        %gather3A_695 = tpu.vector_load_idx %arg12[%broadcast_in_dim3A_694, %min3A_18] : memref<16x512xf32, #tpu.memory_space<vmem>>[vector<16xi32>, vector<16xi32>], vector<16xf32>,
        %add3A_696 = arith.addi %mul3A_548, %scan3A_693 : i32
        %mul3A_697 = arith.constant 64 : i32
        %mul3A_698 = arith.muli %select_n3A_530, %mul3A_697 : i32
        %shift_right_arithmetic3A_699 = arith.constant 7 : i32
        %shift_right_arithmetic3A_700 = arith.shrsi %add3A_696, %shift_right_arithmetic3A_699 : i32
        %mul3A_701 = arith.constant 2 : i32
        %mul3A_702 = arith.muli %shift_right_arithmetic3A_700, %mul3A_701 : i32
        %add3A_703 = arith.addi %mul3A_698, %mul3A_702 : i32
        %broadcast_in_dim3A_704 = vector.broadcast %add3A_703 : i32 to vector<16xi32>
        %add3A_705 = arith.addi %broadcast_in_dim3A_704, %add3A_26 : vector<16xi32>
        %and3A_706 = arith.constant 127 : i32
        %and3A_707 = arith.andi %add3A_696, %and3A_706 : i32
        %broadcast_in_dim3A_708 = vector.broadcast %and3A_707 : i32 to vector<16xi32>
        tpu.vector_store_idx %arg14[%add3A_705, %broadcast_in_dim3A_708], %gather3A_695 : memref<192x128xf32, #tpu.memory_space<vmem>>[vector<16xi32>, vector<16xi32>], vector<16xf32>,
        %scan3A_709 = arith.constant 5 : i32
        %scan3A_710 = arith.addi %scan3A_627, %scan3A_709 : i32
        %broadcast_in_dim3A_711 = vector.broadcast %scan3A_710 : i32 to vector<16xi32>
        %gather3A_712 = tpu.vector_load_idx %arg12[%broadcast_in_dim3A_711, %min3A_18] : memref<16x512xf32, #tpu.memory_space<vmem>>[vector<16xi32>, vector<16xi32>], vector<16xf32>,
        %add3A_713 = arith.addi %mul3A_548, %scan3A_710 : i32
        %mul3A_714 = arith.constant 64 : i32
        %mul3A_715 = arith.muli %select_n3A_530, %mul3A_714 : i32
        %shift_right_arithmetic3A_716 = arith.constant 7 : i32
        %shift_right_arithmetic3A_717 = arith.shrsi %add3A_713, %shift_right_arithmetic3A_716 : i32
        %mul3A_718 = arith.constant 2 : i32
        %mul3A_719 = arith.muli %shift_right_arithmetic3A_717, %mul3A_718 : i32
        %add3A_720 = arith.addi %mul3A_715, %mul3A_719 : i32
        %broadcast_in_dim3A_721 = vector.broadcast %add3A_720 : i32 to vector<16xi32>
        %add3A_722 = arith.addi %broadcast_in_dim3A_721, %add3A_26 : vector<16xi32>
        %and3A_723 = arith.constant 127 : i32
        %and3A_724 = arith.andi %add3A_713, %and3A_723 : i32
        %broadcast_in_dim3A_725 = vector.broadcast %and3A_724 : i32 to vector<16xi32>
        tpu.vector_store_idx %arg14[%add3A_722, %broadcast_in_dim3A_725], %gather3A_712 : memref<192x128xf32, #tpu.memory_space<vmem>>[vector<16xi32>, vector<16xi32>], vector<16xf32>,
        %scan3A_726 = arith.constant 6 : i32
        %scan3A_727 = arith.addi %scan3A_627, %scan3A_726 : i32
        %broadcast_in_dim3A_728 = vector.broadcast %scan3A_727 : i32 to vector<16xi32>
        %gather3A_729 = tpu.vector_load_idx %arg12[%broadcast_in_dim3A_728, %min3A_18] : memref<16x512xf32, #tpu.memory_space<vmem>>[vector<16xi32>, vector<16xi32>], vector<16xf32>,
        %add3A_730 = arith.addi %mul3A_548, %scan3A_727 : i32
        %mul3A_731 = arith.constant 64 : i32
        %mul3A_732 = arith.muli %select_n3A_530, %mul3A_731 : i32
        %shift_right_arithmetic3A_733 = arith.constant 7 : i32
        %shift_right_arithmetic3A_734 = arith.shrsi %add3A_730, %shift_right_arithmetic3A_733 : i32
        %mul3A_735 = arith.constant 2 : i32
        %mul3A_736 = arith.muli %shift_right_arithmetic3A_734, %mul3A_735 : i32
        %add3A_737 = arith.addi %mul3A_732, %mul3A_736 : i32
        %broadcast_in_dim3A_738 = vector.broadcast %add3A_737 : i32 to vector<16xi32>
        %add3A_739 = arith.addi %broadcast_in_dim3A_738, %add3A_26 : vector<16xi32>
        %and3A_740 = arith.constant 127 : i32
        %and3A_741 = arith.andi %add3A_730, %and3A_740 : i32
        %broadcast_in_dim3A_742 = vector.broadcast %and3A_741 : i32 to vector<16xi32>
        tpu.vector_store_idx %arg14[%add3A_739, %broadcast_in_dim3A_742], %gather3A_729 : memref<192x128xf32, #tpu.memory_space<vmem>>[vector<16xi32>, vector<16xi32>], vector<16xf32>,
        %scan3A_743 = arith.constant 7 : i32
        %scan3A_744 = arith.addi %scan3A_627, %scan3A_743 : i32
        %broadcast_in_dim3A_745 = vector.broadcast %scan3A_744 : i32 to vector<16xi32>
        %gather3A_746 = tpu.vector_load_idx %arg12[%broadcast_in_dim3A_745, %min3A_18] : memref<16x512xf32, #tpu.memory_space<vmem>>[vector<16xi32>, vector<16xi32>], vector<16xf32>,
        %add3A_747 = arith.addi %mul3A_548, %scan3A_744 : i32
        %mul3A_748 = arith.constant 64 : i32
        %mul3A_749 = arith.muli %select_n3A_530, %mul3A_748 : i32
        %shift_right_arithmetic3A_750 = arith.constant 7 : i32
        %shift_right_arithmetic3A_751 = arith.shrsi %add3A_747, %shift_right_arithmetic3A_750 : i32
        %mul3A_752 = arith.constant 2 : i32
        %mul3A_753 = arith.muli %shift_right_arithmetic3A_751, %mul3A_752 : i32
        %add3A_754 = arith.addi %mul3A_749, %mul3A_753 : i32
        %broadcast_in_dim3A_755 = vector.broadcast %add3A_754 : i32 to vector<16xi32>
        %add3A_756 = arith.addi %broadcast_in_dim3A_755, %add3A_26 : vector<16xi32>
        %and3A_757 = arith.constant 127 : i32
        %and3A_758 = arith.andi %add3A_747, %and3A_757 : i32
        %broadcast_in_dim3A_759 = vector.broadcast %and3A_758 : i32 to vector<16xi32>
        tpu.vector_store_idx %arg14[%add3A_756, %broadcast_in_dim3A_759], %gather3A_746 : memref<192x128xf32, #tpu.memory_space<vmem>>[vector<16xi32>, vector<16xi32>], vector<16xf32>,
      }
      %scan3A_553 = arith.constant 16 : i32
      %add3A_554 = arith.constant 8 : i32
      %add3A_555 = arith.addi %add3A_496, %add3A_554 : i32
      %lt3A_556 = arith.constant 96 : i32
      %lt3A_557 = arith.cmpi slt, %add3A_555, %lt3A_556 : i32
      %convert_element_type3A_558 = arith.extui %lt3A_557 : i1 to i32
      %cond3A_559 = arith.constant 0 : i32
      %cond3A_560 = arith.cmpi ne, %convert_element_type3A_558, %cond3A_559 : i32
      scf.if %cond3A_560 {
        %add3A_627 = arith.constant 8 : i32
        %add3A_628 = arith.addi %add3A_496, %add3A_627 : i32
        %mul3A_629 = arith.constant 16 : i32
        %mul3A_630 = arith.muli %add3A_628, %mul3A_629 : i32
        %add3A_631 = arith.addi %mul3A_2, %mul3A_630 : i32
        %dma_start3A_632 = arith.constant 6 : i32
        %dma_start3A_633 = arith.constant 0 : i32
        %dma_start3A_634 = tpu.memref_slice %arg2[%add3A_631, %dma_start3A_633] : memref<65536x512xf32, #tpu.memory_space<hbm>> -> memref<16x512xf32, #tpu.memory_space<hbm>>
        %dma_start3A_635 = tpu.memref_slice %arg15[%dma_start3A_632] : memref<8x!tpu.dma_semaphore, #tpu.memory_space<semaphore_mem>> -> memref<1x!tpu.dma_semaphore, #tpu.memory_space<semaphore_mem>>
        %dma_start3A_636 = tpu.memref_squeeze %dma_start3A_635 : memref<1x!tpu.dma_semaphore, #tpu.memory_space<semaphore_mem>> -> memref<!tpu.dma_semaphore, #tpu.memory_space<semaphore_mem>>
        %dma_start3A_637 = arith.constant 0 : i32
        %dma_start3A_638 = tpu.memref_slice %arg2[%add3A_631, %dma_start3A_637] : memref<65536x512xf32, #tpu.memory_space<hbm>> -> memref<16x512xf32, #tpu.memory_space<hbm>>
        tpu.enqueue_dma source(%dma_start3A_638 : memref<16x512xf32, #tpu.memory_space<hbm>>) target(%arg12 : memref<16x512xf32, #tpu.memory_space<vmem>>) target_semaphore(%dma_start3A_636 : memref<!tpu.dma_semaphore, #tpu.memory_space<semaphore_mem>>)
      } else {
      }
      %add3A_561 = arith.constant 7 : i32
      %add3A_562 = arith.addi %add3A_108, %add3A_561 : i32
      %mul3A_563 = arith.constant 16 : i32
      %mul3A_564 = arith.muli %add3A_562, %mul3A_563 : i32
      %add3A_565 = arith.addi %mul3A_2, %mul3A_564 : i32
      %dma_wait3A_566 = arith.constant 7 : i32
      %dma_wait3A_567 = arith.constant 0 : i32
      %dma_wait3A_568 = tpu.memref_slice %arg2[%add3A_565, %dma_wait3A_567] : memref<65536x512xf32, #tpu.memory_space<hbm>> -> memref<16x512xf32, #tpu.memory_space<hbm>>
      %dma_wait3A_569 = tpu.memref_slice %arg15[%dma_wait3A_566] : memref<8x!tpu.dma_semaphore, #tpu.memory_space<semaphore_mem>> -> memref<1x!tpu.dma_semaphore, #tpu.memory_space<semaphore_mem>>
      %dma_wait3A_570 = tpu.memref_squeeze %dma_wait3A_569 : memref<1x!tpu.dma_semaphore, #tpu.memory_space<semaphore_mem>> -> memref<!tpu.dma_semaphore, #tpu.memory_space<semaphore_mem>>
      %dma_wait3A_571 = arith.constant 0 : i32
      %dma_wait3A_572 = tpu.memref_slice %arg2[%add3A_565, %dma_wait3A_571] : memref<65536x512xf32, #tpu.memory_space<hbm>> -> memref<16x512xf32, #tpu.memory_space<hbm>>
      tpu.wait_dma2 semaphore(%dma_wait3A_570 : memref<!tpu.dma_semaphore, #tpu.memory_space<semaphore_mem>>) src(%dma_wait3A_572 : memref<16x512xf32, #tpu.memory_space<hbm>>) dst(%arg13 : memref<16x512xf32, #tpu.memory_space<vmem>>)
      %jit3A_573 = arith.constant 32 : i32
      %div3A_574 = arith.divsi %add3A_562, %jit3A_573 : i32
      %sign3A_575 = arith.constant 0 : i32
      %sign3A_576 = arith.cmpi sgt, %add3A_562, %sign3A_575 : i32
      %sign3A_577 = arith.extui %sign3A_576 : i1 to i32
      %sign3A_578 = arith.constant 0 : i32
      %sign3A_579 = arith.cmpi slt, %add3A_562, %sign3A_578 : i32
      %sign3A_580 = arith.extui %sign3A_579 : i1 to i32
      %sign3A_581 = arith.subi %sign3A_577, %sign3A_580 : i32
      %sign3A_582 = arith.constant 0 : i32
      %sign3A_583 = arith.cmpi sgt, %jit3A_573, %sign3A_582 : i32
      %sign3A_584 = arith.extui %sign3A_583 : i1 to i32
      %sign3A_585 = arith.constant 0 : i32
      %sign3A_586 = arith.cmpi slt, %jit3A_573, %sign3A_585 : i32
      %sign3A_587 = arith.extui %sign3A_586 : i1 to i32
      %sign3A_588 = arith.subi %sign3A_584, %sign3A_587 : i32
      %ne3A_589 = arith.cmpi ne, %sign3A_581, %sign3A_588 : i32
      %rem3A_590 = arith.remsi %add3A_562, %jit3A_573 : i32
      %ne3A_591 = arith.constant 0 : i32
      %ne3A_592 = arith.cmpi ne, %rem3A_590, %ne3A_591 : i32
      %and3A_593 = arith.andi %ne3A_589, %ne3A_592 : i1
      %sub3A_594 = arith.constant 1 : i32
      %sub3A_595 = arith.subi %div3A_574, %sub3A_594 : i32
      %select_n3A_596 = arith.select %and3A_593, %sub3A_595, %div3A_574 : i32
      %jit3A_597 = arith.constant 32 : i32
      %eq3A_598 = arith.constant 0 : i32
      %eq3A_599 = arith.cmpi eq, %jit3A_597, %eq3A_598 : i32
      %jit3A_600 = arith.constant 1 : i32
      %select_n3A_601 = arith.select %eq3A_599, %jit3A_600, %jit3A_597 : i32
      %rem3A_602 = arith.remsi %add3A_562, %select_n3A_601 : i32
      %ne3A_603 = arith.constant 0 : i32
      %ne3A_604 = arith.cmpi ne, %rem3A_602, %ne3A_603 : i32
      %lt3A_605 = arith.constant 0 : i32
      %lt3A_606 = arith.cmpi slt, %rem3A_602, %lt3A_605 : i32
      %lt3A_607 = arith.constant 0 : i32
      %lt3A_608 = arith.cmpi slt, %select_n3A_601, %lt3A_607 : i32
      %ne3A_609 = arith.xori %lt3A_606, %lt3A_608 : i1
      %and3A_610 = arith.andi %ne3A_609, %ne3A_604 : i1
      %add3A_611 = arith.addi %rem3A_602, %select_n3A_601 : i32
      %select_n3A_612 = arith.select %and3A_610, %add3A_611, %rem3A_602 : i32
      %mul3A_613 = arith.constant 16 : i32
      %mul3A_614 = arith.muli %select_n3A_612, %mul3A_613 : i32
      %scan3A_615 = arith.constant 0 : i32
      %scan3A_616 = arith.constant 16 : i32
      %scan3A_617 = arith.addi %scan3A_615, %scan3A_616 : i32
      %scan3A_618 = arith.constant 8 : i32
      scf.for %scan3A_627 = %scan3A_615 to %scan3A_617 step %scan3A_618  : i32 {
        %broadcast_in_dim3A = vector.broadcast %scan3A_627 : i32 to vector<16xi32>
        %gather3A = tpu.vector_load_idx %arg13[%broadcast_in_dim3A, %min3A_18] : memref<16x512xf32, #tpu.memory_space<vmem>>[vector<16xi32>, vector<16xi32>], vector<16xf32>,
        %add3A_628 = arith.addi %mul3A_614, %scan3A_627 : i32
        %mul3A_629 = arith.constant 64 : i32
        %mul3A_630 = arith.muli %select_n3A_596, %mul3A_629 : i32
        %shift_right_arithmetic3A_631 = arith.constant 7 : i32
        %shift_right_arithmetic3A_632 = arith.shrsi %add3A_628, %shift_right_arithmetic3A_631 : i32
        %mul3A_633 = arith.constant 2 : i32
        %mul3A_634 = arith.muli %shift_right_arithmetic3A_632, %mul3A_633 : i32
        %add3A_635 = arith.addi %mul3A_630, %mul3A_634 : i32
        %broadcast_in_dim3A_636 = vector.broadcast %add3A_635 : i32 to vector<16xi32>
        %add3A_637 = arith.addi %broadcast_in_dim3A_636, %add3A_26 : vector<16xi32>
        %and3A_638 = arith.constant 127 : i32
        %and3A_639 = arith.andi %add3A_628, %and3A_638 : i32
        %broadcast_in_dim3A_640 = vector.broadcast %and3A_639 : i32 to vector<16xi32>
        tpu.vector_store_idx %arg14[%add3A_637, %broadcast_in_dim3A_640], %gather3A : memref<192x128xf32, #tpu.memory_space<vmem>>[vector<16xi32>, vector<16xi32>], vector<16xf32>,
        %scan3A_641 = arith.constant 1 : i32
        %scan3A_642 = arith.addi %scan3A_627, %scan3A_641 : i32
        %broadcast_in_dim3A_643 = vector.broadcast %scan3A_642 : i32 to vector<16xi32>
        %gather3A_644 = tpu.vector_load_idx %arg13[%broadcast_in_dim3A_643, %min3A_18] : memref<16x512xf32, #tpu.memory_space<vmem>>[vector<16xi32>, vector<16xi32>], vector<16xf32>,
        %add3A_645 = arith.addi %mul3A_614, %scan3A_642 : i32
        %mul3A_646 = arith.constant 64 : i32
        %mul3A_647 = arith.muli %select_n3A_596, %mul3A_646 : i32
        %shift_right_arithmetic3A_648 = arith.constant 7 : i32
        %shift_right_arithmetic3A_649 = arith.shrsi %add3A_645, %shift_right_arithmetic3A_648 : i32
        %mul3A_650 = arith.constant 2 : i32
        %mul3A_651 = arith.muli %shift_right_arithmetic3A_649, %mul3A_650 : i32
        %add3A_652 = arith.addi %mul3A_647, %mul3A_651 : i32
        %broadcast_in_dim3A_653 = vector.broadcast %add3A_652 : i32 to vector<16xi32>
        %add3A_654 = arith.addi %broadcast_in_dim3A_653, %add3A_26 : vector<16xi32>
        %and3A_655 = arith.constant 127 : i32
        %and3A_656 = arith.andi %add3A_645, %and3A_655 : i32
        %broadcast_in_dim3A_657 = vector.broadcast %and3A_656 : i32 to vector<16xi32>
        tpu.vector_store_idx %arg14[%add3A_654, %broadcast_in_dim3A_657], %gather3A_644 : memref<192x128xf32, #tpu.memory_space<vmem>>[vector<16xi32>, vector<16xi32>], vector<16xf32>,
        %scan3A_658 = arith.constant 2 : i32
        %scan3A_659 = arith.addi %scan3A_627, %scan3A_658 : i32
        %broadcast_in_dim3A_660 = vector.broadcast %scan3A_659 : i32 to vector<16xi32>
        %gather3A_661 = tpu.vector_load_idx %arg13[%broadcast_in_dim3A_660, %min3A_18] : memref<16x512xf32, #tpu.memory_space<vmem>>[vector<16xi32>, vector<16xi32>], vector<16xf32>,
        %add3A_662 = arith.addi %mul3A_614, %scan3A_659 : i32
        %mul3A_663 = arith.constant 64 : i32
        %mul3A_664 = arith.muli %select_n3A_596, %mul3A_663 : i32
        %shift_right_arithmetic3A_665 = arith.constant 7 : i32
        %shift_right_arithmetic3A_666 = arith.shrsi %add3A_662, %shift_right_arithmetic3A_665 : i32
        %mul3A_667 = arith.constant 2 : i32
        %mul3A_668 = arith.muli %shift_right_arithmetic3A_666, %mul3A_667 : i32
        %add3A_669 = arith.addi %mul3A_664, %mul3A_668 : i32
        %broadcast_in_dim3A_670 = vector.broadcast %add3A_669 : i32 to vector<16xi32>
        %add3A_671 = arith.addi %broadcast_in_dim3A_670, %add3A_26 : vector<16xi32>
        %and3A_672 = arith.constant 127 : i32
        %and3A_673 = arith.andi %add3A_662, %and3A_672 : i32
        %broadcast_in_dim3A_674 = vector.broadcast %and3A_673 : i32 to vector<16xi32>
        tpu.vector_store_idx %arg14[%add3A_671, %broadcast_in_dim3A_674], %gather3A_661 : memref<192x128xf32, #tpu.memory_space<vmem>>[vector<16xi32>, vector<16xi32>], vector<16xf32>,
        %scan3A_675 = arith.constant 3 : i32
        %scan3A_676 = arith.addi %scan3A_627, %scan3A_675 : i32
        %broadcast_in_dim3A_677 = vector.broadcast %scan3A_676 : i32 to vector<16xi32>
        %gather3A_678 = tpu.vector_load_idx %arg13[%broadcast_in_dim3A_677, %min3A_18] : memref<16x512xf32, #tpu.memory_space<vmem>>[vector<16xi32>, vector<16xi32>], vector<16xf32>,
        %add3A_679 = arith.addi %mul3A_614, %scan3A_676 : i32
        %mul3A_680 = arith.constant 64 : i32
        %mul3A_681 = arith.muli %select_n3A_596, %mul3A_680 : i32
        %shift_right_arithmetic3A_682 = arith.constant 7 : i32
        %shift_right_arithmetic3A_683 = arith.shrsi %add3A_679, %shift_right_arithmetic3A_682 : i32
        %mul3A_684 = arith.constant 2 : i32
        %mul3A_685 = arith.muli %shift_right_arithmetic3A_683, %mul3A_684 : i32
        %add3A_686 = arith.addi %mul3A_681, %mul3A_685 : i32
        %broadcast_in_dim3A_687 = vector.broadcast %add3A_686 : i32 to vector<16xi32>
        %add3A_688 = arith.addi %broadcast_in_dim3A_687, %add3A_26 : vector<16xi32>
        %and3A_689 = arith.constant 127 : i32
        %and3A_690 = arith.andi %add3A_679, %and3A_689 : i32
        %broadcast_in_dim3A_691 = vector.broadcast %and3A_690 : i32 to vector<16xi32>
        tpu.vector_store_idx %arg14[%add3A_688, %broadcast_in_dim3A_691], %gather3A_678 : memref<192x128xf32, #tpu.memory_space<vmem>>[vector<16xi32>, vector<16xi32>], vector<16xf32>,
        %scan3A_692 = arith.constant 4 : i32
        %scan3A_693 = arith.addi %scan3A_627, %scan3A_692 : i32
        %broadcast_in_dim3A_694 = vector.broadcast %scan3A_693 : i32 to vector<16xi32>
        %gather3A_695 = tpu.vector_load_idx %arg13[%broadcast_in_dim3A_694, %min3A_18] : memref<16x512xf32, #tpu.memory_space<vmem>>[vector<16xi32>, vector<16xi32>], vector<16xf32>,
        %add3A_696 = arith.addi %mul3A_614, %scan3A_693 : i32
        %mul3A_697 = arith.constant 64 : i32
        %mul3A_698 = arith.muli %select_n3A_596, %mul3A_697 : i32
        %shift_right_arithmetic3A_699 = arith.constant 7 : i32
        %shift_right_arithmetic3A_700 = arith.shrsi %add3A_696, %shift_right_arithmetic3A_699 : i32
        %mul3A_701 = arith.constant 2 : i32
        %mul3A_702 = arith.muli %shift_right_arithmetic3A_700, %mul3A_701 : i32
        %add3A_703 = arith.addi %mul3A_698, %mul3A_702 : i32
        %broadcast_in_dim3A_704 = vector.broadcast %add3A_703 : i32 to vector<16xi32>
        %add3A_705 = arith.addi %broadcast_in_dim3A_704, %add3A_26 : vector<16xi32>
        %and3A_706 = arith.constant 127 : i32
        %and3A_707 = arith.andi %add3A_696, %and3A_706 : i32
        %broadcast_in_dim3A_708 = vector.broadcast %and3A_707 : i32 to vector<16xi32>
        tpu.vector_store_idx %arg14[%add3A_705, %broadcast_in_dim3A_708], %gather3A_695 : memref<192x128xf32, #tpu.memory_space<vmem>>[vector<16xi32>, vector<16xi32>], vector<16xf32>,
        %scan3A_709 = arith.constant 5 : i32
        %scan3A_710 = arith.addi %scan3A_627, %scan3A_709 : i32
        %broadcast_in_dim3A_711 = vector.broadcast %scan3A_710 : i32 to vector<16xi32>
        %gather3A_712 = tpu.vector_load_idx %arg13[%broadcast_in_dim3A_711, %min3A_18] : memref<16x512xf32, #tpu.memory_space<vmem>>[vector<16xi32>, vector<16xi32>], vector<16xf32>,
        %add3A_713 = arith.addi %mul3A_614, %scan3A_710 : i32
        %mul3A_714 = arith.constant 64 : i32
        %mul3A_715 = arith.muli %select_n3A_596, %mul3A_714 : i32
        %shift_right_arithmetic3A_716 = arith.constant 7 : i32
        %shift_right_arithmetic3A_717 = arith.shrsi %add3A_713, %shift_right_arithmetic3A_716 : i32
        %mul3A_718 = arith.constant 2 : i32
        %mul3A_719 = arith.muli %shift_right_arithmetic3A_717, %mul3A_718 : i32
        %add3A_720 = arith.addi %mul3A_715, %mul3A_719 : i32
        %broadcast_in_dim3A_721 = vector.broadcast %add3A_720 : i32 to vector<16xi32>
        %add3A_722 = arith.addi %broadcast_in_dim3A_721, %add3A_26 : vector<16xi32>
        %and3A_723 = arith.constant 127 : i32
        %and3A_724 = arith.andi %add3A_713, %and3A_723 : i32
        %broadcast_in_dim3A_725 = vector.broadcast %and3A_724 : i32 to vector<16xi32>
        tpu.vector_store_idx %arg14[%add3A_722, %broadcast_in_dim3A_725], %gather3A_712 : memref<192x128xf32, #tpu.memory_space<vmem>>[vector<16xi32>, vector<16xi32>], vector<16xf32>,
        %scan3A_726 = arith.constant 6 : i32
        %scan3A_727 = arith.addi %scan3A_627, %scan3A_726 : i32
        %broadcast_in_dim3A_728 = vector.broadcast %scan3A_727 : i32 to vector<16xi32>
        %gather3A_729 = tpu.vector_load_idx %arg13[%broadcast_in_dim3A_728, %min3A_18] : memref<16x512xf32, #tpu.memory_space<vmem>>[vector<16xi32>, vector<16xi32>], vector<16xf32>,
        %add3A_730 = arith.addi %mul3A_614, %scan3A_727 : i32
        %mul3A_731 = arith.constant 64 : i32
        %mul3A_732 = arith.muli %select_n3A_596, %mul3A_731 : i32
        %shift_right_arithmetic3A_733 = arith.constant 7 : i32
        %shift_right_arithmetic3A_734 = arith.shrsi %add3A_730, %shift_right_arithmetic3A_733 : i32
        %mul3A_735 = arith.constant 2 : i32
        %mul3A_736 = arith.muli %shift_right_arithmetic3A_734, %mul3A_735 : i32
        %add3A_737 = arith.addi %mul3A_732, %mul3A_736 : i32
        %broadcast_in_dim3A_738 = vector.broadcast %add3A_737 : i32 to vector<16xi32>
        %add3A_739 = arith.addi %broadcast_in_dim3A_738, %add3A_26 : vector<16xi32>
        %and3A_740 = arith.constant 127 : i32
        %and3A_741 = arith.andi %add3A_730, %and3A_740 : i32
        %broadcast_in_dim3A_742 = vector.broadcast %and3A_741 : i32 to vector<16xi32>
        tpu.vector_store_idx %arg14[%add3A_739, %broadcast_in_dim3A_742], %gather3A_729 : memref<192x128xf32, #tpu.memory_space<vmem>>[vector<16xi32>, vector<16xi32>], vector<16xf32>,
        %scan3A_743 = arith.constant 7 : i32
        %scan3A_744 = arith.addi %scan3A_627, %scan3A_743 : i32
        %broadcast_in_dim3A_745 = vector.broadcast %scan3A_744 : i32 to vector<16xi32>
        %gather3A_746 = tpu.vector_load_idx %arg13[%broadcast_in_dim3A_745, %min3A_18] : memref<16x512xf32, #tpu.memory_space<vmem>>[vector<16xi32>, vector<16xi32>], vector<16xf32>,
        %add3A_747 = arith.addi %mul3A_614, %scan3A_744 : i32
        %mul3A_748 = arith.constant 64 : i32
        %mul3A_749 = arith.muli %select_n3A_596, %mul3A_748 : i32
        %shift_right_arithmetic3A_750 = arith.constant 7 : i32
        %shift_right_arithmetic3A_751 = arith.shrsi %add3A_747, %shift_right_arithmetic3A_750 : i32
        %mul3A_752 = arith.constant 2 : i32
        %mul3A_753 = arith.muli %shift_right_arithmetic3A_751, %mul3A_752 : i32
        %add3A_754 = arith.addi %mul3A_749, %mul3A_753 : i32
        %broadcast_in_dim3A_755 = vector.broadcast %add3A_754 : i32 to vector<16xi32>
        %add3A_756 = arith.addi %broadcast_in_dim3A_755, %add3A_26 : vector<16xi32>
        %and3A_757 = arith.constant 127 : i32
        %and3A_758 = arith.andi %add3A_747, %and3A_757 : i32
        %broadcast_in_dim3A_759 = vector.broadcast %and3A_758 : i32 to vector<16xi32>
        tpu.vector_store_idx %arg14[%add3A_756, %broadcast_in_dim3A_759], %gather3A_746 : memref<192x128xf32, #tpu.memory_space<vmem>>[vector<16xi32>, vector<16xi32>], vector<16xf32>,
      }
      %scan3A_619 = arith.constant 16 : i32
      %add3A_620 = arith.constant 8 : i32
      %add3A_621 = arith.addi %add3A_562, %add3A_620 : i32
      %lt3A_622 = arith.constant 96 : i32
      %lt3A_623 = arith.cmpi slt, %add3A_621, %lt3A_622 : i32
      %convert_element_type3A_624 = arith.extui %lt3A_623 : i1 to i32
      %cond3A_625 = arith.constant 0 : i32
      %cond3A_626 = arith.cmpi ne, %convert_element_type3A_624, %cond3A_625 : i32
      scf.if %cond3A_626 {
        %add3A_627 = arith.constant 8 : i32
        %add3A_628 = arith.addi %add3A_562, %add3A_627 : i32
        %mul3A_629 = arith.constant 16 : i32
        %mul3A_630 = arith.muli %add3A_628, %mul3A_629 : i32
        %add3A_631 = arith.addi %mul3A_2, %mul3A_630 : i32
        %dma_start3A_632 = arith.constant 7 : i32
        %dma_start3A_633 = arith.constant 0 : i32
        %dma_start3A_634 = tpu.memref_slice %arg2[%add3A_631, %dma_start3A_633] : memref<65536x512xf32, #tpu.memory_space<hbm>> -> memref<16x512xf32, #tpu.memory_space<hbm>>
        %dma_start3A_635 = tpu.memref_slice %arg15[%dma_start3A_632] : memref<8x!tpu.dma_semaphore, #tpu.memory_space<semaphore_mem>> -> memref<1x!tpu.dma_semaphore, #tpu.memory_space<semaphore_mem>>
        %dma_start3A_636 = tpu.memref_squeeze %dma_start3A_635 : memref<1x!tpu.dma_semaphore, #tpu.memory_space<semaphore_mem>> -> memref<!tpu.dma_semaphore, #tpu.memory_space<semaphore_mem>>
        %dma_start3A_637 = arith.constant 0 : i32
        %dma_start3A_638 = tpu.memref_slice %arg2[%add3A_631, %dma_start3A_637] : memref<65536x512xf32, #tpu.memory_space<hbm>> -> memref<16x512xf32, #tpu.memory_space<hbm>>
        tpu.enqueue_dma source(%dma_start3A_638 : memref<16x512xf32, #tpu.memory_space<hbm>>) target(%arg13 : memref<16x512xf32, #tpu.memory_space<vmem>>) target_semaphore(%dma_start3A_636 : memref<!tpu.dma_semaphore, #tpu.memory_space<semaphore_mem>>)
      } else {
      }
    }
    %scan3A_101 = arith.constant 12 : i32
    %mul3A_102 = arith.constant 192 : i32
    %mul3A_103 = arith.muli %add3A, %mul3A_102 : i32
    "tpu.region"() ({
      %run_scoped3A = tpu.sem_alloc : memref<!tpu.dma_semaphore, #tpu.memory_space<semaphore_mem>>
      %dma_start3A_104 = arith.constant 0 : i32
      %dma_start3A_105 = tpu.memref_slice %arg4[%mul3A_103, %dma_start3A_104] : memref<6144x128xf32, #tpu.memory_space<hbm>> -> memref<192x128xf32, #tpu.memory_space<hbm>>
      %dma_start3A_106 = arith.constant 0 : i32
      %dma_start3A_107 = tpu.memref_slice %arg4[%mul3A_103, %dma_start3A_106] : memref<6144x128xf32, #tpu.memory_space<hbm>> -> memref<192x128xf32, #tpu.memory_space<hbm>>
      tpu.enqueue_dma source(%arg14 : memref<192x128xf32, #tpu.memory_space<vmem>>) target(%dma_start3A_107 : memref<192x128xf32, #tpu.memory_space<hbm>>) target_semaphore(%run_scoped3A : memref<!tpu.dma_semaphore, #tpu.memory_space<semaphore_mem>>)
      %dma_wait3A = arith.constant 0 : i32
      %dma_wait3A_108 = tpu.memref_slice %arg4[%mul3A_103, %dma_wait3A] : memref<6144x128xf32, #tpu.memory_space<hbm>> -> memref<192x128xf32, #tpu.memory_space<hbm>>
      %dma_wait3A_109 = arith.constant 0 : i32
      %dma_wait3A_110 = tpu.memref_slice %arg4[%mul3A_103, %dma_wait3A_109] : memref<6144x128xf32, #tpu.memory_space<hbm>> -> memref<192x128xf32, #tpu.memory_space<hbm>>
      tpu.wait_dma2 semaphore(%run_scoped3A : memref<!tpu.dma_semaphore, #tpu.memory_space<semaphore_mem>>) src(%arg14 : memref<192x128xf32, #tpu.memory_space<vmem>>) dst(%dma_wait3A_110 : memref<192x128xf32, #tpu.memory_space<hbm>>)
      tpu.yield
    }) : () -> ()
    return
  }
}

module attributes {stable_mosaic.version = 14 : i64} {
  func.func @_tc_kernel(%arg0: i32, %arg1: memref<8x16xf32, #tpu.memory_space<vmem>>, %arg2: memref<512x512xf32, #tpu.memory_space<vmem>>, %arg3: memref<64x128xf32, #tpu.memory_space<vmem>>) attributes {dimension_semantics = [#tpu.dimension_semantics<arbitrary>], iteration_bounds = array<i64: 32>, scalar_prefetch = 0 : i64, scratch_operands = 0 : i64, tpu.core_type = #tpu.core_type<tc>, window_params = [{pipeline_mode = #tpu.pipeline_mode<synchronous>, transform_indices = @transform_0, window_bounds = array<i64: 8, 16>}, {transform_indices = @transform_1, window_bounds = array<i64: 512, 512>}, {transform_indices = @transform_2, window_bounds = array<i64: 64, 128>}]} {
    %get3A = arith.constant 0 : index
    %get3A_0 = arith.constant 0 : index
    %get3A_1 = vector.load %arg1[%get3A, %get3A_0] : memref<8x16xf32, #tpu.memory_space<vmem>>, vector<1x16xf32>
    %add3A = arith.constant 1.000000e+00 : f32
    %add3A_2 = vector.broadcast %add3A : f32 to vector<1x16xf32>
    %add3A_3 = arith.addf %get3A_1, %add3A_2 : vector<1x16xf32>
    %mul3A = arith.constant 5.110000e+02 : f32
    %mul3A_4 = vector.broadcast %mul3A : f32 to vector<1x16xf32>
    %mul3A_5 = arith.mulf %add3A_3, %mul3A_4 : vector<1x16xf32>
    %div3A = arith.constant 2.000000e+00 : f32
    %div3A_6 = vector.broadcast %div3A : f32 to vector<1x16xf32>
    %div3A_7 = arith.divf %mul3A_5, %div3A_6 : vector<1x16xf32>
    %round3A = math.roundeven %div3A_7 : vector<1x16xf32>
    %convert_element_type3A = arith.fptosi %round3A : vector<1x16xf32> to vector<1x16xi32>
    %jit3A = arith.constant 0 : i32
    %jit3A_8 = arith.constant 511 : i32
    %max3A = vector.broadcast %jit3A : i32 to vector<1x16xi32>
    %max3A_9 = arith.maxsi %max3A, %convert_element_type3A : vector<1x16xi32>
    %min3A = vector.broadcast %jit3A_8 : i32 to vector<1x16xi32>
    %min3A_10 = arith.minsi %min3A, %max3A_9 : vector<1x16xi32>
    %iota3A = tpu.iota {dimensions = array<i32: 0>} : vector<512x16xi32>
    %broadcast_in_dim3A = vector.shape_cast %min3A_10 : vector<1x16xi32> to vector<1x16xi32>
    %broadcast_in_dim3A_11 = vector.broadcast %broadcast_in_dim3A : vector<1x16xi32> to vector<512x16xi32>
    %eq3A = arith.cmpi eq, %iota3A, %broadcast_in_dim3A_11 : vector<512x16xi32>
    %convert_element_type3A_12 = arith.extui %eq3A : vector<512x16xi1> to vector<512x16xi32>
    %convert_element_type3A_13 = arith.sitofp %convert_element_type3A_12 : vector<512x16xi32> to vector<512x16xf32>
    %get3A_14 = arith.constant 0 : index
    %get3A_15 = arith.constant 0 : index
    %get3A_16 = vector.load %arg2[%get3A_14, %get3A_15] : memref<512x512xf32, #tpu.memory_space<vmem>>, vector<512x512xf32>
    %dot_general3A = arith.constant dense<0.000000e+00> : vector<16x512xf32>
    %dot_general3A_17 = tpu.matmul %convert_element_type3A_13, %get3A_16, %dot_general3A {dimension_numbers = #tpu.dot_dimension_numbers<[0], [1], [1], [0], [0, 1, 1, 0], [], []>, precision = #tpu.contract_precision<fp32>, transpose_lhs_hint = false} : vector<512x16xf32>, vector<512x512xf32>, vector<16x512xf32> -> vector<16x512xf32>
    %slice3A = vector.extract_strided_slice %dot_general3A_17 {offsets = [0, 0], sizes = [1, 128], strides = [1, 1]} : vector<16x512xf32> to vector<1x128xf32>
    %swap3A = arith.constant 0 : index
    %swap3A_18 = arith.constant 0 : index
    %swap3A_19 = vector.load %arg3[%swap3A, %swap3A_18] : memref<64x128xf32, #tpu.memory_space<vmem>>, vector<1x128xf32>
    tpu.vector_store %arg3[%swap3A, %swap3A_18], %slice3A {strides = array<i32>} : memref<64x128xf32, #tpu.memory_space<vmem>>, vector<1x128xf32>,
    %slice3A_20 = vector.extract_strided_slice %dot_general3A_17 {offsets = [1, 0], sizes = [1, 128], strides = [1, 1]} : vector<16x512xf32> to vector<1x128xf32>
    %swap3A_21 = arith.constant 1 : index
    %swap3A_22 = arith.constant 0 : index
    %swap3A_23 = vector.load %arg3[%swap3A_21, %swap3A_22] : memref<64x128xf32, #tpu.memory_space<vmem>>, vector<1x128xf32>
    tpu.vector_store %arg3[%swap3A_21, %swap3A_22], %slice3A_20 {strides = array<i32>} : memref<64x128xf32, #tpu.memory_space<vmem>>, vector<1x128xf32>,
    %slice3A_24 = vector.extract_strided_slice %dot_general3A_17 {offsets = [2, 0], sizes = [1, 128], strides = [1, 1]} : vector<16x512xf32> to vector<1x128xf32>
    %swap3A_25 = arith.constant 8 : index
    %swap3A_26 = arith.constant 0 : index
    %swap3A_27 = vector.load %arg3[%swap3A_25, %swap3A_26] : memref<64x128xf32, #tpu.memory_space<vmem>>, vector<1x128xf32>
    tpu.vector_store %arg3[%swap3A_25, %swap3A_26], %slice3A_24 {strides = array<i32>} : memref<64x128xf32, #tpu.memory_space<vmem>>, vector<1x128xf32>,
    %slice3A_28 = vector.extract_strided_slice %dot_general3A_17 {offsets = [3, 0], sizes = [1, 128], strides = [1, 1]} : vector<16x512xf32> to vector<1x128xf32>
    %swap3A_29 = arith.constant 9 : index
    %swap3A_30 = arith.constant 0 : index
    %swap3A_31 = vector.load %arg3[%swap3A_29, %swap3A_30] : memref<64x128xf32, #tpu.memory_space<vmem>>, vector<1x128xf32>
    tpu.vector_store %arg3[%swap3A_29, %swap3A_30], %slice3A_28 {strides = array<i32>} : memref<64x128xf32, #tpu.memory_space<vmem>>, vector<1x128xf32>,
    %slice3A_32 = vector.extract_strided_slice %dot_general3A_17 {offsets = [4, 0], sizes = [1, 128], strides = [1, 1]} : vector<16x512xf32> to vector<1x128xf32>
    %swap3A_33 = arith.constant 16 : index
    %swap3A_34 = arith.constant 0 : index
    %swap3A_35 = vector.load %arg3[%swap3A_33, %swap3A_34] : memref<64x128xf32, #tpu.memory_space<vmem>>, vector<1x128xf32>
    tpu.vector_store %arg3[%swap3A_33, %swap3A_34], %slice3A_32 {strides = array<i32>} : memref<64x128xf32, #tpu.memory_space<vmem>>, vector<1x128xf32>,
    %slice3A_36 = vector.extract_strided_slice %dot_general3A_17 {offsets = [5, 0], sizes = [1, 128], strides = [1, 1]} : vector<16x512xf32> to vector<1x128xf32>
    %swap3A_37 = arith.constant 17 : index
    %swap3A_38 = arith.constant 0 : index
    %swap3A_39 = vector.load %arg3[%swap3A_37, %swap3A_38] : memref<64x128xf32, #tpu.memory_space<vmem>>, vector<1x128xf32>
    tpu.vector_store %arg3[%swap3A_37, %swap3A_38], %slice3A_36 {strides = array<i32>} : memref<64x128xf32, #tpu.memory_space<vmem>>, vector<1x128xf32>,
    %slice3A_40 = vector.extract_strided_slice %dot_general3A_17 {offsets = [6, 0], sizes = [1, 128], strides = [1, 1]} : vector<16x512xf32> to vector<1x128xf32>
    %swap3A_41 = arith.constant 24 : index
    %swap3A_42 = arith.constant 0 : index
    %swap3A_43 = vector.load %arg3[%swap3A_41, %swap3A_42] : memref<64x128xf32, #tpu.memory_space<vmem>>, vector<1x128xf32>
    tpu.vector_store %arg3[%swap3A_41, %swap3A_42], %slice3A_40 {strides = array<i32>} : memref<64x128xf32, #tpu.memory_space<vmem>>, vector<1x128xf32>,
    %slice3A_44 = vector.extract_strided_slice %dot_general3A_17 {offsets = [7, 0], sizes = [1, 128], strides = [1, 1]} : vector<16x512xf32> to vector<1x128xf32>
    %swap3A_45 = arith.constant 25 : index
    %swap3A_46 = arith.constant 0 : index
    %swap3A_47 = vector.load %arg3[%swap3A_45, %swap3A_46] : memref<64x128xf32, #tpu.memory_space<vmem>>, vector<1x128xf32>
    tpu.vector_store %arg3[%swap3A_45, %swap3A_46], %slice3A_44 {strides = array<i32>} : memref<64x128xf32, #tpu.memory_space<vmem>>, vector<1x128xf32>,
    %slice3A_48 = vector.extract_strided_slice %dot_general3A_17 {offsets = [8, 0], sizes = [1, 128], strides = [1, 1]} : vector<16x512xf32> to vector<1x128xf32>
    %swap3A_49 = arith.constant 32 : index
    %swap3A_50 = arith.constant 0 : index
    %swap3A_51 = vector.load %arg3[%swap3A_49, %swap3A_50] : memref<64x128xf32, #tpu.memory_space<vmem>>, vector<1x128xf32>
    tpu.vector_store %arg3[%swap3A_49, %swap3A_50], %slice3A_48 {strides = array<i32>} : memref<64x128xf32, #tpu.memory_space<vmem>>, vector<1x128xf32>,
    %slice3A_52 = vector.extract_strided_slice %dot_general3A_17 {offsets = [9, 0], sizes = [1, 128], strides = [1, 1]} : vector<16x512xf32> to vector<1x128xf32>
    %swap3A_53 = arith.constant 33 : index
    %swap3A_54 = arith.constant 0 : index
    %swap3A_55 = vector.load %arg3[%swap3A_53, %swap3A_54] : memref<64x128xf32, #tpu.memory_space<vmem>>, vector<1x128xf32>
    tpu.vector_store %arg3[%swap3A_53, %swap3A_54], %slice3A_52 {strides = array<i32>} : memref<64x128xf32, #tpu.memory_space<vmem>>, vector<1x128xf32>,
    %slice3A_56 = vector.extract_strided_slice %dot_general3A_17 {offsets = [10, 0], sizes = [1, 128], strides = [1, 1]} : vector<16x512xf32> to vector<1x128xf32>
    %swap3A_57 = arith.constant 40 : index
    %swap3A_58 = arith.constant 0 : index
    %swap3A_59 = vector.load %arg3[%swap3A_57, %swap3A_58] : memref<64x128xf32, #tpu.memory_space<vmem>>, vector<1x128xf32>
    tpu.vector_store %arg3[%swap3A_57, %swap3A_58], %slice3A_56 {strides = array<i32>} : memref<64x128xf32, #tpu.memory_space<vmem>>, vector<1x128xf32>,
    %slice3A_60 = vector.extract_strided_slice %dot_general3A_17 {offsets = [11, 0], sizes = [1, 128], strides = [1, 1]} : vector<16x512xf32> to vector<1x128xf32>
    %swap3A_61 = arith.constant 41 : index
    %swap3A_62 = arith.constant 0 : index
    %swap3A_63 = vector.load %arg3[%swap3A_61, %swap3A_62] : memref<64x128xf32, #tpu.memory_space<vmem>>, vector<1x128xf32>
    tpu.vector_store %arg3[%swap3A_61, %swap3A_62], %slice3A_60 {strides = array<i32>} : memref<64x128xf32, #tpu.memory_space<vmem>>, vector<1x128xf32>,
    %slice3A_64 = vector.extract_strided_slice %dot_general3A_17 {offsets = [12, 0], sizes = [1, 128], strides = [1, 1]} : vector<16x512xf32> to vector<1x128xf32>
    %swap3A_65 = arith.constant 48 : index
    %swap3A_66 = arith.constant 0 : index
    %swap3A_67 = vector.load %arg3[%swap3A_65, %swap3A_66] : memref<64x128xf32, #tpu.memory_space<vmem>>, vector<1x128xf32>
    tpu.vector_store %arg3[%swap3A_65, %swap3A_66], %slice3A_64 {strides = array<i32>} : memref<64x128xf32, #tpu.memory_space<vmem>>, vector<1x128xf32>,
    %slice3A_68 = vector.extract_strided_slice %dot_general3A_17 {offsets = [13, 0], sizes = [1, 128], strides = [1, 1]} : vector<16x512xf32> to vector<1x128xf32>
    %swap3A_69 = arith.constant 49 : index
    %swap3A_70 = arith.constant 0 : index
    %swap3A_71 = vector.load %arg3[%swap3A_69, %swap3A_70] : memref<64x128xf32, #tpu.memory_space<vmem>>, vector<1x128xf32>
    tpu.vector_store %arg3[%swap3A_69, %swap3A_70], %slice3A_68 {strides = array<i32>} : memref<64x128xf32, #tpu.memory_space<vmem>>, vector<1x128xf32>,
    %slice3A_72 = vector.extract_strided_slice %dot_general3A_17 {offsets = [14, 0], sizes = [1, 128], strides = [1, 1]} : vector<16x512xf32> to vector<1x128xf32>
    %swap3A_73 = arith.constant 56 : index
    %swap3A_74 = arith.constant 0 : index
    %swap3A_75 = vector.load %arg3[%swap3A_73, %swap3A_74] : memref<64x128xf32, #tpu.memory_space<vmem>>, vector<1x128xf32>
    tpu.vector_store %arg3[%swap3A_73, %swap3A_74], %slice3A_72 {strides = array<i32>} : memref<64x128xf32, #tpu.memory_space<vmem>>, vector<1x128xf32>,
    %slice3A_76 = vector.extract_strided_slice %dot_general3A_17 {offsets = [15, 0], sizes = [1, 128], strides = [1, 1]} : vector<16x512xf32> to vector<1x128xf32>
    %swap3A_77 = arith.constant 57 : index
    %swap3A_78 = arith.constant 0 : index
    %swap3A_79 = vector.load %arg3[%swap3A_77, %swap3A_78] : memref<64x128xf32, #tpu.memory_space<vmem>>, vector<1x128xf32>
    tpu.vector_store %arg3[%swap3A_77, %swap3A_78], %slice3A_76 {strides = array<i32>} : memref<64x128xf32, #tpu.memory_space<vmem>>, vector<1x128xf32>,
    %slice3A_80 = vector.extract_strided_slice %dot_general3A_17 {offsets = [0, 128], sizes = [1, 128], strides = [1, 1]} : vector<16x512xf32> to vector<1x128xf32>
    %swap3A_81 = arith.constant 2 : index
    %swap3A_82 = arith.constant 0 : index
    %swap3A_83 = vector.load %arg3[%swap3A_81, %swap3A_82] : memref<64x128xf32, #tpu.memory_space<vmem>>, vector<1x128xf32>
    tpu.vector_store %arg3[%swap3A_81, %swap3A_82], %slice3A_80 {strides = array<i32>} : memref<64x128xf32, #tpu.memory_space<vmem>>, vector<1x128xf32>,
    %slice3A_84 = vector.extract_strided_slice %dot_general3A_17 {offsets = [1, 128], sizes = [1, 128], strides = [1, 1]} : vector<16x512xf32> to vector<1x128xf32>
    %swap3A_85 = arith.constant 3 : index
    %swap3A_86 = arith.constant 0 : index
    %swap3A_87 = vector.load %arg3[%swap3A_85, %swap3A_86] : memref<64x128xf32, #tpu.memory_space<vmem>>, vector<1x128xf32>
    tpu.vector_store %arg3[%swap3A_85, %swap3A_86], %slice3A_84 {strides = array<i32>} : memref<64x128xf32, #tpu.memory_space<vmem>>, vector<1x128xf32>,
    %slice3A_88 = vector.extract_strided_slice %dot_general3A_17 {offsets = [2, 128], sizes = [1, 128], strides = [1, 1]} : vector<16x512xf32> to vector<1x128xf32>
    %swap3A_89 = arith.constant 10 : index
    %swap3A_90 = arith.constant 0 : index
    %swap3A_91 = vector.load %arg3[%swap3A_89, %swap3A_90] : memref<64x128xf32, #tpu.memory_space<vmem>>, vector<1x128xf32>
    tpu.vector_store %arg3[%swap3A_89, %swap3A_90], %slice3A_88 {strides = array<i32>} : memref<64x128xf32, #tpu.memory_space<vmem>>, vector<1x128xf32>,
    %slice3A_92 = vector.extract_strided_slice %dot_general3A_17 {offsets = [3, 128], sizes = [1, 128], strides = [1, 1]} : vector<16x512xf32> to vector<1x128xf32>
    %swap3A_93 = arith.constant 11 : index
    %swap3A_94 = arith.constant 0 : index
    %swap3A_95 = vector.load %arg3[%swap3A_93, %swap3A_94] : memref<64x128xf32, #tpu.memory_space<vmem>>, vector<1x128xf32>
    tpu.vector_store %arg3[%swap3A_93, %swap3A_94], %slice3A_92 {strides = array<i32>} : memref<64x128xf32, #tpu.memory_space<vmem>>, vector<1x128xf32>,
    %slice3A_96 = vector.extract_strided_slice %dot_general3A_17 {offsets = [4, 128], sizes = [1, 128], strides = [1, 1]} : vector<16x512xf32> to vector<1x128xf32>
    %swap3A_97 = arith.constant 18 : index
    %swap3A_98 = arith.constant 0 : index
    %swap3A_99 = vector.load %arg3[%swap3A_97, %swap3A_98] : memref<64x128xf32, #tpu.memory_space<vmem>>, vector<1x128xf32>
    tpu.vector_store %arg3[%swap3A_97, %swap3A_98], %slice3A_96 {strides = array<i32>} : memref<64x128xf32, #tpu.memory_space<vmem>>, vector<1x128xf32>,
    %slice3A_100 = vector.extract_strided_slice %dot_general3A_17 {offsets = [5, 128], sizes = [1, 128], strides = [1, 1]} : vector<16x512xf32> to vector<1x128xf32>
    %swap3A_101 = arith.constant 19 : index
    %swap3A_102 = arith.constant 0 : index
    %swap3A_103 = vector.load %arg3[%swap3A_101, %swap3A_102] : memref<64x128xf32, #tpu.memory_space<vmem>>, vector<1x128xf32>
    tpu.vector_store %arg3[%swap3A_101, %swap3A_102], %slice3A_100 {strides = array<i32>} : memref<64x128xf32, #tpu.memory_space<vmem>>, vector<1x128xf32>,
    %slice3A_104 = vector.extract_strided_slice %dot_general3A_17 {offsets = [6, 128], sizes = [1, 128], strides = [1, 1]} : vector<16x512xf32> to vector<1x128xf32>
    %swap3A_105 = arith.constant 26 : index
    %swap3A_106 = arith.constant 0 : index
    %swap3A_107 = vector.load %arg3[%swap3A_105, %swap3A_106] : memref<64x128xf32, #tpu.memory_space<vmem>>, vector<1x128xf32>
    tpu.vector_store %arg3[%swap3A_105, %swap3A_106], %slice3A_104 {strides = array<i32>} : memref<64x128xf32, #tpu.memory_space<vmem>>, vector<1x128xf32>,
    %slice3A_108 = vector.extract_strided_slice %dot_general3A_17 {offsets = [7, 128], sizes = [1, 128], strides = [1, 1]} : vector<16x512xf32> to vector<1x128xf32>
    %swap3A_109 = arith.constant 27 : index
    %swap3A_110 = arith.constant 0 : index
    %swap3A_111 = vector.load %arg3[%swap3A_109, %swap3A_110] : memref<64x128xf32, #tpu.memory_space<vmem>>, vector<1x128xf32>
    tpu.vector_store %arg3[%swap3A_109, %swap3A_110], %slice3A_108 {strides = array<i32>} : memref<64x128xf32, #tpu.memory_space<vmem>>, vector<1x128xf32>,
    %slice3A_112 = vector.extract_strided_slice %dot_general3A_17 {offsets = [8, 128], sizes = [1, 128], strides = [1, 1]} : vector<16x512xf32> to vector<1x128xf32>
    %swap3A_113 = arith.constant 34 : index
    %swap3A_114 = arith.constant 0 : index
    %swap3A_115 = vector.load %arg3[%swap3A_113, %swap3A_114] : memref<64x128xf32, #tpu.memory_space<vmem>>, vector<1x128xf32>
    tpu.vector_store %arg3[%swap3A_113, %swap3A_114], %slice3A_112 {strides = array<i32>} : memref<64x128xf32, #tpu.memory_space<vmem>>, vector<1x128xf32>,
    %slice3A_116 = vector.extract_strided_slice %dot_general3A_17 {offsets = [9, 128], sizes = [1, 128], strides = [1, 1]} : vector<16x512xf32> to vector<1x128xf32>
    %swap3A_117 = arith.constant 35 : index
    %swap3A_118 = arith.constant 0 : index
    %swap3A_119 = vector.load %arg3[%swap3A_117, %swap3A_118] : memref<64x128xf32, #tpu.memory_space<vmem>>, vector<1x128xf32>
    tpu.vector_store %arg3[%swap3A_117, %swap3A_118], %slice3A_116 {strides = array<i32>} : memref<64x128xf32, #tpu.memory_space<vmem>>, vector<1x128xf32>,
    %slice3A_120 = vector.extract_strided_slice %dot_general3A_17 {offsets = [10, 128], sizes = [1, 128], strides = [1, 1]} : vector<16x512xf32> to vector<1x128xf32>
    %swap3A_121 = arith.constant 42 : index
    %swap3A_122 = arith.constant 0 : index
    %swap3A_123 = vector.load %arg3[%swap3A_121, %swap3A_122] : memref<64x128xf32, #tpu.memory_space<vmem>>, vector<1x128xf32>
    tpu.vector_store %arg3[%swap3A_121, %swap3A_122], %slice3A_120 {strides = array<i32>} : memref<64x128xf32, #tpu.memory_space<vmem>>, vector<1x128xf32>,
    %slice3A_124 = vector.extract_strided_slice %dot_general3A_17 {offsets = [11, 128], sizes = [1, 128], strides = [1, 1]} : vector<16x512xf32> to vector<1x128xf32>
    %swap3A_125 = arith.constant 43 : index
    %swap3A_126 = arith.constant 0 : index
    %swap3A_127 = vector.load %arg3[%swap3A_125, %swap3A_126] : memref<64x128xf32, #tpu.memory_space<vmem>>, vector<1x128xf32>
    tpu.vector_store %arg3[%swap3A_125, %swap3A_126], %slice3A_124 {strides = array<i32>} : memref<64x128xf32, #tpu.memory_space<vmem>>, vector<1x128xf32>,
    %slice3A_128 = vector.extract_strided_slice %dot_general3A_17 {offsets = [12, 128], sizes = [1, 128], strides = [1, 1]} : vector<16x512xf32> to vector<1x128xf32>
    %swap3A_129 = arith.constant 50 : index
    %swap3A_130 = arith.constant 0 : index
    %swap3A_131 = vector.load %arg3[%swap3A_129, %swap3A_130] : memref<64x128xf32, #tpu.memory_space<vmem>>, vector<1x128xf32>
    tpu.vector_store %arg3[%swap3A_129, %swap3A_130], %slice3A_128 {strides = array<i32>} : memref<64x128xf32, #tpu.memory_space<vmem>>, vector<1x128xf32>,
    %slice3A_132 = vector.extract_strided_slice %dot_general3A_17 {offsets = [13, 128], sizes = [1, 128], strides = [1, 1]} : vector<16x512xf32> to vector<1x128xf32>
    %swap3A_133 = arith.constant 51 : index
    %swap3A_134 = arith.constant 0 : index
    %swap3A_135 = vector.load %arg3[%swap3A_133, %swap3A_134] : memref<64x128xf32, #tpu.memory_space<vmem>>, vector<1x128xf32>
    tpu.vector_store %arg3[%swap3A_133, %swap3A_134], %slice3A_132 {strides = array<i32>} : memref<64x128xf32, #tpu.memory_space<vmem>>, vector<1x128xf32>,
    %slice3A_136 = vector.extract_strided_slice %dot_general3A_17 {offsets = [14, 128], sizes = [1, 128], strides = [1, 1]} : vector<16x512xf32> to vector<1x128xf32>
    %swap3A_137 = arith.constant 58 : index
    %swap3A_138 = arith.constant 0 : index
    %swap3A_139 = vector.load %arg3[%swap3A_137, %swap3A_138] : memref<64x128xf32, #tpu.memory_space<vmem>>, vector<1x128xf32>
    tpu.vector_store %arg3[%swap3A_137, %swap3A_138], %slice3A_136 {strides = array<i32>} : memref<64x128xf32, #tpu.memory_space<vmem>>, vector<1x128xf32>,
    %slice3A_140 = vector.extract_strided_slice %dot_general3A_17 {offsets = [15, 128], sizes = [1, 128], strides = [1, 1]} : vector<16x512xf32> to vector<1x128xf32>
    %swap3A_141 = arith.constant 59 : index
    %swap3A_142 = arith.constant 0 : index
    %swap3A_143 = vector.load %arg3[%swap3A_141, %swap3A_142] : memref<64x128xf32, #tpu.memory_space<vmem>>, vector<1x128xf32>
    tpu.vector_store %arg3[%swap3A_141, %swap3A_142], %slice3A_140 {strides = array<i32>} : memref<64x128xf32, #tpu.memory_space<vmem>>, vector<1x128xf32>,
    %slice3A_144 = vector.extract_strided_slice %dot_general3A_17 {offsets = [0, 256], sizes = [1, 128], strides = [1, 1]} : vector<16x512xf32> to vector<1x128xf32>
    %swap3A_145 = arith.constant 4 : index
    %swap3A_146 = arith.constant 0 : index
    %swap3A_147 = vector.load %arg3[%swap3A_145, %swap3A_146] : memref<64x128xf32, #tpu.memory_space<vmem>>, vector<1x128xf32>
    tpu.vector_store %arg3[%swap3A_145, %swap3A_146], %slice3A_144 {strides = array<i32>} : memref<64x128xf32, #tpu.memory_space<vmem>>, vector<1x128xf32>,
    %slice3A_148 = vector.extract_strided_slice %dot_general3A_17 {offsets = [1, 256], sizes = [1, 128], strides = [1, 1]} : vector<16x512xf32> to vector<1x128xf32>
    %swap3A_149 = arith.constant 5 : index
    %swap3A_150 = arith.constant 0 : index
    %swap3A_151 = vector.load %arg3[%swap3A_149, %swap3A_150] : memref<64x128xf32, #tpu.memory_space<vmem>>, vector<1x128xf32>
    tpu.vector_store %arg3[%swap3A_149, %swap3A_150], %slice3A_148 {strides = array<i32>} : memref<64x128xf32, #tpu.memory_space<vmem>>, vector<1x128xf32>,
    %slice3A_152 = vector.extract_strided_slice %dot_general3A_17 {offsets = [2, 256], sizes = [1, 128], strides = [1, 1]} : vector<16x512xf32> to vector<1x128xf32>
    %swap3A_153 = arith.constant 12 : index
    %swap3A_154 = arith.constant 0 : index
    %swap3A_155 = vector.load %arg3[%swap3A_153, %swap3A_154] : memref<64x128xf32, #tpu.memory_space<vmem>>, vector<1x128xf32>
    tpu.vector_store %arg3[%swap3A_153, %swap3A_154], %slice3A_152 {strides = array<i32>} : memref<64x128xf32, #tpu.memory_space<vmem>>, vector<1x128xf32>,
    %slice3A_156 = vector.extract_strided_slice %dot_general3A_17 {offsets = [3, 256], sizes = [1, 128], strides = [1, 1]} : vector<16x512xf32> to vector<1x128xf32>
    %swap3A_157 = arith.constant 13 : index
    %swap3A_158 = arith.constant 0 : index
    %swap3A_159 = vector.load %arg3[%swap3A_157, %swap3A_158] : memref<64x128xf32, #tpu.memory_space<vmem>>, vector<1x128xf32>
    tpu.vector_store %arg3[%swap3A_157, %swap3A_158], %slice3A_156 {strides = array<i32>} : memref<64x128xf32, #tpu.memory_space<vmem>>, vector<1x128xf32>,
    %slice3A_160 = vector.extract_strided_slice %dot_general3A_17 {offsets = [4, 256], sizes = [1, 128], strides = [1, 1]} : vector<16x512xf32> to vector<1x128xf32>
    %swap3A_161 = arith.constant 20 : index
    %swap3A_162 = arith.constant 0 : index
    %swap3A_163 = vector.load %arg3[%swap3A_161, %swap3A_162] : memref<64x128xf32, #tpu.memory_space<vmem>>, vector<1x128xf32>
    tpu.vector_store %arg3[%swap3A_161, %swap3A_162], %slice3A_160 {strides = array<i32>} : memref<64x128xf32, #tpu.memory_space<vmem>>, vector<1x128xf32>,
    %slice3A_164 = vector.extract_strided_slice %dot_general3A_17 {offsets = [5, 256], sizes = [1, 128], strides = [1, 1]} : vector<16x512xf32> to vector<1x128xf32>
    %swap3A_165 = arith.constant 21 : index
    %swap3A_166 = arith.constant 0 : index
    %swap3A_167 = vector.load %arg3[%swap3A_165, %swap3A_166] : memref<64x128xf32, #tpu.memory_space<vmem>>, vector<1x128xf32>
    tpu.vector_store %arg3[%swap3A_165, %swap3A_166], %slice3A_164 {strides = array<i32>} : memref<64x128xf32, #tpu.memory_space<vmem>>, vector<1x128xf32>,
    %slice3A_168 = vector.extract_strided_slice %dot_general3A_17 {offsets = [6, 256], sizes = [1, 128], strides = [1, 1]} : vector<16x512xf32> to vector<1x128xf32>
    %swap3A_169 = arith.constant 28 : index
    %swap3A_170 = arith.constant 0 : index
    %swap3A_171 = vector.load %arg3[%swap3A_169, %swap3A_170] : memref<64x128xf32, #tpu.memory_space<vmem>>, vector<1x128xf32>
    tpu.vector_store %arg3[%swap3A_169, %swap3A_170], %slice3A_168 {strides = array<i32>} : memref<64x128xf32, #tpu.memory_space<vmem>>, vector<1x128xf32>,
    %slice3A_172 = vector.extract_strided_slice %dot_general3A_17 {offsets = [7, 256], sizes = [1, 128], strides = [1, 1]} : vector<16x512xf32> to vector<1x128xf32>
    %swap3A_173 = arith.constant 29 : index
    %swap3A_174 = arith.constant 0 : index
    %swap3A_175 = vector.load %arg3[%swap3A_173, %swap3A_174] : memref<64x128xf32, #tpu.memory_space<vmem>>, vector<1x128xf32>
    tpu.vector_store %arg3[%swap3A_173, %swap3A_174], %slice3A_172 {strides = array<i32>} : memref<64x128xf32, #tpu.memory_space<vmem>>, vector<1x128xf32>,
    %slice3A_176 = vector.extract_strided_slice %dot_general3A_17 {offsets = [8, 256], sizes = [1, 128], strides = [1, 1]} : vector<16x512xf32> to vector<1x128xf32>
    %swap3A_177 = arith.constant 36 : index
    %swap3A_178 = arith.constant 0 : index
    %swap3A_179 = vector.load %arg3[%swap3A_177, %swap3A_178] : memref<64x128xf32, #tpu.memory_space<vmem>>, vector<1x128xf32>
    tpu.vector_store %arg3[%swap3A_177, %swap3A_178], %slice3A_176 {strides = array<i32>} : memref<64x128xf32, #tpu.memory_space<vmem>>, vector<1x128xf32>,
    %slice3A_180 = vector.extract_strided_slice %dot_general3A_17 {offsets = [9, 256], sizes = [1, 128], strides = [1, 1]} : vector<16x512xf32> to vector<1x128xf32>
    %swap3A_181 = arith.constant 37 : index
    %swap3A_182 = arith.constant 0 : index
    %swap3A_183 = vector.load %arg3[%swap3A_181, %swap3A_182] : memref<64x128xf32, #tpu.memory_space<vmem>>, vector<1x128xf32>
    tpu.vector_store %arg3[%swap3A_181, %swap3A_182], %slice3A_180 {strides = array<i32>} : memref<64x128xf32, #tpu.memory_space<vmem>>, vector<1x128xf32>,
    %slice3A_184 = vector.extract_strided_slice %dot_general3A_17 {offsets = [10, 256], sizes = [1, 128], strides = [1, 1]} : vector<16x512xf32> to vector<1x128xf32>
    %swap3A_185 = arith.constant 44 : index
    %swap3A_186 = arith.constant 0 : index
    %swap3A_187 = vector.load %arg3[%swap3A_185, %swap3A_186] : memref<64x128xf32, #tpu.memory_space<vmem>>, vector<1x128xf32>
    tpu.vector_store %arg3[%swap3A_185, %swap3A_186], %slice3A_184 {strides = array<i32>} : memref<64x128xf32, #tpu.memory_space<vmem>>, vector<1x128xf32>,
    %slice3A_188 = vector.extract_strided_slice %dot_general3A_17 {offsets = [11, 256], sizes = [1, 128], strides = [1, 1]} : vector<16x512xf32> to vector<1x128xf32>
    %swap3A_189 = arith.constant 45 : index
    %swap3A_190 = arith.constant 0 : index
    %swap3A_191 = vector.load %arg3[%swap3A_189, %swap3A_190] : memref<64x128xf32, #tpu.memory_space<vmem>>, vector<1x128xf32>
    tpu.vector_store %arg3[%swap3A_189, %swap3A_190], %slice3A_188 {strides = array<i32>} : memref<64x128xf32, #tpu.memory_space<vmem>>, vector<1x128xf32>,
    %slice3A_192 = vector.extract_strided_slice %dot_general3A_17 {offsets = [12, 256], sizes = [1, 128], strides = [1, 1]} : vector<16x512xf32> to vector<1x128xf32>
    %swap3A_193 = arith.constant 52 : index
    %swap3A_194 = arith.constant 0 : index
    %swap3A_195 = vector.load %arg3[%swap3A_193, %swap3A_194] : memref<64x128xf32, #tpu.memory_space<vmem>>, vector<1x128xf32>
    tpu.vector_store %arg3[%swap3A_193, %swap3A_194], %slice3A_192 {strides = array<i32>} : memref<64x128xf32, #tpu.memory_space<vmem>>, vector<1x128xf32>,
    %slice3A_196 = vector.extract_strided_slice %dot_general3A_17 {offsets = [13, 256], sizes = [1, 128], strides = [1, 1]} : vector<16x512xf32> to vector<1x128xf32>
    %swap3A_197 = arith.constant 53 : index
    %swap3A_198 = arith.constant 0 : index
    %swap3A_199 = vector.load %arg3[%swap3A_197, %swap3A_198] : memref<64x128xf32, #tpu.memory_space<vmem>>, vector<1x128xf32>
    tpu.vector_store %arg3[%swap3A_197, %swap3A_198], %slice3A_196 {strides = array<i32>} : memref<64x128xf32, #tpu.memory_space<vmem>>, vector<1x128xf32>,
    %slice3A_200 = vector.extract_strided_slice %dot_general3A_17 {offsets = [14, 256], sizes = [1, 128], strides = [1, 1]} : vector<16x512xf32> to vector<1x128xf32>
    %swap3A_201 = arith.constant 60 : index
    %swap3A_202 = arith.constant 0 : index
    %swap3A_203 = vector.load %arg3[%swap3A_201, %swap3A_202] : memref<64x128xf32, #tpu.memory_space<vmem>>, vector<1x128xf32>
    tpu.vector_store %arg3[%swap3A_201, %swap3A_202], %slice3A_200 {strides = array<i32>} : memref<64x128xf32, #tpu.memory_space<vmem>>, vector<1x128xf32>,
    %slice3A_204 = vector.extract_strided_slice %dot_general3A_17 {offsets = [15, 256], sizes = [1, 128], strides = [1, 1]} : vector<16x512xf32> to vector<1x128xf32>
    %swap3A_205 = arith.constant 61 : index
    %swap3A_206 = arith.constant 0 : index
    %swap3A_207 = vector.load %arg3[%swap3A_205, %swap3A_206] : memref<64x128xf32, #tpu.memory_space<vmem>>, vector<1x128xf32>
    tpu.vector_store %arg3[%swap3A_205, %swap3A_206], %slice3A_204 {strides = array<i32>} : memref<64x128xf32, #tpu.memory_space<vmem>>, vector<1x128xf32>,
    %slice3A_208 = vector.extract_strided_slice %dot_general3A_17 {offsets = [0, 384], sizes = [1, 128], strides = [1, 1]} : vector<16x512xf32> to vector<1x128xf32>
    %swap3A_209 = arith.constant 6 : index
    %swap3A_210 = arith.constant 0 : index
    %swap3A_211 = vector.load %arg3[%swap3A_209, %swap3A_210] : memref<64x128xf32, #tpu.memory_space<vmem>>, vector<1x128xf32>
    tpu.vector_store %arg3[%swap3A_209, %swap3A_210], %slice3A_208 {strides = array<i32>} : memref<64x128xf32, #tpu.memory_space<vmem>>, vector<1x128xf32>,
    %slice3A_212 = vector.extract_strided_slice %dot_general3A_17 {offsets = [1, 384], sizes = [1, 128], strides = [1, 1]} : vector<16x512xf32> to vector<1x128xf32>
    %swap3A_213 = arith.constant 7 : index
    %swap3A_214 = arith.constant 0 : index
    %swap3A_215 = vector.load %arg3[%swap3A_213, %swap3A_214] : memref<64x128xf32, #tpu.memory_space<vmem>>, vector<1x128xf32>
    tpu.vector_store %arg3[%swap3A_213, %swap3A_214], %slice3A_212 {strides = array<i32>} : memref<64x128xf32, #tpu.memory_space<vmem>>, vector<1x128xf32>,
    %slice3A_216 = vector.extract_strided_slice %dot_general3A_17 {offsets = [2, 384], sizes = [1, 128], strides = [1, 1]} : vector<16x512xf32> to vector<1x128xf32>
    %swap3A_217 = arith.constant 14 : index
    %swap3A_218 = arith.constant 0 : index
    %swap3A_219 = vector.load %arg3[%swap3A_217, %swap3A_218] : memref<64x128xf32, #tpu.memory_space<vmem>>, vector<1x128xf32>
    tpu.vector_store %arg3[%swap3A_217, %swap3A_218], %slice3A_216 {strides = array<i32>} : memref<64x128xf32, #tpu.memory_space<vmem>>, vector<1x128xf32>,
    %slice3A_220 = vector.extract_strided_slice %dot_general3A_17 {offsets = [3, 384], sizes = [1, 128], strides = [1, 1]} : vector<16x512xf32> to vector<1x128xf32>
    %swap3A_221 = arith.constant 15 : index
    %swap3A_222 = arith.constant 0 : index
    %swap3A_223 = vector.load %arg3[%swap3A_221, %swap3A_222] : memref<64x128xf32, #tpu.memory_space<vmem>>, vector<1x128xf32>
    tpu.vector_store %arg3[%swap3A_221, %swap3A_222], %slice3A_220 {strides = array<i32>} : memref<64x128xf32, #tpu.memory_space<vmem>>, vector<1x128xf32>,
    %slice3A_224 = vector.extract_strided_slice %dot_general3A_17 {offsets = [4, 384], sizes = [1, 128], strides = [1, 1]} : vector<16x512xf32> to vector<1x128xf32>
    %swap3A_225 = arith.constant 22 : index
    %swap3A_226 = arith.constant 0 : index
    %swap3A_227 = vector.load %arg3[%swap3A_225, %swap3A_226] : memref<64x128xf32, #tpu.memory_space<vmem>>, vector<1x128xf32>
    tpu.vector_store %arg3[%swap3A_225, %swap3A_226], %slice3A_224 {strides = array<i32>} : memref<64x128xf32, #tpu.memory_space<vmem>>, vector<1x128xf32>,
    %slice3A_228 = vector.extract_strided_slice %dot_general3A_17 {offsets = [5, 384], sizes = [1, 128], strides = [1, 1]} : vector<16x512xf32> to vector<1x128xf32>
    %swap3A_229 = arith.constant 23 : index
    %swap3A_230 = arith.constant 0 : index
    %swap3A_231 = vector.load %arg3[%swap3A_229, %swap3A_230] : memref<64x128xf32, #tpu.memory_space<vmem>>, vector<1x128xf32>
    tpu.vector_store %arg3[%swap3A_229, %swap3A_230], %slice3A_228 {strides = array<i32>} : memref<64x128xf32, #tpu.memory_space<vmem>>, vector<1x128xf32>,
    %slice3A_232 = vector.extract_strided_slice %dot_general3A_17 {offsets = [6, 384], sizes = [1, 128], strides = [1, 1]} : vector<16x512xf32> to vector<1x128xf32>
    %swap3A_233 = arith.constant 30 : index
    %swap3A_234 = arith.constant 0 : index
    %swap3A_235 = vector.load %arg3[%swap3A_233, %swap3A_234] : memref<64x128xf32, #tpu.memory_space<vmem>>, vector<1x128xf32>
    tpu.vector_store %arg3[%swap3A_233, %swap3A_234], %slice3A_232 {strides = array<i32>} : memref<64x128xf32, #tpu.memory_space<vmem>>, vector<1x128xf32>,
    %slice3A_236 = vector.extract_strided_slice %dot_general3A_17 {offsets = [7, 384], sizes = [1, 128], strides = [1, 1]} : vector<16x512xf32> to vector<1x128xf32>
    %swap3A_237 = arith.constant 31 : index
    %swap3A_238 = arith.constant 0 : index
    %swap3A_239 = vector.load %arg3[%swap3A_237, %swap3A_238] : memref<64x128xf32, #tpu.memory_space<vmem>>, vector<1x128xf32>
    tpu.vector_store %arg3[%swap3A_237, %swap3A_238], %slice3A_236 {strides = array<i32>} : memref<64x128xf32, #tpu.memory_space<vmem>>, vector<1x128xf32>,
    %slice3A_240 = vector.extract_strided_slice %dot_general3A_17 {offsets = [8, 384], sizes = [1, 128], strides = [1, 1]} : vector<16x512xf32> to vector<1x128xf32>
    %swap3A_241 = arith.constant 38 : index
    %swap3A_242 = arith.constant 0 : index
    %swap3A_243 = vector.load %arg3[%swap3A_241, %swap3A_242] : memref<64x128xf32, #tpu.memory_space<vmem>>, vector<1x128xf32>
    tpu.vector_store %arg3[%swap3A_241, %swap3A_242], %slice3A_240 {strides = array<i32>} : memref<64x128xf32, #tpu.memory_space<vmem>>, vector<1x128xf32>,
    %slice3A_244 = vector.extract_strided_slice %dot_general3A_17 {offsets = [9, 384], sizes = [1, 128], strides = [1, 1]} : vector<16x512xf32> to vector<1x128xf32>
    %swap3A_245 = arith.constant 39 : index
    %swap3A_246 = arith.constant 0 : index
    %swap3A_247 = vector.load %arg3[%swap3A_245, %swap3A_246] : memref<64x128xf32, #tpu.memory_space<vmem>>, vector<1x128xf32>
    tpu.vector_store %arg3[%swap3A_245, %swap3A_246], %slice3A_244 {strides = array<i32>} : memref<64x128xf32, #tpu.memory_space<vmem>>, vector<1x128xf32>,
    %slice3A_248 = vector.extract_strided_slice %dot_general3A_17 {offsets = [10, 384], sizes = [1, 128], strides = [1, 1]} : vector<16x512xf32> to vector<1x128xf32>
    %swap3A_249 = arith.constant 46 : index
    %swap3A_250 = arith.constant 0 : index
    %swap3A_251 = vector.load %arg3[%swap3A_249, %swap3A_250] : memref<64x128xf32, #tpu.memory_space<vmem>>, vector<1x128xf32>
    tpu.vector_store %arg3[%swap3A_249, %swap3A_250], %slice3A_248 {strides = array<i32>} : memref<64x128xf32, #tpu.memory_space<vmem>>, vector<1x128xf32>,
    %slice3A_252 = vector.extract_strided_slice %dot_general3A_17 {offsets = [11, 384], sizes = [1, 128], strides = [1, 1]} : vector<16x512xf32> to vector<1x128xf32>
    %swap3A_253 = arith.constant 47 : index
    %swap3A_254 = arith.constant 0 : index
    %swap3A_255 = vector.load %arg3[%swap3A_253, %swap3A_254] : memref<64x128xf32, #tpu.memory_space<vmem>>, vector<1x128xf32>
    tpu.vector_store %arg3[%swap3A_253, %swap3A_254], %slice3A_252 {strides = array<i32>} : memref<64x128xf32, #tpu.memory_space<vmem>>, vector<1x128xf32>,
    %slice3A_256 = vector.extract_strided_slice %dot_general3A_17 {offsets = [12, 384], sizes = [1, 128], strides = [1, 1]} : vector<16x512xf32> to vector<1x128xf32>
    %swap3A_257 = arith.constant 54 : index
    %swap3A_258 = arith.constant 0 : index
    %swap3A_259 = vector.load %arg3[%swap3A_257, %swap3A_258] : memref<64x128xf32, #tpu.memory_space<vmem>>, vector<1x128xf32>
    tpu.vector_store %arg3[%swap3A_257, %swap3A_258], %slice3A_256 {strides = array<i32>} : memref<64x128xf32, #tpu.memory_space<vmem>>, vector<1x128xf32>,
    %slice3A_260 = vector.extract_strided_slice %dot_general3A_17 {offsets = [13, 384], sizes = [1, 128], strides = [1, 1]} : vector<16x512xf32> to vector<1x128xf32>
    %swap3A_261 = arith.constant 55 : index
    %swap3A_262 = arith.constant 0 : index
    %swap3A_263 = vector.load %arg3[%swap3A_261, %swap3A_262] : memref<64x128xf32, #tpu.memory_space<vmem>>, vector<1x128xf32>
    tpu.vector_store %arg3[%swap3A_261, %swap3A_262], %slice3A_260 {strides = array<i32>} : memref<64x128xf32, #tpu.memory_space<vmem>>, vector<1x128xf32>,
    %slice3A_264 = vector.extract_strided_slice %dot_general3A_17 {offsets = [14, 384], sizes = [1, 128], strides = [1, 1]} : vector<16x512xf32> to vector<1x128xf32>
    %swap3A_265 = arith.constant 62 : index
    %swap3A_266 = arith.constant 0 : index
    %swap3A_267 = vector.load %arg3[%swap3A_265, %swap3A_266] : memref<64x128xf32, #tpu.memory_space<vmem>>, vector<1x128xf32>
    tpu.vector_store %arg3[%swap3A_265, %swap3A_266], %slice3A_264 {strides = array<i32>} : memref<64x128xf32, #tpu.memory_space<vmem>>, vector<1x128xf32>,
    %slice3A_268 = vector.extract_strided_slice %dot_general3A_17 {offsets = [15, 384], sizes = [1, 128], strides = [1, 1]} : vector<16x512xf32> to vector<1x128xf32>
    %swap3A_269 = arith.constant 63 : index
    %swap3A_270 = arith.constant 0 : index
    %swap3A_271 = vector.load %arg3[%swap3A_269, %swap3A_270] : memref<64x128xf32, #tpu.memory_space<vmem>>, vector<1x128xf32>
    tpu.vector_store %arg3[%swap3A_269, %swap3A_270], %slice3A_268 {strides = array<i32>} : memref<64x128xf32, #tpu.memory_space<vmem>>, vector<1x128xf32>,
    return
  }
  func.func @transform_0(%arg0: i32) -> (i32, i32) {
    %c0_i32 = arith.constant 0 : i32
    %c0_i32_0 = arith.constant 0 : i32
    %c0_i32_1 = arith.constant 0 : i32
    return %c0_i32, %c0_i32_0 : i32, i32
  }
  func.func @transform_1(%arg0: i32) -> (i32, i32) {
    %add3A = arith.constant 96 : i32
    %add3A_0 = arith.addi %add3A, %arg0 : i32
    %c0_i32 = arith.constant 0 : i32
    %c0_i32_1 = arith.constant 0 : i32
    return %add3A_0, %c0_i32 : i32, i32
  }
  func.func @transform_2(%arg0: i32) -> (i32, i32) {
    %c0_i32 = arith.constant 0 : i32
    %c0_i32_0 = arith.constant 0 : i32
    return %arg0, %c0_i32 : i32, i32
  }
}

</mosaic_0001>

<sc_bundles>
// kernel: kernel.4.cloned.1.call-start
scs
__scs_entry_jumppad:
0x0: {  	(pc) =	sbr.rel $0x88, $3  }
0x1: {  	(tag) =	ssettag $0x0;
	lr =	simm.s32 $0x1  }
0x2: {  	[smem:$0x3F9F] =	sst lr;
	_ =	strace $0xD0000000  }
0x3: {  	_ = 	snop  }
0x4: {  	_ = 	snop  }
0x5: {  	_ = 	snop  }
0x6: {  	_ = 	snop  }
0x7: {  	_ = 	snop  }
__scs_overlays_trampoline_lowered:
0x8: {  	[smem:$0x3FAE] =	sst s0  }
0x9: {  	[smem:$0x3FAF] =	sst s1  }
0xa: {  	[smem:$0x3FB0] =	sst s2  }
0xb: {  	[smem:$0x3FB1] =	sst s3  }
0xc: {  	[smem:$0x3FB2] =	sst s4  }
0xd: {  	[smem:$0x3FB3] =	sst s5  }
0xe: {  	[smem:$0x3FB4] =	sst s6  }
0xf: {  	[smem:$0x3FB5] =	sst s7  }
0x10: {  	[smem:$0x3FB6] =	sst s8  }
0x11: {  	[smem:$0x3FB7] =	sst s9;
	s0 =	simm.s32 @!p0 $0x0  }
0x12: {  	s1 =	sld [smem:$0x3F9D];
	s0 =	simm.s32 @p0 $0x1  }
0x13: {  	[smem:$0x3FB8] =	sst s0;
	s0 =	simm.s32 @!p1 $0x0  }
0x14: {  	s2 =	sld [smem:$0x3F9C];
	s0 =	simm.s32 @p1 $0x1  }
0x15: {  	[smem:$0x3FB9] =	sst s0;
	s0 =	simm.s32 @!p2 $0x0  }
0x16: {  	s3 =	sld [smem:$0x3FDB];
	s0 =	simm.s32 @p2 $0x1  }
0x17: {  	s4 =	simm.s32 $0x1BF5;
	[smem:$0x3FBB] =	sst s0  }
0x18: {  	s0 =	sld [smem:$0x3F9E];
	_ =	swait.ge [sflag:s4], $0x0  }
0x19: {  	s7 =	sld [smem:$0x3F9F]  }
0x1a: {  	s8 =	sadd.s32 $0xFFFFE003, lr  }
0x1b: {  	s9 =	sadd.s32 $0xFFFFFEF7, lr;
	s5 =	simm.s32 $0xFFFFFFFF;
	p2 =	slt.u32 s8, $0xFFFFF086  }
0x1c: {  	p1 =	slt.u32 s9, $0xF7A;
	s5 =	simm.s32 @!p2 $0x0  }
0x1d: {  	s5 =	simm.s32 @p1 $0x1;
	p0 =	seq.s32 s7, s2  }
0x1e: {  	s7 =	smul.u32 @!p0 $0xF7A, s2;
	p2 =	seq.s32 @!p0 s5, $0x0  }
0x1f: {  	s9 =	smul.u32 $0xF7A, s1;
	s8 =	simm.s32 @!p0 $0x1BF5;
	p2 =	por !p2, p0  }
0x20: {  	[sflag:s8] =	ssyncset.s32 @!p0 $0xFFFFF086;
	s6 =	sadd.s32 @!p0 s3, s7;
	s7 =	simm.s32 @!p0 $0x108  }
0x21: {  	s3 =	sadd.s32 s3, s9;
	s6 =	sadd.s32 @!p0 $0x88, s6;
	s7 =	simm.s32 @p2 $0x1082  }
0x22: {  	[simem:s7], [sflag:s8] =	dma.local @!p0 [hbm:s6], $0xF7A  }
0x23: {  	s9 =	sor.u32 $0xD0000000, s2;
	s6 =	simm.s32 $0x108;
	_ =	swait.ge @!p0 [sflag:s8], $0x0  }
0x24: {  	s3 =	sadd.s32 $0x88, s3;
	s6 =	simm.s32 @!p1 $0x1082;
	[sflag:s4] =	ssyncset.s32 $0xFFFFF086  }
0x25: {  	[simem:s6], [sflag:s4] =	dma.local [hbm:s3], $0xF7A  }
0x26: {  	[smem:$0x3F9F] =	sst s1;
	(tag) =	ssettag s2;
	_ =	strace s9  }
0x27: {  	s1 =	sld [smem:$0x3FAF]  }
0x28: {  	s2 =	sld [smem:$0x3FB0]  }
0x29: {  	s4 =	sld [smem:$0x3FB2]  }
0x2a: {  	p0 =	seq.s32 s5, $0x0;
	s5 =	sld [smem:$0x3FB3]  }
0x2b: {  	s6 =	sld [smem:$0x3FB4]  }
0x2c: {  	s7 =	sld [smem:$0x3FB5]  }
0x2d: {  	s3 =	simm.s32 $0x108;
	s8 =	sld [smem:$0x3FB6]  }
0x2e: {  	s3 =	simm.s32 @!p0 $0x1082;
	s9 =	sld [smem:$0x3FB7]  }
0x2f: {  	lr =	sadd.s32 s0, s3;
	s0 =	sld [smem:$0x3FAE]  }
0x30: {  	s3 =	sld [smem:$0x3FB1]  }
0x31: {  	[smem:$0x3FBA] =	sst s10  }
0x32: {  	s10 =	sld [smem:$0x3FB8];
	_ =	sdelay $0x3  }
0x33: {  	p0 =	seq.s32 s10, $0x1;
	s10 =	sld [smem:$0x3FBA];
	_ =	sdelay $0x3  }
0x34: {  	[smem:$0x3FBA] =	sst s10  }
0x35: {  	s10 =	sld [smem:$0x3FB9];
	_ =	sdelay $0x3  }
0x36: {  	p1 =	seq.s32 s10, $0x1;
	s10 =	sld [smem:$0x3FBA];
	_ =	sdelay $0x3  }
0x37: {  	[smem:$0x3FBA] =	sst s10  }
0x38: {  	s10 =	sld [smem:$0x3FBB]  }
0x39: {  	_ = 	snop;
	(pc) =	sbr.ind lr, $3  }
0x3a: {  	_ = 	snop  }
0x3b: {  	_ = 	snop  }
0x3c: {  	p2 =	seq.s32 s10, $0x1;
	s10 =	sld [smem:$0x3FBA]  }
0x3d: {  	_ =	shalt  }
0x3e: {  	_ =	shalt  }
0x3f: {  	_ =	shalt  }
0x40: {  	_ =	shalt  }
0x41: {  	_ =	shalt  }
0x42: {  	_ =	shalt  }
0x43: {  	_ =	shalt  }
0x44: {  	_ =	shalt  }
0x45: {  	_ =	shalt  }
0x46: {  	_ =	shalt  }
0x47: {  	_ =	shalt  }
0x48: {  	_ =	shalt  }
0x49: {  	_ =	shalt  }
0x4a: {  	_ =	shalt  }
0x4b: {  	_ =	shalt  }
0x4c: {  	_ =	shalt  }
0x4d: {  	_ =	shalt  }
0x4e: {  	_ =	shalt  }
0x4f: {  	_ =	shalt  }
0x50: {  	_ =	shalt  }
0x51: {  	_ =	shalt  }
0x52: {  	_ =	shalt  }
0x53: {  	_ =	shalt  }
0x54: {  	_ =	shalt  }
0x55: {  	_ =	shalt  }
0x56: {  	_ =	shalt  }
0x57: {  	_ =	shalt  }
0x58: {  	_ =	shalt  }
0x59: {  	_ =	shalt  }
0x5a: {  	_ =	shalt  }
0x5b: {  	_ =	shalt  }
0x5c: {  	_ =	shalt  }
0x5d: {  	_ =	shalt  }
0x5e: {  	_ =	shalt  }
0x5f: {  	_ =	shalt  }
0x60: {  	_ =	shalt  }
0x61: {  	_ =	shalt  }
0x62: {  	_ =	shalt  }
0x63: {  	_ =	shalt  }
0x64: {  	_ =	shalt  }
0x65: {  	_ =	shalt  }
0x66: {  	_ =	shalt  }
0x67: {  	_ =	shalt  }
0x68: {  	_ =	shalt  }
0x69: {  	_ =	shalt  }
0x6a: {  	_ =	shalt  }
0x6b: {  	_ =	shalt  }
0x6c: {  	_ =	shalt  }
0x6d: {  	_ =	shalt  }
0x6e: {  	_ =	shalt  }
0x6f: {  	_ =	shalt  }
0x70: {  	_ =	shalt  }
0x71: {  	_ =	shalt  }
0x72: {  	_ =	shalt  }
0x73: {  	_ =	shalt  }
0x74: {  	_ =	shalt  }
0x75: {  	_ =	shalt  }
0x76: {  	_ =	shalt  }
0x77: {  	_ =	shalt  }
0x78: {  	_ =	shalt  }
0x79: {  	_ =	shalt  }
0x7a: {  	_ =	shalt  }
0x7b: {  	_ =	shalt  }
0x7c: {  	_ =	shalt  }
0x7d: {  	_ =	shalt  }
0x7e: {  	_ =	shalt  }
0x7f: {  	_ =	shalt  }
0x80: {  	_ =	shalt  }
0x81: {  	_ =	shalt  }
0x82: {  	_ =	shalt  }
0x83: {  	_ =	shalt  }
0x84: {  	_ =	shalt  }
0x85: {  	_ =	shalt  }
0x86: {  	_ =	shalt  }
0x87: {  	_ =	shalt  }
.Lfunc_end0:
.L_simem_size_0:
called_computation_lowered:
.L_overlay_start_0:
0x88: {  	s2 =	sld [smem:$0x3FD9]  }
0x89: {  	s3 =	sld [smem:$0x3FFE];
	_ =	sdelay $0x1  }
0x8a: {  	s1 =	srdreg.scid  }
0x8b: {  	s0 =	sand.u32 $0x1, s1  }
0x8c: {  	s17 =	sshll.u32 s0, $0xA;
	s2 =	sadd.s32 s3, s2  }
0x8d: {  	s2 =	sadd.s32 s2, s17  }
0x8e: {  	[smem:$0x3FC6] =	sst s2  }
0x8f: {  	_ = 	snop  }
0x90: {  	s2 =	sld [smem:$0x3FC9]  }
0x91: {  	s18 =	sld [smem:$0x3FD0];
	(tm) =	ssettm $0x1  }
0x92: {  	s4 =	sld [smem:$0x3FFB];
	_ =	sdelay $0x3  }
0x93: {  	_ =	strace s4  }
0x94: {  	s4 =	sld [smem:$0x3FFC];
	_ =	sdelay $0x3  }
0x95: {  	_ =	strace s4  }
0x96: {  	s4 =	sld [smem:$0x3FFD];
	_ =	sdelay $0x3  }
0x97: {  	_ =	strace s4  }
0x98: {  	_ =	strace $0x8FFFFFFF  }
0x99: {  	s19 =	sld [smem:$0x3FDB];
	_ =	sdelay $0x1  }
0x9a: {  	s5 =	simm.s32 $_scs_section_size  }
0x9b: {  	s6 =	simm.s32 $_size__tile_overlayer_lowered;
	s7 =	simm.s32 $_tile_overlayer_lowered  }
0x9c: {  	s22 =	simm.s32 $0x1BFF;
	s21 =	sshll.u32 s7, $0x1;
	s4 =	sadd.s32 s5, s19  }
0x9d: {  	s8 =	simm.s32 $0x0;
	s20 =	sshll.u32 s6, $0x1;
	s6 =	sadd.s32 s21, s4  }
0x9e: {  	[timem:s8], [sflag:s22] =	dma.local [hbm:s6], s20  }
0x9f: {  	_ =	swait.ge [sflag:s22], s20  }
0xa0: {  	s5 =	ssub.s32 $0x0, s20;
	[sflag:s22] =	ssyncset.done $0x0  }
0xa1: {  	[sflag:s22] =	ssyncadd.s32 s5;
	_ =	sdelay $0x1  }
0xa2: {  	s23 =	simm.s32 $0x1B8B  }
0xa3: {  	_ =	swait.ge [sflag:s23], $0x1  }
0xa4: {  	[sflag:s23] =	ssyncset.done $0x0  }
0xa5: {  	s25 =	simm.s32 $0x1B8E;
	s24 =	sld [smem:$0x3FFE];
	[sflag:s23] =	ssyncadd.s32 $0xFFFFFFFF  }
0xa6: {  	s26 =	simm.s32 $execute0_lowered;
	[smem:$0x3FD2] =	sst s25  }
0xa7: {  	s6 =	sshll.u32 s26, $0x1;
	_ =	strace $0x80000046;
	[dreg:$0x1] =	wrdreg $0xFFFFFFFF  }
0xa8: {  	s28 =	simm.s32 $_size_execute0_lowered;
	s4 =	sadd.s32 s4, s6;
	[dreg:$0x0] =	wrdreg $0x0  }
0xa9: {  	s6 =	sshll.u32 s28, $0x1;
	[dreg:$0x2] =	wrdreg s4  }
0xaa: {  	[dreg:$0x3] =	wrdreg s6  }
0xab: {  	[dreg:$0x4] =	wrdreg $0xC0  }
0xac: {  	_ =	task [dreg:s8], $0x5FFFF  }
0xad: {  	[dreg:$0x1] =	wrdreg $0xFFFFFFFF  }
0xae: {  	[dreg:$0x0] =	wrdreg $0x60  }
0xaf: {  	[dreg:$0x2] =	wrdreg s2  }
0xb0: {  	[dreg:$0x3] =	wrdreg s18  }
0xb1: {  	[dreg:$0x4] =	wrdreg s24  }
0xb2: {  	[dreg:$0x5] =	wrdreg $0x9  }
0xb3: {  	_ =	task.clear_ibuf [dreg:s8], $0x6FFFF;
	_ =	strace $0x90000046  }
0xb4: {  	s29 =	simm.s32 $0x9;
	_ =	strace $0x80000048  }
0xb5: {  	_ =	swait.ge [sflag:s29], $0x1  }
0xb6: {  	[sflag:s29] =	ssyncadd.s32 $0xFFFFFFFF  }
0xb7: {  	_ =	strace $0x90000048  }
0xb8: {  	_ =	sfence  }
0xb9: {  	s30 =	sld [smem:$0x0];
	_ =	sdelay $0x2  }
0xba: {  	s31 =	sshll.u32 s1, $0xD;
	s1 =	sshrl.u32 s1, $0x2  }
0xbb: {  	s3 =	sand.u32 $0x4000, s31;
	s1 =	sadd.s32 s1, s30  }
0xbc: {  	s0 =	sor.u32 s3, s0;
	s1 =	sshll.u32 s1, $0x11  }
0xbd: {  	s0 =	sor.u32 s1, s0  }
0xbe: {  	s0 =	sadd.s32 $0x8F2B, s0  }
0xbf: {  	[sflag:s0] =	ssyncadd.remote.s32 $0x1  }
0xc0: {  	_ =	sfence.sel $0xFFFF  }
0xc1: {  	[dreg:$0x0] =	wrdreg $0xFFFFFFFF;
	(pc) =	sbr.abs _section_cstart, $3  }
0xc2: {  	[dreg:$0x1] =	wrdreg $0xFFFFFFFF  }
0xc3: {  	_ =	task.clear_ibuf [dreg:s8], $0x2FFFF;
	_ =	strace $0x9FFFFFFF  }
0xc4: {  	(tm) =	ssettm $0x7FFFFFFF  }
0xc5: {  	_ =	shalt  }
tec
execute0_lowered:
.L_overlay_start_1:
0x0: {  	(tag) =	ssettag $0x1  }
0x1: {  	s1 =	rddreg [dreg:$0x0];
	s0 =	srdreg.scid  }
0x2: {  	s2 =	stileid.u32;
	s3 =	rddreg [dreg:$0x2];
	s21 =	simm.s32 $0x0  }
0x3: {  	s28 =	simm.s32 $0x6080;
	s29 =	simm.s32 $0x8080;
	s30 =	simm.s32 $0xA080  }
0x4: {  	s31 =	simm.s32 $0xC080;
	s0 =	sand.u32 $0x1, s0;
	s2 =	sshll.u32 s2, $0x1  }
0x5: {  	s8 =	simm.s32 $0x4;
	s9 =	simm.s32 $0x5;
	s2 =	sor.u32 s0, s2  }
0x6: {  	s10 =	simm.s32 $0x6;
	s11 =	simm.s32 $0x7;
	s5 =	smul.u32 $0x18000, s2  }
0x7: {  	v0 =	vimm.s32 $0x1C80;
	vm0 =	vcmask $0x300;
	s12 =	simm.s32 $0x8;
	s0 =	ssub.s32 $0x2, s0;
	s6 =	smul.u32 $0xC00, s2  }
0x8: {  	vm1 =	vcmask $0x704;
	[smem:$0x7FF] =	sst s21;
	v0 =	vsel vm0, $0x0, v0;
	s7 =	sshrl.u32 s0, $0x1;
	s2 =	smul.u32 $0xC0000, s2  }
0x9: {  	vm15 =	vcmask $0xB08;
	_ =	strace $0x80000047;
	v0 =	vsel vm1, $0x80, v0;
	s0 =	ssub.s32 s0, s7;
	s7 =	simm.s32 $0x3  }
0xa: {  	vm4 =	vcmask $0xF0C;
	v0 =	vsel vm15, $0x400, v0;
	s4 =	sadd.s32 s1, s5;
	s3 =	sadd.s32 s6, s3;
	s13 =	sor.u32 $0x10000, s2  }
0xb: {  	vm5 =	vcmask $0x1310;
	v0 =	vsel vm4, $0x480, v0;
	s14 =	sor.u32 $0x12000, s2;
	s0 =	smax.u32 s0, $0x1;
	[dreg:$0x4] =	wrdreg s4  }
0xc: {  	vm6 =	vcmask $0x1714;
	v0 =	vsel vm5, $0x800, v0;
	s15 =	sor.u32 $0x14000, s2;
	s5 =	sadd.s32 $0x400, s4;
	[dreg:$0xd] =	wrdreg s0  }
0xd: {  	vm7 =	vcmask $0x1B18;
	s16 =	sor.u32 $0x16000, s2;
	s20 =	sadd.s32 $0x800, s4;
	v0 =	vsel vm6, $0x880, v0;
	[dreg:$0x5] =	wrdreg s5  }
0xe: {  	vm8 =	vcmask $0x1F1C;
	s17 =	sor.u32 $0x18000, s2;
	s22 =	sadd.s32 $0xC00, s4;
	[dreg:$0x6] =	wrdreg s20;
	v0 =	vsel vm7, $0xC00, v0  }
0xf: {  	vm9 =	vcmask $0x2320;
	s18 =	sor.u32 $0x1A000, s2;
	s23 =	sadd.s32 $0x1000, s4;
	[dreg:$0x7] =	wrdreg s22;
	v0 =	vsel vm8, $0xC80, v0  }
0x10: {  	vm10 =	vcmask $0x2724;
	s19 =	sor.u32 $0x1C000, s2;
	s24 =	sadd.s32 $0x1400, s4;
	[dreg:$0x8] =	wrdreg s23;
	v0 =	vsel vm9, $0x1000, v0  }
0x11: {  	vm11 =	vcmask $0x2B28;
	s6 =	simm.s32 $0x2;
	s25 =	sadd.s32 $0x1800, s4;
	[dreg:$0x9] =	wrdreg s24;
	v0 =	vsel vm10, $0x1080, v0  }
.Ltmp0:
0x12: {  	vm12 =	vcmask $0x2F2C;
	s4 =	sadd.s32 $0x1C00, s4;
	[dreg:$0xa] =	wrdreg s25;
	v0 =	vsel vm11, $0x1400, v0;
	(pc) =	sbr.rel .LBB2_1-.Ltmp0, $4  }
0x13: {  	vm13 =	vcmask $0x3330;
	s26 =	sadd.s32 $0x600, s3;
	s0 =	simm.s32 $0x1;
	[dreg:$0xb] =	wrdreg s4;
	v0 =	vsel vm12, $0x1480, v0  }
0x14: {  	vm14 =	vcmask $0x3734;
	s3 =	simm.s32 $0x10080;
	s20 =	sor.u32 $0x1E000, s2;
	[dreg:$0xc] =	wrdreg s26;
	v0 =	vsel vm13, $0x1800, v0  }
0x15: {  	v1 =	vimm.s32 $0x0;
	vm15 =	vcmask $0x3B38;
	s5 =	simm.s32 $0x9;
	s24 =	simm.s32 $0x80;
	s25 =	simm.s32 $0x2080;
	v0 =	vsel vm14, $0x1880, v0  }
0x16: {  	v1 =	vsel vm0, $0xC, v1;
	s26 =	simm.s32 $0x4080;
	s2 =	simm.s32 $0xE080;
	s22 =	simm.s32 $0x0;
	v0 =	vsel vm15, $0x1C00, v0  }
.LBB2_20:
0x17: {  	s4 =	rddreg [dreg:$0xc];
	s5 =	simm.s32 $0x9  }
0x18: {  	[hbm4b:s4+s21] =	stream.linear.scatter [tilespmem:s3], [sflag:$0x9], $0x6000, $0x38;
	[tilespmem:$0x16080] =	vst v63  }
0x19: {  	_ =	swait.ge [sflag:s5], $0x6000  }
0x1a: {  	s22 =	rddreg [dreg:$0xe]  }
0x1b: {  	s23 =	rddreg [dreg:$0xd];
	s22 =	sadd.s32 $0x1, s22  }
0x1c: {  	p0 =	sne.s32 s22, s23  }
.Ltmp1:
0x1d: {  	_ = 	snop;
	(pc) =	sbr.rel @!p0 .LBB2_21-.Ltmp1, $3  }
0x1e: {  	_ =	sdelay $0x1  }
0x1f: {  	[sflag:s5] =	ssyncset.done $0x0  }
0x20: {  	[sflag:s5] =	ssyncadd.s32 $0xFFFFA000  }
.LBB2_1:
0x21: {  	[dreg:$0xe] =	wrdreg s22  }
0x22: {  	s4 =	rddreg [dreg:$0x1]  }
0x23: {  	[tilespmem:s21], [sflag:$0x9] =	stream.linear.gather [hbm4b:s4+s21], $0x80, $0x38;
	[tilespmem:$0x16080] =	vst v63  }
0x24: {  	_ =	swait.ge [sflag:s5], $0x80  }
0x25: {  	[sflag:s5] =	ssyncset.done $0x0  }
0x26: {  	[sflag:s5] =	ssyncadd.s32 $0xFFFFFF80  }
0x27: {  	v2 =	vld [tilespmem:$0x0];
	_ =	sdelay $0x4  }
0x28: {  	v2 =	vadd.f32 $1.000000000e+00, v2  }
0x29: {  	s22 =	rddreg [dreg:$0x4]  }
0x2a: {  	[tilespmem:s24], [sflag:$0x1] =	stream.linear.gather [hbm4b:s22+s21], $0x2000, $0x38;
	v2 =	vmul.f32 $2.555000000e+02, v2;
	[tilespmem:$0x16080] =	vst v63  }
0x2b: {  	s23 =	rddreg [dreg:$0x5]  }
0x2c: {  	[tilespmem:s25], [sflag:$0x2] =	stream.linear.gather [hbm4b:s23+s21], $0x2000, $0x38;
	v2 =	vadd.f32 $1.258291200e+07, v2;
	[tilespmem:$0x16080] =	vst v63  }
0x2d: {  	s5 =	rddreg [dreg:$0x6]  }
0x2e: {  	[tilespmem:s26], [sflag:$0x3] =	stream.linear.gather [hbm4b:s5+s21], $0x2000, $0x38;
	v2 =	vadd.f32 $-1.258291200e+07, v2;
	[tilespmem:$0x16080] =	vst v63  }
0x2f: {  	s22 =	rddreg [dreg:$0x7]  }
0x30: {  	[tilespmem:s28], [sflag:$0x4] =	stream.linear.gather [hbm4b:s22+s21], $0x2000, $0x38;
	v2 =	vtrunc.f32 v2;
	[tilespmem:$0x16080] =	vst v63  }
0x31: {  	s23 =	rddreg [dreg:$0x8];
	v2 =	vcvt.f32.s32 v2  }
0x32: {  	[tilespmem:s29], [sflag:$0x5] =	stream.linear.gather [hbm4b:s23+s21], $0x2000, $0x38;
	[tilespmem:$0x16080] =	vst v63  }
0x33: {  	s5 =	rddreg [dreg:$0x9];
	vm0 =	vgt.s32 v2, $0x0  }
0x34: {  	[tilespmem:s30], [sflag:$0x6] =	stream.linear.gather [hbm4b:s5+s21], $0x2000, $0x38;
	v2 =	vnsel vm0, $0x0, v2;
	[tilespmem:$0x16080] =	vst v63  }
0x35: {  	s22 =	rddreg [dreg:$0xa];
	v3 =	vmin.u32 v2, $0x1FF  }
0x36: {  	[tilespmem:s31], [sflag:$0x7] =	stream.linear.gather [hbm4b:s22+s21], $0x2000, $0x38;
	v2 =	vshll.u32 v3, $0x3;
	[tilespmem:$0x16080] =	vst v63  }
0x37: {  	s23 =	rddreg [dreg:$0xb];
	s22 =	simm.s32 $0x0;
	v4 =	vand.u32 $0x7F, v3;
	v5 =	vand.u32 $0xC00, v2  }
0x38: {  	[tilespmem:s2], [sflag:$0x8] =	stream.linear.gather [hbm4b:s23+s21], $0x2000, $0x38;
	v2 =	vor.u32 v4, v5;
	v3 =	vor.u32 v3, v5;
	[tilespmem:$0x16080] =	vst v63  }
.LBB2_2:
0x39: {  	s5 =	sshll.u32 s22, $0x4;
	s23 =	sshll.u32 s22, $0x1  }
0x3a: {  	s5 =	sand.u32 $0xC0, s5;
	s23 =	sand.u32 $0x6, s23  }
0x3b: {  	s5 =	sor.u32 s5, s23  }
0x3c: {  	_ =	swait.ge [sflag:s0], $0x2000;
	v4 =	vmov s5  }
0x3d: {  	[sflag:s0] =	ssyncset.done $0x0;
	v4 =	vshll.u32 v4, $0x7  }
0x3e: {  	p0 =	por $0x1, $0x1;
	[sflag:s0] =	ssyncadd.s32 $0xFFFFE000;
	s5 =	simm.s32 $0x0;
	v4 =	vor.u32 v0, v4  }
.LBB2_3:
0x3f: {  	v5 =	vmov s5  }
0x40: {  	v5 =	vshrl.u32 v5, $0x3  }
0x41: {  	v5 =	vshll.u32 v5, v1  }
0x42: {  	v5 =	vbroadcast v5, $0x0  }
0x43: {  	s23 =	sor.u32 $0x1, s5  }
0x44: {  	v6 =	vmov s23;
	v5 =	vor.u32 v2, v5  }
0x45: {  	v6 =	vshrl.u32 v6, $0x3  }
0x46: {  	v6 =	vshll.u32 v6, v1  }
0x47: {  	v6 =	vor.u32 $0x80, v6  }
0x48: {  	v6 =	vbroadcast v6, $0x0  }
0x49: {  	v7 =	vor.u32 s5, v4;
	s21 =	sor.u32 $0x2, s5;
	v5 =	vld.idx.msk [tilespmem:v5+s24+$0x0], $0xffff  }
0x4a: {  	v8 =	vmov s21;
	v6 =	vor.u32 v2, v6  }
0x4b: {  	v8 =	vshrl.u32 v8, $0x3  }
0x4c: {  	v8 =	vshll.u32 v8, v1  }
0x4d: {  	v8 =	vor.u32 $0x100, v8  }
0x4e: {  	[tilespmem:v7+s3+$0x0] =	vst.idx.msk $0xffff, v5;
	v5 =	vbroadcast v8, $0x0  }
0x4f: {  	v7 =	vor.u32 s23, v4;
	s23 =	sor.u32 $0x3, s5;
	v6 =	vld.idx.msk [tilespmem:v6+s24+$0x0], $0xffff  }
0x50: {  	v59 =	vmov s23;
	v5 =	vor.u32 v2, v5  }
0x51: {  	v8 =	vshrl.u32 v59, $0x3  }
0x52: {  	v8 =	vshll.u32 v8, v1  }
0x53: {  	v8 =	vor.u32 $0x180, v8  }
0x54: {  	[tilespmem:v7+s3+$0x0] =	vst.idx.msk $0xffff, v6;
	v6 =	vbroadcast v8, $0x0  }
0x55: {  	s4 =	sor.u32 $0x4, s5;
	v7 =	vor.u32 s21, v4;
	v5 =	vld.idx.msk [tilespmem:v5+s24+$0x0], $0xffff  }
0x56: {  	v60 =	vmov s4;
	v6 =	vor.u32 v3, v6  }
0x57: {  	v8 =	vshrl.u32 v60, $0x3  }
0x58: {  	v8 =	vshll.u32 v8, v1  }
0x59: {  	v8 =	vor.u32 $0x200, v8  }
0x5a: {  	[tilespmem:v7+s3+$0x0] =	vst.idx.msk $0xffff, v5;
	v5 =	vbroadcast v8, $0x0  }
0x5b: {  	v7 =	vor.u32 s23, v4;
	s23 =	sor.u32 $0x5, s5;
	v6 =	vld.idx.msk [tilespmem:v6+s24+$0x0], $0xffff  }
0x5c: {  	v61 =	vmov s23;
	v5 =	vor.u32 v2, v5  }
0x5d: {  	v8 =	vshrl.u32 v61, $0x3  }
0x5e: {  	v8 =	vshll.u32 v8, v1  }
0x5f: {  	v8 =	vor.u32 $0x280, v8  }
0x60: {  	[tilespmem:v7+s3+$0x0] =	vst.idx.msk $0xffff, v6;
	v6 =	vbroadcast v8, $0x0  }
0x61: {  	v7 =	vor.u32 s4, v4;
	s4 =	sor.u32 $0x6, s5;
	v5 =	vld.idx.msk [tilespmem:v5+s24+$0x0], $0xffff  }
0x62: {  	v62 =	vmov s4;
	v6 =	vor.u32 v2, v6  }
0x63: {  	v8 =	vshrl.u32 v62, $0x3  }
0x64: {  	v8 =	vshll.u32 v8, v1  }
0x65: {  	v8 =	vor.u32 $0x300, v8  }
0x66: {  	[tilespmem:v7+s3+$0x0] =	vst.idx.msk $0xffff, v5;
	v5 =	vbroadcast v8, $0x0  }
0x67: {  	v7 =	vor.u32 s23, v4;
	s23 =	sor.u32 $0x7, s5;
	v6 =	vld.idx.msk [tilespmem:v6+s24+$0x0], $0xffff  }
0x68: {  	v63 =	vmov s23;
	v5 =	vor.u32 v2, v5  }
0x69: {  	v8 =	vshrl.u32 v63, $0x3  }
0x6a: {  	v8 =	vshll.u32 v8, v1  }
0x6b: {  	v8 =	vor.u32 $0x380, v8  }
0x6c: {  	[tilespmem:v7+s3+$0x0] =	vst.idx.msk $0xffff, v6;
	v6 =	vbroadcast v8, $0x0  }
0x6d: {  	v7 =	vor.u32 s4, v4;
	v5 =	vld.idx.msk [tilespmem:v5+s24+$0x0], $0xffff  }
0x6e: {  	v6 =	vor.u32 v3, v6;
	_ =	sdelay $0x3  }
0x6f: {  	[tilespmem:v7+s3+$0x0] =	vst.idx.msk $0xffff, v5  }
0x70: {  	p1 =	por p0, p0;
	v5 =	vld.idx.msk [tilespmem:v6+s24+$0x0], $0xffff;
	v6 =	vor.u32 s23, v4  }
.Ltmp2:
0x71: {  	_ = 	snop;
	(pc) =	sbr.rel @p1 .LBB2_3-.Ltmp2, $2  }
0x72: {  	_ =	sdelay $0x2  }
0x73: {  	p0 =	por $0x0, $0x0;
	s5 =	simm.s32 $0x8;
	[tilespmem:v6+s3+$0x0] =	vst.idx.msk $0xffff, v5  }
0x74: {  	s5 =	sshll.u32 s22, $0x10;
	p0 =	seq.s32 s22, $0xB  }
0x75: {  	s21 =	sadd.s32 @!p0 s5, s13  }
0x76: {  	s21 =	sshrl.u32 @!p0 s21, $0x3  }
0x77: {  	s23 =	simm.s32 @!p0 $0x0;
	s4 =	simm.s32 @!p0 $0x80;
	s21 =	sadd.s32 @!p0 s1, s21  }
0x78: {  	[tilespmem:s4], [sflag:$0x1] =	stream.linear.gather @!p0 [hbm4b:s21+s23], $0x2000, $0x38;
	[tilespmem:$0x16080] =	vst v63  }
0x79: {  	_ =	swait.ge [sflag:s6], $0x2000  }
0x7a: {  	[sflag:s6] =	ssyncset.done $0x0  }
0x7b: {  	p1 =	por $0x1, $0x1;
	s23 =	simm.s32 $0x0;
	[sflag:s6] =	ssyncadd.s32 $0xFFFFE000  }
.LBB2_5:
0x7c: {  	v5 =	vmov s23  }
0x7d: {  	v5 =	vshrl.u32 v5, $0x3  }
0x7e: {  	v5 =	vshll.u32 v5, v1  }
0x7f: {  	v6 =	vbroadcast v5, $0x0;
	_ =	sdelay $0x1  }
0x80: {  	v6 =	vor.u32 v2, v6;
	_ =	sdelay $0x2  }
0x81: {  	v7 =	vor.u32 $0x80, v5  }
0x82: {  	s4 =	sor.u32 $0x10, s23;
	v7 =	vbroadcast v7, $0x0  }
0x83: {  	v8 =	vor.u32 s4, v4;
	v6 =	vld.idx.msk [tilespmem:v6+s25+$0x0], $0xffff  }
0x84: {  	v7 =	vor.u32 v2, v7;
	_ =	sdelay $0x2  }
0x85: {  	v9 =	vor.u32 $0x100, v5  }
0x86: {  	s21 =	sor.u32 $0x11, s23;
	[tilespmem:v8+s3+$0x0] =	vst.idx.msk $0xffff, v6;
	v6 =	vbroadcast v9, $0x0  }
0x87: {  	v55 =	vor.u32 s21, v4;
	v7 =	vld.idx.msk [tilespmem:v7+s25+$0x0], $0xffff  }
0x88: {  	v6 =	vor.u32 v2, v6;
	_ =	sdelay $0x2  }
0x89: {  	v56 =	vor.u32 $0x180, v5  }
0x8a: {  	s21 =	sor.u32 $0x12, s23;
	[tilespmem:v55+s3+$0x0] =	vst.idx.msk $0xffff, v7;
	v7 =	vbroadcast v56, $0x0  }
0x8b: {  	v57 =	vor.u32 s21, v4;
	v6 =	vld.idx.msk [tilespmem:v6+s25+$0x0], $0xffff  }
0x8c: {  	v7 =	vor.u32 v3, v7;
	_ =	sdelay $0x2  }
0x8d: {  	v58 =	vor.u32 $0x200, v5  }
0x8e: {  	s21 =	sor.u32 $0x13, s23;
	[tilespmem:v57+s3+$0x0] =	vst.idx.msk $0xffff, v6;
	v6 =	vbroadcast v58, $0x0  }
0x8f: {  	v59 =	vor.u32 s21, v4;
	v7 =	vld.idx.msk [tilespmem:v7+s25+$0x0], $0xffff  }
0x90: {  	v6 =	vor.u32 v2, v6;
	_ =	sdelay $0x2  }
0x91: {  	v60 =	vor.u32 $0x280, v5  }
0x92: {  	s21 =	sor.u32 $0x14, s23;
	[tilespmem:v59+s3+$0x0] =	vst.idx.msk $0xffff, v7;
	v7 =	vbroadcast v60, $0x0  }
0x93: {  	v61 =	vor.u32 s21, v4;
	v6 =	vld.idx.msk [tilespmem:v6+s25+$0x0], $0xffff  }
0x94: {  	v7 =	vor.u32 v2, v7;
	_ =	sdelay $0x2  }
0x95: {  	v62 =	vor.u32 $0x300, v5  }
0x96: {  	s21 =	sor.u32 $0x15, s23;
	[tilespmem:v61+s3+$0x0] =	vst.idx.msk $0xffff, v6;
	v6 =	vbroadcast v62, $0x0  }
0x97: {  	v63 =	vor.u32 s21, v4;
	v7 =	vld.idx.msk [tilespmem:v7+s25+$0x0], $0xffff  }
0x98: {  	v6 =	vor.u32 v2, v6;
	_ =	sdelay $0x2  }
0x99: {  	v5 =	vor.u32 $0x380, v5  }
0x9a: {  	v5 =	vbroadcast v5, $0x0;
	s21 =	sor.u32 $0x16, s23;
	[tilespmem:v63+s3+$0x0] =	vst.idx.msk $0xffff, v7  }
0x9b: {  	v7 =	vor.u32 s21, v4;
	v6 =	vld.idx.msk [tilespmem:v6+s25+$0x0], $0xffff  }
0x9c: {  	v5 =	vor.u32 v3, v5;
	_ =	sdelay $0x3  }
0x9d: {  	s23 =	sor.u32 $0x17, s23;
	[tilespmem:v7+s3+$0x0] =	vst.idx.msk $0xffff, v6  }
0x9e: {  	p2 =	por p1, p1;
	v6 =	vor.u32 s23, v4;
	v5 =	vld.idx.msk [tilespmem:v5+s25+$0x0], $0xffff  }
.Ltmp3:
0x9f: {  	_ = 	snop;
	(pc) =	sbr.rel @p2 .LBB2_5-.Ltmp3, $2  }
0xa0: {  	_ =	sdelay $0x2  }
0xa1: {  	p1 =	por $0x0, $0x0;
	s23 =	simm.s32 $0x8;
	[tilespmem:v6+s3+$0x0] =	vst.idx.msk $0xffff, v5  }
0xa2: {  	s4 =	sadd.s32 @!p0 s5, s14  }
0xa3: {  	s4 =	sshrl.u32 @!p0 s4, $0x3  }
0xa4: {  	s21 =	simm.s32 @!p0 $0x0;
	s23 =	simm.s32 @!p0 $0x2080;
	s4 =	sadd.s32 @!p0 s1, s4  }
0xa5: {  	[tilespmem:s23], [sflag:$0x2] =	stream.linear.gather @!p0 [hbm4b:s4+s21], $0x2000, $0x38;
	[tilespmem:$0x16080] =	vst v63  }
0xa6: {  	_ =	swait.ge [sflag:s7], $0x2000  }
0xa7: {  	[sflag:s7] =	ssyncset.done $0x0  }
0xa8: {  	p1 =	por $0x1, $0x1;
	s23 =	simm.s32 $0x0;
	[sflag:s7] =	ssyncadd.s32 $0xFFFFE000  }
.LBB2_7:
0xa9: {  	v5 =	vmov s23  }
0xaa: {  	v5 =	vshrl.u32 v5, $0x3  }
0xab: {  	v5 =	vshll.u32 v5, v1  }
0xac: {  	v6 =	vbroadcast v5, $0x0;
	_ =	sdelay $0x1  }
0xad: {  	v6 =	vor.u32 v2, v6;
	_ =	sdelay $0x2  }
0xae: {  	v7 =	vor.u32 $0x80, v5  }
0xaf: {  	s4 =	sor.u32 $0x20, s23;
	v7 =	vbroadcast v7, $0x0  }
0xb0: {  	v8 =	vor.u32 s4, v4;
	v6 =	vld.idx.msk [tilespmem:v6+s26+$0x0], $0xffff  }
0xb1: {  	v7 =	vor.u32 v2, v7;
	_ =	sdelay $0x2  }
0xb2: {  	v9 =	vor.u32 $0x100, v5  }
0xb3: {  	s21 =	sor.u32 $0x21, s23;
	[tilespmem:v8+s3+$0x0] =	vst.idx.msk $0xffff, v6;
	v6 =	vbroadcast v9, $0x0  }
0xb4: {  	v55 =	vor.u32 s21, v4;
	v7 =	vld.idx.msk [tilespmem:v7+s26+$0x0], $0xffff  }
0xb5: {  	v6 =	vor.u32 v2, v6;
	_ =	sdelay $0x2  }
0xb6: {  	v56 =	vor.u32 $0x180, v5  }
0xb7: {  	s21 =	sor.u32 $0x22, s23;
	[tilespmem:v55+s3+$0x0] =	vst.idx.msk $0xffff, v7;
	v7 =	vbroadcast v56, $0x0  }
0xb8: {  	v57 =	vor.u32 s21, v4;
	v6 =	vld.idx.msk [tilespmem:v6+s26+$0x0], $0xffff  }
0xb9: {  	v7 =	vor.u32 v3, v7;
	_ =	sdelay $0x2  }
0xba: {  	v58 =	vor.u32 $0x200, v5  }
0xbb: {  	s21 =	sor.u32 $0x23, s23;
	[tilespmem:v57+s3+$0x0] =	vst.idx.msk $0xffff, v6;
	v6 =	vbroadcast v58, $0x0  }
0xbc: {  	v59 =	vor.u32 s21, v4;
	v7 =	vld.idx.msk [tilespmem:v7+s26+$0x0], $0xffff  }
0xbd: {  	v6 =	vor.u32 v2, v6;
	_ =	sdelay $0x2  }
0xbe: {  	v60 =	vor.u32 $0x280, v5  }
0xbf: {  	s21 =	sor.u32 $0x24, s23;
	[tilespmem:v59+s3+$0x0] =	vst.idx.msk $0xffff, v7;
	v7 =	vbroadcast v60, $0x0  }
0xc0: {  	v61 =	vor.u32 s21, v4;
	v6 =	vld.idx.msk [tilespmem:v6+s26+$0x0], $0xffff  }
0xc1: {  	v7 =	vor.u32 v2, v7;
	_ =	sdelay $0x2  }
0xc2: {  	v62 =	vor.u32 $0x300, v5  }
0xc3: {  	s21 =	sor.u32 $0x25, s23;
	[tilespmem:v61+s3+$0x0] =	vst.idx.msk $0xffff, v6;
	v6 =	vbroadcast v62, $0x0  }
0xc4: {  	v63 =	vor.u32 s21, v4;
	v7 =	vld.idx.msk [tilespmem:v7+s26+$0x0], $0xffff  }
0xc5: {  	v6 =	vor.u32 v2, v6;
	_ =	sdelay $0x2  }
0xc6: {  	v5 =	vor.u32 $0x380, v5  }
0xc7: {  	v5 =	vbroadcast v5, $0x0;
	s21 =	sor.u32 $0x26, s23;
	[tilespmem:v63+s3+$0x0] =	vst.idx.msk $0xffff, v7  }
0xc8: {  	v7 =	vor.u32 s21, v4;
	v6 =	vld.idx.msk [tilespmem:v6+s26+$0x0], $0xffff  }
0xc9: {  	v5 =	vor.u32 v3, v5;
	_ =	sdelay $0x3  }
0xca: {  	s23 =	sor.u32 $0x27, s23;
	[tilespmem:v7+s3+$0x0] =	vst.idx.msk $0xffff, v6  }
0xcb: {  	p2 =	por p1, p1;
	v6 =	vor.u32 s23, v4;
	v5 =	vld.idx.msk [tilespmem:v5+s26+$0x0], $0xffff  }
.Ltmp4:
0xcc: {  	_ = 	snop;
	(pc) =	sbr.rel @p2 .LBB2_7-.Ltmp4, $2  }
0xcd: {  	_ =	sdelay $0x2  }
0xce: {  	p1 =	por $0x0, $0x0;
	s23 =	simm.s32 $0x8;
	[tilespmem:v6+s3+$0x0] =	vst.idx.msk $0xffff, v5  }
0xcf: {  	s4 =	sadd.s32 @!p0 s5, s15  }
0xd0: {  	s4 =	sshrl.u32 @!p0 s4, $0x3  }
0xd1: {  	s21 =	simm.s32 @!p0 $0x0;
	s23 =	simm.s32 @!p0 $0x4080;
	s4 =	sadd.s32 @!p0 s1, s4  }
0xd2: {  	[tilespmem:s23], [sflag:$0x3] =	stream.linear.gather @!p0 [hbm4b:s4+s21], $0x2000, $0x38;
	[tilespmem:$0x16080] =	vst v63  }
0xd3: {  	_ =	swait.ge [sflag:s8], $0x2000  }
0xd4: {  	[sflag:s8] =	ssyncset.done $0x0  }
0xd5: {  	p1 =	por $0x1, $0x1;
	s23 =	simm.s32 $0x0;
	[sflag:s8] =	ssyncadd.s32 $0xFFFFE000  }
.LBB2_9:
0xd6: {  	v5 =	vmov s23  }
0xd7: {  	v5 =	vshrl.u32 v5, $0x3  }
0xd8: {  	v5 =	vshll.u32 v5, v1  }
0xd9: {  	v6 =	vbroadcast v5, $0x0;
	_ =	sdelay $0x1  }
0xda: {  	v6 =	vor.u32 v2, v6;
	_ =	sdelay $0x2  }
0xdb: {  	v7 =	vor.u32 $0x80, v5  }
0xdc: {  	s4 =	sor.u32 $0x30, s23;
	v7 =	vbroadcast v7, $0x0  }
0xdd: {  	v8 =	vor.u32 s4, v4;
	v6 =	vld.idx.msk [tilespmem:v6+s28+$0x0], $0xffff  }
0xde: {  	v7 =	vor.u32 v2, v7;
	_ =	sdelay $0x2  }
0xdf: {  	v9 =	vor.u32 $0x100, v5  }
0xe0: {  	s21 =	sor.u32 $0x31, s23;
	[tilespmem:v8+s3+$0x0] =	vst.idx.msk $0xffff, v6;
	v6 =	vbroadcast v9, $0x0  }
0xe1: {  	v55 =	vor.u32 s21, v4;
	v7 =	vld.idx.msk [tilespmem:v7+s28+$0x0], $0xffff  }
0xe2: {  	v6 =	vor.u32 v2, v6;
	_ =	sdelay $0x2  }
0xe3: {  	v56 =	vor.u32 $0x180, v5  }
0xe4: {  	s21 =	sor.u32 $0x32, s23;
	[tilespmem:v55+s3+$0x0] =	vst.idx.msk $0xffff, v7;
	v7 =	vbroadcast v56, $0x0  }
0xe5: {  	v57 =	vor.u32 s21, v4;
	v6 =	vld.idx.msk [tilespmem:v6+s28+$0x0], $0xffff  }
0xe6: {  	v7 =	vor.u32 v3, v7;
	_ =	sdelay $0x2  }
0xe7: {  	v58 =	vor.u32 $0x200, v5  }
0xe8: {  	s21 =	sor.u32 $0x33, s23;
	[tilespmem:v57+s3+$0x0] =	vst.idx.msk $0xffff, v6;
	v6 =	vbroadcast v58, $0x0  }
0xe9: {  	v59 =	vor.u32 s21, v4;
	v7 =	vld.idx.msk [tilespmem:v7+s28+$0x0], $0xffff  }
0xea: {  	v6 =	vor.u32 v2, v6;
	_ =	sdelay $0x2  }
0xeb: {  	v60 =	vor.u32 $0x280, v5  }
0xec: {  	s21 =	sor.u32 $0x34, s23;
	[tilespmem:v59+s3+$0x0] =	vst.idx.msk $0xffff, v7;
	v7 =	vbroadcast v60, $0x0  }
0xed: {  	v61 =	vor.u32 s21, v4;
	v6 =	vld.idx.msk [tilespmem:v6+s28+$0x0], $0xffff  }
0xee: {  	v7 =	vor.u32 v2, v7;
	_ =	sdelay $0x2  }
0xef: {  	v62 =	vor.u32 $0x300, v5  }
0xf0: {  	s21 =	sor.u32 $0x35, s23;
	[tilespmem:v61+s3+$0x0] =	vst.idx.msk $0xffff, v6;
	v6 =	vbroadcast v62, $0x0  }
0xf1: {  	v63 =	vor.u32 s21, v4;
	v7 =	vld.idx.msk [tilespmem:v7+s28+$0x0], $0xffff  }
0xf2: {  	v6 =	vor.u32 v2, v6;
	_ =	sdelay $0x2  }
0xf3: {  	v5 =	vor.u32 $0x380, v5  }
0xf4: {  	v5 =	vbroadcast v5, $0x0;
	s21 =	sor.u32 $0x36, s23;
	[tilespmem:v63+s3+$0x0] =	vst.idx.msk $0xffff, v7  }
0xf5: {  	v7 =	vor.u32 s21, v4;
	v6 =	vld.idx.msk [tilespmem:v6+s28+$0x0], $0xffff  }
0xf6: {  	v5 =	vor.u32 v3, v5;
	_ =	sdelay $0x3  }
0xf7: {  	s23 =	sor.u32 $0x37, s23;
	[tilespmem:v7+s3+$0x0] =	vst.idx.msk $0xffff, v6  }
0xf8: {  	p2 =	por p1, p1;
	v6 =	vor.u32 s23, v4;
	v5 =	vld.idx.msk [tilespmem:v5+s28+$0x0], $0xffff  }
.Ltmp5:
0xf9: {  	_ = 	snop;
	(pc) =	sbr.rel @p2 .LBB2_9-.Ltmp5, $2  }
0xfa: {  	_ =	sdelay $0x2  }
0xfb: {  	p1 =	por $0x0, $0x0;
	s23 =	simm.s32 $0x8;
	[tilespmem:v6+s3+$0x0] =	vst.idx.msk $0xffff, v5  }
0xfc: {  	s4 =	sadd.s32 @!p0 s5, s16  }
0xfd: {  	s4 =	sshrl.u32 @!p0 s4, $0x3  }
0xfe: {  	s21 =	simm.s32 @!p0 $0x0;
	s23 =	simm.s32 @!p0 $0x6080;
	s4 =	sadd.s32 @!p0 s1, s4  }
0xff: {  	[tilespmem:s23], [sflag:$0x4] =	stream.linear.gather @!p0 [hbm4b:s4+s21], $0x2000, $0x38;
	[tilespmem:$0x16080] =	vst v63  }
0x100: {  	_ =	swait.ge [sflag:s9], $0x2000  }
0x101: {  	[sflag:s9] =	ssyncset.done $0x0  }
0x102: {  	p1 =	por $0x1, $0x1;
	s23 =	simm.s32 $0x0;
	[sflag:s9] =	ssyncadd.s32 $0xFFFFE000  }
.LBB2_11:
0x103: {  	v5 =	vmov s23  }
0x104: {  	v5 =	vshrl.u32 v5, $0x3  }
0x105: {  	v5 =	vshll.u32 v5, v1  }
0x106: {  	v6 =	vbroadcast v5, $0x0;
	_ =	sdelay $0x1  }
0x107: {  	v6 =	vor.u32 v2, v6;
	_ =	sdelay $0x2  }
0x108: {  	v7 =	vor.u32 $0x80, v5  }
0x109: {  	s4 =	sor.u32 $0x40, s23;
	v7 =	vbroadcast v7, $0x0  }
0x10a: {  	v8 =	vor.u32 s4, v4;
	v6 =	vld.idx.msk [tilespmem:v6+s29+$0x0], $0xffff  }
0x10b: {  	v7 =	vor.u32 v2, v7;
	_ =	sdelay $0x2  }
0x10c: {  	v9 =	vor.u32 $0x100, v5  }
0x10d: {  	s21 =	sor.u32 $0x41, s23;
	[tilespmem:v8+s3+$0x0] =	vst.idx.msk $0xffff, v6;
	v6 =	vbroadcast v9, $0x0  }
0x10e: {  	v55 =	vor.u32 s21, v4;
	v7 =	vld.idx.msk [tilespmem:v7+s29+$0x0], $0xffff  }
0x10f: {  	v6 =	vor.u32 v2, v6;
	_ =	sdelay $0x2  }
0x110: {  	v56 =	vor.u32 $0x180, v5  }
0x111: {  	s21 =	sor.u32 $0x42, s23;
	[tilespmem:v55+s3+$0x0] =	vst.idx.msk $0xffff, v7;
	v7 =	vbroadcast v56, $0x0  }
0x112: {  	v57 =	vor.u32 s21, v4;
	v6 =	vld.idx.msk [tilespmem:v6+s29+$0x0], $0xffff  }
0x113: {  	v7 =	vor.u32 v3, v7;
	_ =	sdelay $0x2  }
0x114: {  	v58 =	vor.u32 $0x200, v5  }
0x115: {  	s21 =	sor.u32 $0x43, s23;
	[tilespmem:v57+s3+$0x0] =	vst.idx.msk $0xffff, v6;
	v6 =	vbroadcast v58, $0x0  }
0x116: {  	v59 =	vor.u32 s21, v4;
	v7 =	vld.idx.msk [tilespmem:v7+s29+$0x0], $0xffff  }
0x117: {  	v6 =	vor.u32 v2, v6;
	_ =	sdelay $0x2  }
0x118: {  	v60 =	vor.u32 $0x280, v5  }
0x119: {  	s21 =	sor.u32 $0x44, s23;
	[tilespmem:v59+s3+$0x0] =	vst.idx.msk $0xffff, v7;
	v7 =	vbroadcast v60, $0x0  }
0x11a: {  	v61 =	vor.u32 s21, v4;
	v6 =	vld.idx.msk [tilespmem:v6+s29+$0x0], $0xffff  }
0x11b: {  	v7 =	vor.u32 v2, v7;
	_ =	sdelay $0x2  }
0x11c: {  	v62 =	vor.u32 $0x300, v5  }
0x11d: {  	s21 =	sor.u32 $0x45, s23;
	[tilespmem:v61+s3+$0x0] =	vst.idx.msk $0xffff, v6;
	v6 =	vbroadcast v62, $0x0  }
0x11e: {  	v63 =	vor.u32 s21, v4;
	v7 =	vld.idx.msk [tilespmem:v7+s29+$0x0], $0xffff  }
0x11f: {  	v6 =	vor.u32 v2, v6;
	_ =	sdelay $0x2  }
0x120: {  	v5 =	vor.u32 $0x380, v5  }
0x121: {  	v5 =	vbroadcast v5, $0x0;
	s21 =	sor.u32 $0x46, s23;
	[tilespmem:v63+s3+$0x0] =	vst.idx.msk $0xffff, v7  }
0x122: {  	v7 =	vor.u32 s21, v4;
	v6 =	vld.idx.msk [tilespmem:v6+s29+$0x0], $0xffff  }
0x123: {  	v5 =	vor.u32 v3, v5;
	_ =	sdelay $0x3  }
0x124: {  	s23 =	sor.u32 $0x47, s23;
	[tilespmem:v7+s3+$0x0] =	vst.idx.msk $0xffff, v6  }
0x125: {  	p2 =	por p1, p1;
	v6 =	vor.u32 s23, v4;
	v5 =	vld.idx.msk [tilespmem:v5+s29+$0x0], $0xffff  }
.Ltmp6:
0x126: {  	_ = 	snop;
	(pc) =	sbr.rel @p2 .LBB2_11-.Ltmp6, $2  }
0x127: {  	_ =	sdelay $0x2  }
0x128: {  	p1 =	por $0x0, $0x0;
	s23 =	simm.s32 $0x8;
	[tilespmem:v6+s3+$0x0] =	vst.idx.msk $0xffff, v5  }
0x129: {  	s4 =	sadd.s32 @!p0 s5, s17  }
0x12a: {  	s4 =	sshrl.u32 @!p0 s4, $0x3  }
0x12b: {  	s21 =	simm.s32 @!p0 $0x0;
	s23 =	simm.s32 @!p0 $0x8080;
	s4 =	sadd.s32 @!p0 s1, s4  }
0x12c: {  	[tilespmem:s23], [sflag:$0x5] =	stream.linear.gather @!p0 [hbm4b:s4+s21], $0x2000, $0x38;
	[tilespmem:$0x16080] =	vst v63  }
0x12d: {  	_ =	swait.ge [sflag:s10], $0x2000  }
0x12e: {  	[sflag:s10] =	ssyncset.done $0x0  }
0x12f: {  	p1 =	por $0x1, $0x1;
	s23 =	simm.s32 $0x0;
	[sflag:s10] =	ssyncadd.s32 $0xFFFFE000  }
.LBB2_13:
0x130: {  	v5 =	vmov s23  }
0x131: {  	v5 =	vshrl.u32 v5, $0x3  }
0x132: {  	v5 =	vshll.u32 v5, v1  }
0x133: {  	v6 =	vbroadcast v5, $0x0;
	_ =	sdelay $0x1  }
0x134: {  	v6 =	vor.u32 v2, v6;
	_ =	sdelay $0x2  }
0x135: {  	v7 =	vor.u32 $0x80, v5  }
0x136: {  	s4 =	sor.u32 $0x50, s23;
	v7 =	vbroadcast v7, $0x0  }
0x137: {  	v8 =	vor.u32 s4, v4;
	v6 =	vld.idx.msk [tilespmem:v6+s30+$0x0], $0xffff  }
0x138: {  	v7 =	vor.u32 v2, v7;
	_ =	sdelay $0x2  }
0x139: {  	v9 =	vor.u32 $0x100, v5  }
0x13a: {  	s21 =	sor.u32 $0x51, s23;
	[tilespmem:v8+s3+$0x0] =	vst.idx.msk $0xffff, v6;
	v6 =	vbroadcast v9, $0x0  }
0x13b: {  	v55 =	vor.u32 s21, v4;
	v7 =	vld.idx.msk [tilespmem:v7+s30+$0x0], $0xffff  }
0x13c: {  	v6 =	vor.u32 v2, v6;
	_ =	sdelay $0x2  }
0x13d: {  	v56 =	vor.u32 $0x180, v5  }
0x13e: {  	s21 =	sor.u32 $0x52, s23;
	[tilespmem:v55+s3+$0x0] =	vst.idx.msk $0xffff, v7;
	v7 =	vbroadcast v56, $0x0  }
0x13f: {  	v57 =	vor.u32 s21, v4;
	v6 =	vld.idx.msk [tilespmem:v6+s30+$0x0], $0xffff  }
0x140: {  	v7 =	vor.u32 v3, v7;
	_ =	sdelay $0x2  }
0x141: {  	v58 =	vor.u32 $0x200, v5  }
0x142: {  	s21 =	sor.u32 $0x53, s23;
	[tilespmem:v57+s3+$0x0] =	vst.idx.msk $0xffff, v6;
	v6 =	vbroadcast v58, $0x0  }
0x143: {  	v59 =	vor.u32 s21, v4;
	v7 =	vld.idx.msk [tilespmem:v7+s30+$0x0], $0xffff  }
0x144: {  	v6 =	vor.u32 v2, v6;
	_ =	sdelay $0x2  }
0x145: {  	v60 =	vor.u32 $0x280, v5  }
0x146: {  	s21 =	sor.u32 $0x54, s23;
	[tilespmem:v59+s3+$0x0] =	vst.idx.msk $0xffff, v7;
	v7 =	vbroadcast v60, $0x0  }
0x147: {  	v61 =	vor.u32 s21, v4;
	v6 =	vld.idx.msk [tilespmem:v6+s30+$0x0], $0xffff  }
0x148: {  	v7 =	vor.u32 v2, v7;
	_ =	sdelay $0x2  }
0x149: {  	v62 =	vor.u32 $0x300, v5  }
0x14a: {  	s21 =	sor.u32 $0x55, s23;
	[tilespmem:v61+s3+$0x0] =	vst.idx.msk $0xffff, v6;
	v6 =	vbroadcast v62, $0x0  }
0x14b: {  	v63 =	vor.u32 s21, v4;
	v7 =	vld.idx.msk [tilespmem:v7+s30+$0x0], $0xffff  }
0x14c: {  	v6 =	vor.u32 v2, v6;
	_ =	sdelay $0x2  }
0x14d: {  	v5 =	vor.u32 $0x380, v5  }
0x14e: {  	v5 =	vbroadcast v5, $0x0;
	s21 =	sor.u32 $0x56, s23;
	[tilespmem:v63+s3+$0x0] =	vst.idx.msk $0xffff, v7  }
0x14f: {  	v7 =	vor.u32 s21, v4;
	v6 =	vld.idx.msk [tilespmem:v6+s30+$0x0], $0xffff  }
0x150: {  	v5 =	vor.u32 v3, v5;
	_ =	sdelay $0x3  }
0x151: {  	s23 =	sor.u32 $0x57, s23;
	[tilespmem:v7+s3+$0x0] =	vst.idx.msk $0xffff, v6  }
0x152: {  	p2 =	por p1, p1;
	v6 =	vor.u32 s23, v4;
	v5 =	vld.idx.msk [tilespmem:v5+s30+$0x0], $0xffff  }
.Ltmp7:
0x153: {  	_ = 	snop;
	(pc) =	sbr.rel @p2 .LBB2_13-.Ltmp7, $2  }
0x154: {  	_ =	sdelay $0x2  }
0x155: {  	p1 =	por $0x0, $0x0;
	s23 =	simm.s32 $0x8;
	[tilespmem:v6+s3+$0x0] =	vst.idx.msk $0xffff, v5  }
0x156: {  	s4 =	sadd.s32 @!p0 s5, s18  }
0x157: {  	s4 =	sshrl.u32 @!p0 s4, $0x3  }
0x158: {  	s21 =	simm.s32 @!p0 $0x0;
	s23 =	simm.s32 @!p0 $0xA080;
	s4 =	sadd.s32 @!p0 s1, s4  }
0x159: {  	[tilespmem:s23], [sflag:$0x6] =	stream.linear.gather @!p0 [hbm4b:s4+s21], $0x2000, $0x38;
	[tilespmem:$0x16080] =	vst v63  }
0x15a: {  	_ =	swait.ge [sflag:s11], $0x2000  }
0x15b: {  	[sflag:s11] =	ssyncset.done $0x0  }
0x15c: {  	p1 =	por $0x1, $0x1;
	s23 =	simm.s32 $0x0;
	[sflag:s11] =	ssyncadd.s32 $0xFFFFE000  }
.LBB2_15:
0x15d: {  	v5 =	vmov s23  }
0x15e: {  	v5 =	vshrl.u32 v5, $0x3  }
0x15f: {  	v5 =	vshll.u32 v5, v1  }
0x160: {  	v6 =	vbroadcast v5, $0x0;
	_ =	sdelay $0x1  }
0x161: {  	v6 =	vor.u32 v2, v6;
	_ =	sdelay $0x2  }
0x162: {  	v7 =	vor.u32 $0x80, v5  }
0x163: {  	s4 =	sor.u32 $0x60, s23;
	v7 =	vbroadcast v7, $0x0  }
0x164: {  	v8 =	vor.u32 s4, v4;
	v6 =	vld.idx.msk [tilespmem:v6+s31+$0x0], $0xffff  }
0x165: {  	v7 =	vor.u32 v2, v7;
	_ =	sdelay $0x2  }
0x166: {  	v9 =	vor.u32 $0x100, v5  }
0x167: {  	s21 =	sor.u32 $0x61, s23;
	[tilespmem:v8+s3+$0x0] =	vst.idx.msk $0xffff, v6;
	v6 =	vbroadcast v9, $0x0  }
0x168: {  	v55 =	vor.u32 s21, v4;
	v7 =	vld.idx.msk [tilespmem:v7+s31+$0x0], $0xffff  }
0x169: {  	v6 =	vor.u32 v2, v6;
	_ =	sdelay $0x2  }
0x16a: {  	v56 =	vor.u32 $0x180, v5  }
0x16b: {  	s21 =	sor.u32 $0x62, s23;
	[tilespmem:v55+s3+$0x0] =	vst.idx.msk $0xffff, v7;
	v7 =	vbroadcast v56, $0x0  }
0x16c: {  	v57 =	vor.u32 s21, v4;
	v6 =	vld.idx.msk [tilespmem:v6+s31+$0x0], $0xffff  }
0x16d: {  	v7 =	vor.u32 v3, v7;
	_ =	sdelay $0x2  }
0x16e: {  	v58 =	vor.u32 $0x200, v5  }
0x16f: {  	s21 =	sor.u32 $0x63, s23;
	[tilespmem:v57+s3+$0x0] =	vst.idx.msk $0xffff, v6;
	v6 =	vbroadcast v58, $0x0  }
0x170: {  	v59 =	vor.u32 s21, v4;
	v7 =	vld.idx.msk [tilespmem:v7+s31+$0x0], $0xffff  }
0x171: {  	v6 =	vor.u32 v2, v6;
	_ =	sdelay $0x2  }
0x172: {  	v60 =	vor.u32 $0x280, v5  }
0x173: {  	s21 =	sor.u32 $0x64, s23;
	[tilespmem:v59+s3+$0x0] =	vst.idx.msk $0xffff, v7;
	v7 =	vbroadcast v60, $0x0  }
0x174: {  	v61 =	vor.u32 s21, v4;
	v6 =	vld.idx.msk [tilespmem:v6+s31+$0x0], $0xffff  }
0x175: {  	v7 =	vor.u32 v2, v7;
	_ =	sdelay $0x2  }
0x176: {  	v62 =	vor.u32 $0x300, v5  }
0x177: {  	s21 =	sor.u32 $0x65, s23;
	[tilespmem:v61+s3+$0x0] =	vst.idx.msk $0xffff, v6;
	v6 =	vbroadcast v62, $0x0  }
0x178: {  	v63 =	vor.u32 s21, v4;
	v7 =	vld.idx.msk [tilespmem:v7+s31+$0x0], $0xffff  }
0x179: {  	v6 =	vor.u32 v2, v6;
	_ =	sdelay $0x2  }
0x17a: {  	v5 =	vor.u32 $0x380, v5  }
0x17b: {  	v5 =	vbroadcast v5, $0x0;
	s21 =	sor.u32 $0x66, s23;
	[tilespmem:v63+s3+$0x0] =	vst.idx.msk $0xffff, v7  }
0x17c: {  	v7 =	vor.u32 s21, v4;
	v6 =	vld.idx.msk [tilespmem:v6+s31+$0x0], $0xffff  }
0x17d: {  	v5 =	vor.u32 v3, v5;
	_ =	sdelay $0x3  }
0x17e: {  	s23 =	sor.u32 $0x67, s23;
	[tilespmem:v7+s3+$0x0] =	vst.idx.msk $0xffff, v6  }
0x17f: {  	p2 =	por p1, p1;
	v6 =	vor.u32 s23, v4;
	v5 =	vld.idx.msk [tilespmem:v5+s31+$0x0], $0xffff  }
.Ltmp8:
0x180: {  	_ = 	snop;
	(pc) =	sbr.rel @p2 .LBB2_15-.Ltmp8, $2  }
0x181: {  	_ =	sdelay $0x2  }
0x182: {  	p1 =	por $0x0, $0x0;
	s23 =	simm.s32 $0x8;
	[tilespmem:v6+s3+$0x0] =	vst.idx.msk $0xffff, v5  }
0x183: {  	s4 =	sadd.s32 @!p0 s5, s19  }
0x184: {  	s4 =	sshrl.u32 @!p0 s4, $0x3  }
0x185: {  	s21 =	simm.s32 @!p0 $0x0;
	s23 =	simm.s32 @!p0 $0xC080;
	s4 =	sadd.s32 @!p0 s1, s4  }
0x186: {  	[tilespmem:s23], [sflag:$0x7] =	stream.linear.gather @!p0 [hbm4b:s4+s21], $0x2000, $0x38;
	[tilespmem:$0x16080] =	vst v63  }
0x187: {  	_ =	swait.ge [sflag:s12], $0x2000  }
0x188: {  	[sflag:s12] =	ssyncset.done $0x0  }
0x189: {  	p1 =	por $0x1, $0x1;
	s23 =	simm.s32 $0x0;
	[sflag:s12] =	ssyncadd.s32 $0xFFFFE000  }
.LBB2_17:
0x18a: {  	v5 =	vmov s23  }
0x18b: {  	v5 =	vshrl.u32 v5, $0x3  }
0x18c: {  	v5 =	vshll.u32 v5, v1  }
0x18d: {  	v6 =	vbroadcast v5, $0x0;
	_ =	sdelay $0x1  }
0x18e: {  	v6 =	vor.u32 v2, v6;
	_ =	sdelay $0x2  }
0x18f: {  	v7 =	vor.u32 $0x80, v5  }
0x190: {  	s4 =	sor.u32 $0x70, s23;
	v7 =	vbroadcast v7, $0x0  }
0x191: {  	v8 =	vor.u32 s4, v4;
	v6 =	vld.idx.msk [tilespmem:v6+s2+$0x0], $0xffff  }
0x192: {  	v7 =	vor.u32 v2, v7;
	_ =	sdelay $0x2  }
0x193: {  	v9 =	vor.u32 $0x100, v5  }
0x194: {  	s21 =	sor.u32 $0x71, s23;
	[tilespmem:v8+s3+$0x0] =	vst.idx.msk $0xffff, v6;
	v6 =	vbroadcast v9, $0x0  }
0x195: {  	v55 =	vor.u32 s21, v4;
	v7 =	vld.idx.msk [tilespmem:v7+s2+$0x0], $0xffff  }
0x196: {  	v6 =	vor.u32 v2, v6;
	_ =	sdelay $0x2  }
0x197: {  	v56 =	vor.u32 $0x180, v5  }
0x198: {  	s21 =	sor.u32 $0x72, s23;
	[tilespmem:v55+s3+$0x0] =	vst.idx.msk $0xffff, v7;
	v7 =	vbroadcast v56, $0x0  }
0x199: {  	v57 =	vor.u32 s21, v4;
	v6 =	vld.idx.msk [tilespmem:v6+s2+$0x0], $0xffff  }
0x19a: {  	v7 =	vor.u32 v3, v7;
	_ =	sdelay $0x2  }
0x19b: {  	v58 =	vor.u32 $0x200, v5  }
0x19c: {  	s21 =	sor.u32 $0x73, s23;
	[tilespmem:v57+s3+$0x0] =	vst.idx.msk $0xffff, v6;
	v6 =	vbroadcast v58, $0x0  }
0x19d: {  	v59 =	vor.u32 s21, v4;
	v7 =	vld.idx.msk [tilespmem:v7+s2+$0x0], $0xffff  }
0x19e: {  	v6 =	vor.u32 v2, v6;
	_ =	sdelay $0x2  }
0x19f: {  	v60 =	vor.u32 $0x280, v5  }
0x1a0: {  	s21 =	sor.u32 $0x74, s23;
	[tilespmem:v59+s3+$0x0] =	vst.idx.msk $0xffff, v7;
	v7 =	vbroadcast v60, $0x0  }
0x1a1: {  	v61 =	vor.u32 s21, v4;
	v6 =	vld.idx.msk [tilespmem:v6+s2+$0x0], $0xffff  }
0x1a2: {  	v7 =	vor.u32 v2, v7;
	_ =	sdelay $0x2  }
0x1a3: {  	v62 =	vor.u32 $0x300, v5  }
0x1a4: {  	s21 =	sor.u32 $0x75, s23;
	[tilespmem:v61+s3+$0x0] =	vst.idx.msk $0xffff, v6;
	v6 =	vbroadcast v62, $0x0  }
0x1a5: {  	v63 =	vor.u32 s21, v4;
	v7 =	vld.idx.msk [tilespmem:v7+s2+$0x0], $0xffff  }
0x1a6: {  	v6 =	vor.u32 v2, v6;
	_ =	sdelay $0x2  }
0x1a7: {  	v5 =	vor.u32 $0x380, v5  }
0x1a8: {  	v5 =	vbroadcast v5, $0x0;
	s21 =	sor.u32 $0x76, s23;
	[tilespmem:v63+s3+$0x0] =	vst.idx.msk $0xffff, v7  }
0x1a9: {  	v7 =	vor.u32 s21, v4;
	v6 =	vld.idx.msk [tilespmem:v6+s2+$0x0], $0xffff  }
0x1aa: {  	v5 =	vor.u32 v3, v5;
	_ =	sdelay $0x3  }
0x1ab: {  	s23 =	sor.u32 $0x77, s23;
	[tilespmem:v7+s3+$0x0] =	vst.idx.msk $0xffff, v6  }
0x1ac: {  	p2 =	por p1, p1;
	v6 =	vor.u32 s23, v4;
	v5 =	vld.idx.msk [tilespmem:v5+s2+$0x0], $0xffff  }
.Ltmp9:
0x1ad: {  	_ = 	snop;
	(pc) =	sbr.rel @p2 .LBB2_17-.Ltmp9, $2  }
0x1ae: {  	_ =	sdelay $0x2  }
0x1af: {  	p1 =	por $0x0, $0x0;
	s23 =	simm.s32 $0x8;
	[tilespmem:v6+s3+$0x0] =	vst.idx.msk $0xffff, v5  }
.Ltmp10:
0x1b0: {  	(pc) =	sbr.rel @p0 .LBB2_20-.Ltmp10, $2  }
0x1b1: {  	_ =	sdelay $0x2  }
0x1b2: {  	s21 =	simm.s32 $0x0  }
.Ltmp11:
0x1b3: {  	(pc) =	sbr.rel .LBB2_2-.Ltmp11, $4  }
0x1b4: {  	s4 =	sadd.s32 s5, s20  }
0x1b5: {  	s4 =	sshrl.u32 s4, $0x3  }
0x1b6: {  	s22 =	sadd.s32 $0x1, s22;
	s4 =	sadd.s32 s1, s4  }
0x1b7: {  	[tilespmem:s2], [sflag:$0x8] =	stream.linear.gather [hbm4b:s4+s21], $0x2000, $0x38;
	[tilespmem:$0x16080] =	vst v63  }
.LBB2_21:
0x1b8: {  	_ =	sfence.sel $0x180000  }
0x1b9: {  	[bflag:$0x0] =	sbarrier.arrive $0xFFFF  }
0x1ba: {  	_ =	strace $0x90000047  }
0x1bb: {  	s0 =	stileid.u32;
	[bflag:$0x2] =	sbarrier.arrive $0xFFFF  }
0x1bc: {  	p0 =	sne.s32 s0, $0x0;
	s0 =	rddreg [dreg:$0x3]  }
0x1bd: {  	s0 =	sadd.s32 @!p0 $0x100000, s0  }
0x1be: {  	[sflag:s0] =	ssyncadd.tile.s32 @!p0 $0x1;
	_ =	shalt  }
.Lfunc_end2:
_tile_overlayer_lowered:
.L_overlay_start_2:
0x1bf: {  	(tag) =	ssettag $0x2  }
0x1c0: {  	s0 =	rddreg [dreg:$0x0];
	s2 =	stileid.u32  }
0x1c1: {  	s1 =	rddreg [dreg:$0x1];
	p0 =	sne.s32 s2, $0x0  }
0x1c2: {  	s3 =	rddreg [dreg:$0x2];
	[bflag:$0x3] =	sbarrier.arrive $0xFFFF;
	s2 =	simm.s32 @!p0 $0x1C09  }
0x1c3: {  	[timem:s3], [sflag:s2] =	dma.local @!p0 [hbm:s0], s1  }
0x1c4: {  	s0 =	simm.s32 @!p0 $0x9  }
0x1c5: {  	_ =	swait.ge @!p0 [sflag:s0], s1  }
0x1c6: {  	s1 =	ssub.s32 @!p0 $0x0, s1;
	[sflag:s0] =	ssyncset.done @!p0 $0x0  }
0x1c7: {  	[sflag:s0] =	ssyncadd.s32 @!p0 s1  }
0x1c8: {  	[bflag:$0x3] =	sbarrier.arrive $0xFFFF  }
0x1c9: {  	_ =	shalt  }

</sc_bundles>
